<compile_context>
chip_gen: v7x
topology: tpu7x:2x2x1
jax: 0.10.2.dev20260603
libtpu: 0.0.44.dev20260713+nightly
codegen_flags: <defaults>
</compile_context>

<pallas_src>
import functools

import jax
import jax.numpy as jnp
from jax import lax
from jax.experimental import pallas as pl
from jax.experimental.pallas import tpu as pltpu
from jax.experimental.pallas import tpu_sc as plsc

_VOCAB = 100000
_D = 128
_T = 4
_NL = 2
_TAG = 20
_B = 256
_S = 128

_NC = 2
_NS = 16
_NW = _NC * _NS
_ROWS = _B * _S
_RPW = _ROWS // _NW
_CH = 128
_NCH = _RPW // _CH


_NBUF = 6


def _sc_body(idx_hbm, table_hbm, out_hbm, idx_v, *scratch):
    rows = scratch[:_NBUF]
    gsems = scratch[_NBUF:2 * _NBUF]
    osems = scratch[2 * _NBUF:3 * _NBUF]
    wid = lax.axis_index("s") * _NC + lax.axis_index("c")
    pltpu.sync_copy(idx_hbm.at[pl.ds(wid * _NCH, _NCH)], idx_v)
    gh = [None] * _NBUF
    oh = [None] * _NBUF
    for c in range(min(3, _NCH)):
        gh[c] = pltpu.async_copy(table_hbm.at[idx_v.at[c]], rows[c], gsems[c])
    for c in range(_NCH):
        j = c + 3
        if j < _NCH:
            if j >= _NBUF:
                oh[j % _NBUF].wait()
            gh[j % _NBUF] = pltpu.async_copy(
                table_hbm.at[idx_v.at[j]], rows[j % _NBUF], gsems[j % _NBUF])
        gh[c % _NBUF].wait()
        oh[c % _NBUF] = pltpu.async_copy(
            rows[c % _NBUF], out_hbm.at[wid * _NCH + c], osems[c % _NBUF])
    for k in range(max(0, _NCH - _NBUF), _NCH):
        oh[k % _NBUF].wait()


@functools.lru_cache(maxsize=1)
def _make_emb_gather():
    return pl.kernel(
        _sc_body,
        out_type=jax.ShapeDtypeStruct((_B, _S, _D), jnp.float32),
        mesh=plsc.VectorSubcoreMesh(core_axis_name="c", subcore_axis_name="s"),
        scratch_types=(
            [pltpu.VMEM((_NCH, _CH), jnp.int32)]
            + [pltpu.VMEM((_CH, _D), jnp.float32) for _ in range(_NBUF)]
            + [pltpu.SemaphoreType.DMA for _ in range(2 * _NBUF)]
        ),
    )


_BE = 32
_OW = 32


def _sel_t(idx_row, sub):
    return (jnp.broadcast_to(idx_row, (_S, _S)) == sub).astype(jnp.float32)


def _gather_rows(idx_row, x, sub):
    pt = _sel_t(idx_row, sub)
    return lax.dot_general(pt, x, (((0,), (0,)), ((), ())))


def _tc_body(emb_ref, adj_ref, n2s_ref, s2n_ref, ws_ref, wg_ref, wt_ref, out_ref):
    sub = lax.broadcasted_iota(jnp.int32, (_S, _S), 0)
    ws = ws_ref[...]
    wt = wt_ref[...]
    emb_all = emb_ref[...].reshape(_BE * _S, _D)
    states_all = jax.nn.relu(jnp.dot(emb_all, ws))
    nodes = []
    for e in range(_BE):
        nodes.append(_gather_rows(n2s_ref[pl.ds(e, 1), :],
                                  states_all[e * _S:(e + 1) * _S], sub))
    node_all = jnp.concatenate(nodes, axis=0)
    for l in range(_NL):
        msgs = [jnp.dot(node_all, wg_ref[l * _T + t]) for t in range(_T)]
        aggs = []
        for e in range(_BE):
            r = jnp.concatenate([m[e * _S:(e + 1) * _S] for m in msgs], axis=0)
            aggs.append(jnp.dot(adj_ref[e], r))
        node_all = jax.nn.relu(node_all + jnp.concatenate(aggs, axis=0))
    seqs = []
    for e in range(_BE):
        seqs.append(_gather_rows(s2n_ref[pl.ds(e, 1), :],
                                 node_all[e * _S:(e + 1) * _S], sub))
    seq_all = jnp.concatenate(seqs, axis=0)
    logits_t = lax.dot_general(wt, seq_all, (((0,), (1,)), ((), ())))
    lt = logits_t[:_TAG]
    m_t = jnp.max(lt, axis=0, keepdims=True)
    s_t = jnp.sum(jnp.exp(lt - m_t), axis=0, keepdims=True)
    lse_t = m_t + jnp.log(s_t)
    out_t = logits_t[:_OW] - lse_t
    out_ref[...] = lax.transpose(out_t, (1, 0)).reshape(_BE, _S, _OW)


def kernel(wordSeqTensor, seq2NodeTensor, node2SeqTensor, adjMatrixTensor,
           emb_table, W_state, Wg, W_tag):
    idx = wordSeqTensor.astype(jnp.int32)
    emb_seq = _make_emb_gather()(idx, emb_table)

    n2s = node2SeqTensor.astype(jnp.int32).reshape(_B, _S)
    s2n = seq2NodeTensor.astype(jnp.int32).reshape(_B, _S)
    wg_flat = Wg.reshape(_NL * _T, _D, _D)
    wt_pad = jnp.pad(W_tag, ((0, 0), (0, _S - _TAG)))

    wide = pl.pallas_call(
        _tc_body,
        grid=(_B // _BE,),
        in_specs=[
            pl.BlockSpec((_BE, _S, _D), lambda i: (i, 0, 0)),
            pl.BlockSpec((_BE, _S, _T * _S), lambda i: (i, 0, 0)),
            pl.BlockSpec((_BE, _S), lambda i: (i, 0)),
            pl.BlockSpec((_BE, _S), lambda i: (i, 0)),
            pl.BlockSpec((_D, _D), lambda i: (0, 0)),
            pl.BlockSpec((_NL * _T, _D, _D), lambda i: (0, 0, 0)),
            pl.BlockSpec((_D, _S), lambda i: (0, 0)),
        ],
        out_specs=pl.BlockSpec((_BE, _S, _OW), lambda i: (i, 0, 0)),
        out_shape=jax.ShapeDtypeStruct((_B, _S, _OW), jnp.float32),
    )(emb_seq, adjMatrixTensor, n2s, s2n, W_state, wg_flat, wt_pad)
    return wide[:, :, :_TAG]

# --- scband reference (transcript-rebuilt; emitter-appended) ---
"""Pipeline reference for scband-graph-emb-crf-21534966022366 (READ-ONLY COPY).

The authoritative reference and input builder live on the scoring server;
editing this copy changes nothing except your own understanding.
"""

import jax, jax.numpy as jnp
import numpy as np

VOCAB = 100000
D = 128
EDGE_TYPES = 4
N_LAYER = 2
TAG_SIZE = 20
B = 256
S = 128


def setup_inputs(seed: int = 0) -> dict:
    key = jax.random.key(seed)
    ks = jax.random.split(key, 10)
    wordSeqTensor = jax.random.randint(ks[0], (B, S), 0, VOCAB, dtype=jnp.int64)
    seq2NodeTensor = jax.random.randint(ks[1], (B, S, 1), 0, S, dtype=jnp.int64)
    node2SeqTensor = jax.random.randint(ks[2], (B, S, 1), 0, S, dtype=jnp.int64)
    adjMatrixTensor = jax.random.uniform(ks[3], (B, S, S * EDGE_TYPES), dtype=jnp.float32)
    # learned parameters
    emb_table = jax.random.normal(ks[4], (VOCAB, D), dtype=jnp.float32) * 0.02
    W_state = jax.random.normal(ks[5], (D, D), dtype=jnp.float32) * (1.0 / np.sqrt(D))
    Wg = jax.random.normal(ks[6], (N_LAYER, EDGE_TYPES, D, D), dtype=jnp.float32) * (1.0 / np.sqrt(D))
    W_tag = jax.random.normal(ks[7], (D, TAG_SIZE), dtype=jnp.float32) * (1.0 / np.sqrt(D))
    return {
        "wordSeqTensor": wordSeqTensor,
        "seq2NodeTensor": seq2NodeTensor,
        "node2SeqTensor": node2SeqTensor,
        "adjMatrixTensor": adjMatrixTensor,
        "emb_table": emb_table,
        "W_state": W_state,
        "Wg": Wg,
        "W_tag": W_tag,
    }


def reference(wordSeqTensor, seq2NodeTensor, node2SeqTensor, adjMatrixTensor,
              emb_table, W_state, Wg, W_tag):
    N = adjMatrixTensor.shape[1]
    T = adjMatrixTensor.shape[2] // N
    # word embedding lookup (memory-bound gather)
    emb = jnp.take(emb_table, wordSeqTensor, axis=0)  # [B, S, D]
    # embStateLinear + relu
    states = jax.nn.relu(jnp.einsum('bsd,de->bse', emb, W_state))  # [B, S, D]
    # gather sequence positions into graph-node order (node2Seq)
    node = jnp.take_along_axis(states, node2SeqTensor, axis=1)  # [B, N, D]
    # n_layer graph embedding layers: typed dense-adjacency message passing
    for l in range(Wg.shape[0]):
        agg = node
        for t in range(T):
            adj_t = adjMatrixTensor[:, :, t * N:(t + 1) * N]  # [B, N, N]
            msg = jnp.einsum('bnd,de->bne', node, Wg[l, t])
            agg = agg + jnp.einsum('bij,bjd->bid', adj_t, msg)
        node = jax.nn.relu(agg)
    # gather node states back to sequence order (seq2Node)
    seq_states = jnp.take_along_axis(node, seq2NodeTensor, axis=1)  # [B, S, D]
    # embFeatureLinear -> tag emissions, then logsoftmax(dim=2)
    logits = jnp.einsum('bsd,dt->bst', seq_states, W_tag)  # [B, S, TAG]
    return jax.nn.log_softmax(logits, axis=2)

if __name__ == "__main__":
    import jax
    _d = setup_inputs()
    print(jax.jit(kernel)(*tuple(_d.values())))

</pallas_src>

<mosaic_0001>
#map = affine_map<(d0, d1) -> (0, 0)>
#map1 = affine_map<(d0, d1) -> (0, 0, 0)>
module attributes {stable_mosaic.version = 14 : i64} {
  func.func @_sc_body(%arg0: i32, %arg1: i32, %arg2: memref<256x128xi32, #tpu.memory_space<hbm>>, %arg3: memref<100000x128xf32, #tpu.memory_space<hbm>>, %arg4: memref<256x128x128xf32, #tpu.memory_space<hbm>>, %arg5: memref<8x128xi32, #tpu.memory_space<vmem>>, %arg6: memref<128x128xf32, #tpu.memory_space<vmem>>, %arg7: memref<128x128xf32, #tpu.memory_space<vmem>>, %arg8: memref<128x128xf32, #tpu.memory_space<vmem>>, %arg9: memref<128x128xf32, #tpu.memory_space<vmem>>, %arg10: memref<128x128xf32, #tpu.memory_space<vmem>>, %arg11: memref<128x128xf32, #tpu.memory_space<vmem>>, %arg12: memref<!tpu.dma_semaphore, #tpu.memory_space<semaphore_mem>>, %arg13: memref<!tpu.dma_semaphore, #tpu.memory_space<semaphore_mem>>, %arg14: memref<!tpu.dma_semaphore, #tpu.memory_space<semaphore_mem>>, %arg15: memref<!tpu.dma_semaphore, #tpu.memory_space<semaphore_mem>>, %arg16: memref<!tpu.dma_semaphore, #tpu.memory_space<semaphore_mem>>, %arg17: memref<!tpu.dma_semaphore, #tpu.memory_space<semaphore_mem>>, %arg18: memref<!tpu.dma_semaphore, #tpu.memory_space<semaphore_mem>>, %arg19: memref<!tpu.dma_semaphore, #tpu.memory_space<semaphore_mem>>, %arg20: memref<!tpu.dma_semaphore, #tpu.memory_space<semaphore_mem>>, %arg21: memref<!tpu.dma_semaphore, #tpu.memory_space<semaphore_mem>>, %arg22: memref<!tpu.dma_semaphore, #tpu.memory_space<semaphore_mem>>, %arg23: memref<!tpu.dma_semaphore, #tpu.memory_space<semaphore_mem>>) attributes {dimension_semantics = [#tpu.dimension_semantics<core_parallel>, #tpu.dimension_semantics<subcore_parallel>], iteration_bounds = array<i64: 2, 16>, scalar_prefetch = 0 : i64, scratch_operands = 19 : i64, tpu.core_type = #tpu.core_type<sc_vector_subcore>, window_params = [{transform_indices = #map}, {transform_indices = #map}, {transform_indices = #map1}]} {
    %mul3A = arith.constant 2 : i32
    %mul3A_0 = arith.muli %arg1, %mul3A : i32
    %add3A = arith.addi %mul3A_0, %arg0 : i32
    %mul3A_1 = arith.constant 8 : i32
    %mul3A_2 = arith.muli %add3A, %mul3A_1 : i32
    "tpu.region"() ({
      %run_scoped3A = tpu.sem_alloc : memref<!tpu.dma_semaphore, #tpu.memory_space<semaphore_mem>>
      %dma_start3A_273 = arith.constant 0 : i32
      %dma_start3A_274 = tpu.memref_slice %arg2[%mul3A_2, %dma_start3A_273] : memref<256x128xi32, #tpu.memory_space<hbm>> -> memref<8x128xi32, #tpu.memory_space<hbm>>
      %dma_start3A_275 = arith.constant 0 : i32
      %dma_start3A_276 = tpu.memref_slice %arg2[%mul3A_2, %dma_start3A_275] : memref<256x128xi32, #tpu.memory_space<hbm>> -> memref<8x128xi32, #tpu.memory_space<hbm>>
      tpu.enqueue_dma source(%dma_start3A_276 : memref<8x128xi32, #tpu.memory_space<hbm>>) target(%arg5 : memref<8x128xi32, #tpu.memory_space<vmem>>) target_semaphore(%run_scoped3A : memref<!tpu.dma_semaphore, #tpu.memory_space<semaphore_mem>>)
      %dma_wait3A_277 = arith.constant 0 : i32
      %dma_wait3A_278 = tpu.memref_slice %arg2[%mul3A_2, %dma_wait3A_277] : memref<256x128xi32, #tpu.memory_space<hbm>> -> memref<8x128xi32, #tpu.memory_space<hbm>>
      %dma_wait3A_279 = arith.constant 0 : i32
      %dma_wait3A_280 = tpu.memref_slice %arg2[%mul3A_2, %dma_wait3A_279] : memref<256x128xi32, #tpu.memory_space<hbm>> -> memref<8x128xi32, #tpu.memory_space<hbm>>
      tpu.wait_dma2 semaphore(%run_scoped3A : memref<!tpu.dma_semaphore, #tpu.memory_space<semaphore_mem>>) src(%dma_wait3A_280 : memref<8x128xi32, #tpu.memory_space<hbm>>) dst(%arg5 : memref<8x128xi32, #tpu.memory_space<vmem>>)
      tpu.yield
    }) : () -> ()
    %dma_start3A = arith.constant 0 : i32
    %dma_start3A_3 = arith.constant 0 : i32
    %dma_start3A_4 = tpu.memref_slice %arg5[%dma_start3A, %dma_start3A_3] : memref<8x128xi32, #tpu.memory_space<vmem>> -> memref<1x128xi32, #tpu.memory_space<vmem>>
    %dma_start3A_5 = tpu.memref_squeeze %dma_start3A_4 : memref<1x128xi32, #tpu.memory_space<vmem>> -> memref<128xi32, #tpu.memory_space<vmem>>
    %dma_start3A_6 = arith.constant 0 : i32
    %dma_start3A_7 = arith.constant 0 : i32
    %dma_start3A_8 = tpu.memref_slice %arg3[%dma_start3A_6, %dma_start3A_7] : memref<100000x128xf32, #tpu.memory_space<hbm>> -> memref<100000x128xf32, #tpu.memory_space<hbm>>
    tpu.enqueue_indirect_dma source(%dma_start3A_8 : memref<100000x128xf32, #tpu.memory_space<hbm>>) target(%arg6 : memref<128x128xf32, #tpu.memory_space<vmem>>) offsets(%dma_start3A_5 : memref<128xi32, #tpu.memory_space<vmem>>) semaphore(%arg12 : memref<!tpu.dma_semaphore, #tpu.memory_space<semaphore_mem>>)
    %dma_start3A_9 = arith.constant 1 : i32
    %dma_start3A_10 = arith.constant 0 : i32
    %dma_start3A_11 = tpu.memref_slice %arg5[%dma_start3A_9, %dma_start3A_10] : memref<8x128xi32, #tpu.memory_space<vmem>> -> memref<1x128xi32, #tpu.memory_space<vmem>>
    %dma_start3A_12 = tpu.memref_squeeze %dma_start3A_11 : memref<1x128xi32, #tpu.memory_space<vmem>> -> memref<128xi32, #tpu.memory_space<vmem>>
    %dma_start3A_13 = arith.constant 0 : i32
    %dma_start3A_14 = arith.constant 0 : i32
    %dma_start3A_15 = tpu.memref_slice %arg3[%dma_start3A_13, %dma_start3A_14] : memref<100000x128xf32, #tpu.memory_space<hbm>> -> memref<100000x128xf32, #tpu.memory_space<hbm>>
    tpu.enqueue_indirect_dma source(%dma_start3A_15 : memref<100000x128xf32, #tpu.memory_space<hbm>>) target(%arg7 : memref<128x128xf32, #tpu.memory_space<vmem>>) offsets(%dma_start3A_12 : memref<128xi32, #tpu.memory_space<vmem>>) semaphore(%arg13 : memref<!tpu.dma_semaphore, #tpu.memory_space<semaphore_mem>>)
    %dma_start3A_16 = arith.constant 2 : i32
    %dma_start3A_17 = arith.constant 0 : i32
    %dma_start3A_18 = tpu.memref_slice %arg5[%dma_start3A_16, %dma_start3A_17] : memref<8x128xi32, #tpu.memory_space<vmem>> -> memref<1x128xi32, #tpu.memory_space<vmem>>
    %dma_start3A_19 = tpu.memref_squeeze %dma_start3A_18 : memref<1x128xi32, #tpu.memory_space<vmem>> -> memref<128xi32, #tpu.memory_space<vmem>>
    %dma_start3A_20 = arith.constant 0 : i32
    %dma_start3A_21 = arith.constant 0 : i32
    %dma_start3A_22 = tpu.memref_slice %arg3[%dma_start3A_20, %dma_start3A_21] : memref<100000x128xf32, #tpu.memory_space<hbm>> -> memref<100000x128xf32, #tpu.memory_space<hbm>>
    tpu.enqueue_indirect_dma source(%dma_start3A_22 : memref<100000x128xf32, #tpu.memory_space<hbm>>) target(%arg8 : memref<128x128xf32, #tpu.memory_space<vmem>>) offsets(%dma_start3A_19 : memref<128xi32, #tpu.memory_space<vmem>>) semaphore(%arg14 : memref<!tpu.dma_semaphore, #tpu.memory_space<semaphore_mem>>)
    %dma_start3A_23 = arith.constant 3 : i32
    %dma_start3A_24 = arith.constant 0 : i32
    %dma_start3A_25 = tpu.memref_slice %arg5[%dma_start3A_23, %dma_start3A_24] : memref<8x128xi32, #tpu.memory_space<vmem>> -> memref<1x128xi32, #tpu.memory_space<vmem>>
    %dma_start3A_26 = tpu.memref_squeeze %dma_start3A_25 : memref<1x128xi32, #tpu.memory_space<vmem>> -> memref<128xi32, #tpu.memory_space<vmem>>
    %dma_start3A_27 = arith.constant 0 : i32
    %dma_start3A_28 = arith.constant 0 : i32
    %dma_start3A_29 = tpu.memref_slice %arg3[%dma_start3A_27, %dma_start3A_28] : memref<100000x128xf32, #tpu.memory_space<hbm>> -> memref<100000x128xf32, #tpu.memory_space<hbm>>
    tpu.enqueue_indirect_dma source(%dma_start3A_29 : memref<100000x128xf32, #tpu.memory_space<hbm>>) target(%arg9 : memref<128x128xf32, #tpu.memory_space<vmem>>) offsets(%dma_start3A_26 : memref<128xi32, #tpu.memory_space<vmem>>) semaphore(%arg15 : memref<!tpu.dma_semaphore, #tpu.memory_space<semaphore_mem>>)
    %dma_wait3A = arith.constant 0 : i32
    %dma_wait3A_30 = arith.constant 0 : i32
    %dma_wait3A_31 = tpu.memref_slice %arg5[%dma_wait3A, %dma_wait3A_30] : memref<8x128xi32, #tpu.memory_space<vmem>> -> memref<1x128xi32, #tpu.memory_space<vmem>>
    %dma_wait3A_32 = tpu.memref_squeeze %dma_wait3A_31 : memref<1x128xi32, #tpu.memory_space<vmem>> -> memref<128xi32, #tpu.memory_space<vmem>>
    %dma_wait3A_33 = arith.constant 0 : i32
    %dma_wait3A_34 = arith.constant 0 : i32
    %dma_wait3A_35 = tpu.memref_slice %arg3[%dma_wait3A_33, %dma_wait3A_34] : memref<100000x128xf32, #tpu.memory_space<hbm>> -> memref<100000x128xf32, #tpu.memory_space<hbm>>
    tpu.wait_indirect_dma semaphore(%arg12 : memref<!tpu.dma_semaphore, #tpu.memory_space<semaphore_mem>>) src(%dma_wait3A_35 : memref<100000x128xf32, #tpu.memory_space<hbm>>) dst(%arg6 : memref<128x128xf32, #tpu.memory_space<vmem>>)
    %mul3A_36 = arith.constant 8 : i32
    %mul3A_37 = arith.muli %add3A, %mul3A_36 : i32
    %add3A_38 = arith.constant 0 : i32
    %add3A_39 = arith.addi %mul3A_37, %add3A_38 : i32
    %dma_start3A_40 = arith.constant 0 : i32
    %dma_start3A_41 = arith.constant 0 : i32
    %dma_start3A_42 = tpu.memref_slice %arg4[%add3A_39, %dma_start3A_40, %dma_start3A_41] : memref<256x128x128xf32, #tpu.memory_space<hbm>> -> memref<1x128x128xf32, #tpu.memory_space<hbm>>
    %dma_start3A_43 = tpu.memref_squeeze %dma_start3A_42 : memref<1x128x128xf32, #tpu.memory_space<hbm>> -> memref<128x128xf32, #tpu.memory_space<hbm>>
    %dma_start3A_44 = arith.constant 0 : i32
    %dma_start3A_45 = arith.constant 0 : i32
    %dma_start3A_46 = tpu.memref_slice %arg4[%add3A_39, %dma_start3A_44, %dma_start3A_45] : memref<256x128x128xf32, #tpu.memory_space<hbm>> -> memref<1x128x128xf32, #tpu.memory_space<hbm>>
    %dma_start3A_47 = tpu.memref_squeeze %dma_start3A_46 : memref<1x128x128xf32, #tpu.memory_space<hbm>> -> memref<128x128xf32, #tpu.memory_space<hbm>>
    tpu.enqueue_dma source(%arg6 : memref<128x128xf32, #tpu.memory_space<vmem>>) target(%dma_start3A_47 : memref<128x128xf32, #tpu.memory_space<hbm>>) target_semaphore(%arg18 : memref<!tpu.dma_semaphore, #tpu.memory_space<semaphore_mem>>)
    %dma_start3A_48 = arith.constant 4 : i32
    %dma_start3A_49 = arith.constant 0 : i32
    %dma_start3A_50 = tpu.memref_slice %arg5[%dma_start3A_48, %dma_start3A_49] : memref<8x128xi32, #tpu.memory_space<vmem>> -> memref<1x128xi32, #tpu.memory_space<vmem>>
    %dma_start3A_51 = tpu.memref_squeeze %dma_start3A_50 : memref<1x128xi32, #tpu.memory_space<vmem>> -> memref<128xi32, #tpu.memory_space<vmem>>
    %dma_start3A_52 = arith.constant 0 : i32
    %dma_start3A_53 = arith.constant 0 : i32
    %dma_start3A_54 = tpu.memref_slice %arg3[%dma_start3A_52, %dma_start3A_53] : memref<100000x128xf32, #tpu.memory_space<hbm>> -> memref<100000x128xf32, #tpu.memory_space<hbm>>
    tpu.enqueue_indirect_dma source(%dma_start3A_54 : memref<100000x128xf32, #tpu.memory_space<hbm>>) target(%arg10 : memref<128x128xf32, #tpu.memory_space<vmem>>) offsets(%dma_start3A_51 : memref<128xi32, #tpu.memory_space<vmem>>) semaphore(%arg16 : memref<!tpu.dma_semaphore, #tpu.memory_space<semaphore_mem>>)
    %dma_wait3A_55 = arith.constant 1 : i32
    %dma_wait3A_56 = arith.constant 0 : i32
    %dma_wait3A_57 = tpu.memref_slice %arg5[%dma_wait3A_55, %dma_wait3A_56] : memref<8x128xi32, #tpu.memory_space<vmem>> -> memref<1x128xi32, #tpu.memory_space<vmem>>
    %dma_wait3A_58 = tpu.memref_squeeze %dma_wait3A_57 : memref<1x128xi32, #tpu.memory_space<vmem>> -> memref<128xi32, #tpu.memory_space<vmem>>
    %dma_wait3A_59 = arith.constant 0 : i32
    %dma_wait3A_60 = arith.constant 0 : i32
    %dma_wait3A_61 = tpu.memref_slice %arg3[%dma_wait3A_59, %dma_wait3A_60] : memref<100000x128xf32, #tpu.memory_space<hbm>> -> memref<100000x128xf32, #tpu.memory_space<hbm>>
    tpu.wait_indirect_dma semaphore(%arg13 : memref<!tpu.dma_semaphore, #tpu.memory_space<semaphore_mem>>) src(%dma_wait3A_61 : memref<100000x128xf32, #tpu.memory_space<hbm>>) dst(%arg7 : memref<128x128xf32, #tpu.memory_space<vmem>>)
    %mul3A_62 = arith.constant 8 : i32
    %mul3A_63 = arith.muli %add3A, %mul3A_62 : i32
    %add3A_64 = arith.constant 1 : i32
    %add3A_65 = arith.addi %mul3A_63, %add3A_64 : i32
    %dma_start3A_66 = arith.constant 0 : i32
    %dma_start3A_67 = arith.constant 0 : i32
    %dma_start3A_68 = tpu.memref_slice %arg4[%add3A_65, %dma_start3A_66, %dma_start3A_67] : memref<256x128x128xf32, #tpu.memory_space<hbm>> -> memref<1x128x128xf32, #tpu.memory_space<hbm>>
    %dma_start3A_69 = tpu.memref_squeeze %dma_start3A_68 : memref<1x128x128xf32, #tpu.memory_space<hbm>> -> memref<128x128xf32, #tpu.memory_space<hbm>>
    %dma_start3A_70 = arith.constant 0 : i32
    %dma_start3A_71 = arith.constant 0 : i32
    %dma_start3A_72 = tpu.memref_slice %arg4[%add3A_65, %dma_start3A_70, %dma_start3A_71] : memref<256x128x128xf32, #tpu.memory_space<hbm>> -> memref<1x128x128xf32, #tpu.memory_space<hbm>>
    %dma_start3A_73 = tpu.memref_squeeze %dma_start3A_72 : memref<1x128x128xf32, #tpu.memory_space<hbm>> -> memref<128x128xf32, #tpu.memory_space<hbm>>
    tpu.enqueue_dma source(%arg7 : memref<128x128xf32, #tpu.memory_space<vmem>>) target(%dma_start3A_73 : memref<128x128xf32, #tpu.memory_space<hbm>>) target_semaphore(%arg19 : memref<!tpu.dma_semaphore, #tpu.memory_space<semaphore_mem>>)
    %dma_start3A_74 = arith.constant 5 : i32
    %dma_start3A_75 = arith.constant 0 : i32
    %dma_start3A_76 = tpu.memref_slice %arg5[%dma_start3A_74, %dma_start3A_75] : memref<8x128xi32, #tpu.memory_space<vmem>> -> memref<1x128xi32, #tpu.memory_space<vmem>>
    %dma_start3A_77 = tpu.memref_squeeze %dma_start3A_76 : memref<1x128xi32, #tpu.memory_space<vmem>> -> memref<128xi32, #tpu.memory_space<vmem>>
    %dma_start3A_78 = arith.constant 0 : i32
    %dma_start3A_79 = arith.constant 0 : i32
    %dma_start3A_80 = tpu.memref_slice %arg3[%dma_start3A_78, %dma_start3A_79] : memref<100000x128xf32, #tpu.memory_space<hbm>> -> memref<100000x128xf32, #tpu.memory_space<hbm>>
    tpu.enqueue_indirect_dma source(%dma_start3A_80 : memref<100000x128xf32, #tpu.memory_space<hbm>>) target(%arg11 : memref<128x128xf32, #tpu.memory_space<vmem>>) offsets(%dma_start3A_77 : memref<128xi32, #tpu.memory_space<vmem>>) semaphore(%arg17 : memref<!tpu.dma_semaphore, #tpu.memory_space<semaphore_mem>>)
    %dma_wait3A_81 = arith.constant 2 : i32
    %dma_wait3A_82 = arith.constant 0 : i32
    %dma_wait3A_83 = tpu.memref_slice %arg5[%dma_wait3A_81, %dma_wait3A_82] : memref<8x128xi32, #tpu.memory_space<vmem>> -> memref<1x128xi32, #tpu.memory_space<vmem>>
    %dma_wait3A_84 = tpu.memref_squeeze %dma_wait3A_83 : memref<1x128xi32, #tpu.memory_space<vmem>> -> memref<128xi32, #tpu.memory_space<vmem>>
    %dma_wait3A_85 = arith.constant 0 : i32
    %dma_wait3A_86 = arith.constant 0 : i32
    %dma_wait3A_87 = tpu.memref_slice %arg3[%dma_wait3A_85, %dma_wait3A_86] : memref<100000x128xf32, #tpu.memory_space<hbm>> -> memref<100000x128xf32, #tpu.memory_space<hbm>>
    tpu.wait_indirect_dma semaphore(%arg14 : memref<!tpu.dma_semaphore, #tpu.memory_space<semaphore_mem>>) src(%dma_wait3A_87 : memref<100000x128xf32, #tpu.memory_space<hbm>>) dst(%arg8 : memref<128x128xf32, #tpu.memory_space<vmem>>)
    %mul3A_88 = arith.constant 8 : i32
    %mul3A_89 = arith.muli %add3A, %mul3A_88 : i32
    %add3A_90 = arith.constant 2 : i32
    %add3A_91 = arith.addi %mul3A_89, %add3A_90 : i32
    %dma_start3A_92 = arith.constant 0 : i32
    %dma_start3A_93 = arith.constant 0 : i32
    %dma_start3A_94 = tpu.memref_slice %arg4[%add3A_91, %dma_start3A_92, %dma_start3A_93] : memref<256x128x128xf32, #tpu.memory_space<hbm>> -> memref<1x128x128xf32, #tpu.memory_space<hbm>>
    %dma_start3A_95 = tpu.memref_squeeze %dma_start3A_94 : memref<1x128x128xf32, #tpu.memory_space<hbm>> -> memref<128x128xf32, #tpu.memory_space<hbm>>
    %dma_start3A_96 = arith.constant 0 : i32
    %dma_start3A_97 = arith.constant 0 : i32
    %dma_start3A_98 = tpu.memref_slice %arg4[%add3A_91, %dma_start3A_96, %dma_start3A_97] : memref<256x128x128xf32, #tpu.memory_space<hbm>> -> memref<1x128x128xf32, #tpu.memory_space<hbm>>
    %dma_start3A_99 = tpu.memref_squeeze %dma_start3A_98 : memref<1x128x128xf32, #tpu.memory_space<hbm>> -> memref<128x128xf32, #tpu.memory_space<hbm>>
    tpu.enqueue_dma source(%arg8 : memref<128x128xf32, #tpu.memory_space<vmem>>) target(%dma_start3A_99 : memref<128x128xf32, #tpu.memory_space<hbm>>) target_semaphore(%arg20 : memref<!tpu.dma_semaphore, #tpu.memory_space<semaphore_mem>>)
    %dma_wait3A_100 = arith.constant 0 : i32
    %dma_wait3A_101 = arith.constant 0 : i32
    %dma_wait3A_102 = tpu.memref_slice %arg4[%add3A_39, %dma_wait3A_100, %dma_wait3A_101] : memref<256x128x128xf32, #tpu.memory_space<hbm>> -> memref<1x128x128xf32, #tpu.memory_space<hbm>>
    %dma_wait3A_103 = tpu.memref_squeeze %dma_wait3A_102 : memref<1x128x128xf32, #tpu.memory_space<hbm>> -> memref<128x128xf32, #tpu.memory_space<hbm>>
    %dma_wait3A_104 = arith.constant 0 : i32
    %dma_wait3A_105 = arith.constant 0 : i32
    %dma_wait3A_106 = tpu.memref_slice %arg4[%add3A_39, %dma_wait3A_104, %dma_wait3A_105] : memref<256x128x128xf32, #tpu.memory_space<hbm>> -> memref<1x128x128xf32, #tpu.memory_space<hbm>>
    %dma_wait3A_107 = tpu.memref_squeeze %dma_wait3A_106 : memref<1x128x128xf32, #tpu.memory_space<hbm>> -> memref<128x128xf32, #tpu.memory_space<hbm>>
    tpu.wait_dma2 semaphore(%arg18 : memref<!tpu.dma_semaphore, #tpu.memory_space<semaphore_mem>>) src(%arg6 : memref<128x128xf32, #tpu.memory_space<vmem>>) dst(%dma_wait3A_107 : memref<128x128xf32, #tpu.memory_space<hbm>>)
    %dma_start3A_108 = arith.constant 6 : i32
    %dma_start3A_109 = arith.constant 0 : i32
    %dma_start3A_110 = tpu.memref_slice %arg5[%dma_start3A_108, %dma_start3A_109] : memref<8x128xi32, #tpu.memory_space<vmem>> -> memref<1x128xi32, #tpu.memory_space<vmem>>
    %dma_start3A_111 = tpu.memref_squeeze %dma_start3A_110 : memref<1x128xi32, #tpu.memory_space<vmem>> -> memref<128xi32, #tpu.memory_space<vmem>>
    %dma_start3A_112 = arith.constant 0 : i32
    %dma_start3A_113 = arith.constant 0 : i32
    %dma_start3A_114 = tpu.memref_slice %arg3[%dma_start3A_112, %dma_start3A_113] : memref<100000x128xf32, #tpu.memory_space<hbm>> -> memref<100000x128xf32, #tpu.memory_space<hbm>>
    tpu.enqueue_indirect_dma source(%dma_start3A_114 : memref<100000x128xf32, #tpu.memory_space<hbm>>) target(%arg6 : memref<128x128xf32, #tpu.memory_space<vmem>>) offsets(%dma_start3A_111 : memref<128xi32, #tpu.memory_space<vmem>>) semaphore(%arg12 : memref<!tpu.dma_semaphore, #tpu.memory_space<semaphore_mem>>)
    %dma_wait3A_115 = arith.constant 3 : i32
    %dma_wait3A_116 = arith.constant 0 : i32
    %dma_wait3A_117 = tpu.memref_slice %arg5[%dma_wait3A_115, %dma_wait3A_116] : memref<8x128xi32, #tpu.memory_space<vmem>> -> memref<1x128xi32, #tpu.memory_space<vmem>>
    %dma_wait3A_118 = tpu.memref_squeeze %dma_wait3A_117 : memref<1x128xi32, #tpu.memory_space<vmem>> -> memref<128xi32, #tpu.memory_space<vmem>>
    %dma_wait3A_119 = arith.constant 0 : i32
    %dma_wait3A_120 = arith.constant 0 : i32
    %dma_wait3A_121 = tpu.memref_slice %arg3[%dma_wait3A_119, %dma_wait3A_120] : memref<100000x128xf32, #tpu.memory_space<hbm>> -> memref<100000x128xf32, #tpu.memory_space<hbm>>
    tpu.wait_indirect_dma semaphore(%arg15 : memref<!tpu.dma_semaphore, #tpu.memory_space<semaphore_mem>>) src(%dma_wait3A_121 : memref<100000x128xf32, #tpu.memory_space<hbm>>) dst(%arg9 : memref<128x128xf32, #tpu.memory_space<vmem>>)
    %mul3A_122 = arith.constant 8 : i32
    %mul3A_123 = arith.muli %add3A, %mul3A_122 : i32
    %add3A_124 = arith.constant 3 : i32
    %add3A_125 = arith.addi %mul3A_123, %add3A_124 : i32
    %dma_start3A_126 = arith.constant 0 : i32
    %dma_start3A_127 = arith.constant 0 : i32
    %dma_start3A_128 = tpu.memref_slice %arg4[%add3A_125, %dma_start3A_126, %dma_start3A_127] : memref<256x128x128xf32, #tpu.memory_space<hbm>> -> memref<1x128x128xf32, #tpu.memory_space<hbm>>
    %dma_start3A_129 = tpu.memref_squeeze %dma_start3A_128 : memref<1x128x128xf32, #tpu.memory_space<hbm>> -> memref<128x128xf32, #tpu.memory_space<hbm>>
    %dma_start3A_130 = arith.constant 0 : i32
    %dma_start3A_131 = arith.constant 0 : i32
    %dma_start3A_132 = tpu.memref_slice %arg4[%add3A_125, %dma_start3A_130, %dma_start3A_131] : memref<256x128x128xf32, #tpu.memory_space<hbm>> -> memref<1x128x128xf32, #tpu.memory_space<hbm>>
    %dma_start3A_133 = tpu.memref_squeeze %dma_start3A_132 : memref<1x128x128xf32, #tpu.memory_space<hbm>> -> memref<128x128xf32, #tpu.memory_space<hbm>>
    tpu.enqueue_dma source(%arg9 : memref<128x128xf32, #tpu.memory_space<vmem>>) target(%dma_start3A_133 : memref<128x128xf32, #tpu.memory_space<hbm>>) target_semaphore(%arg21 : memref<!tpu.dma_semaphore, #tpu.memory_space<semaphore_mem>>)
    %dma_wait3A_134 = arith.constant 0 : i32
    %dma_wait3A_135 = arith.constant 0 : i32
    %dma_wait3A_136 = tpu.memref_slice %arg4[%add3A_65, %dma_wait3A_134, %dma_wait3A_135] : memref<256x128x128xf32, #tpu.memory_space<hbm>> -> memref<1x128x128xf32, #tpu.memory_space<hbm>>
    %dma_wait3A_137 = tpu.memref_squeeze %dma_wait3A_136 : memref<1x128x128xf32, #tpu.memory_space<hbm>> -> memref<128x128xf32, #tpu.memory_space<hbm>>
    %dma_wait3A_138 = arith.constant 0 : i32
    %dma_wait3A_139 = arith.constant 0 : i32
    %dma_wait3A_140 = tpu.memref_slice %arg4[%add3A_65, %dma_wait3A_138, %dma_wait3A_139] : memref<256x128x128xf32, #tpu.memory_space<hbm>> -> memref<1x128x128xf32, #tpu.memory_space<hbm>>
    %dma_wait3A_141 = tpu.memref_squeeze %dma_wait3A_140 : memref<1x128x128xf32, #tpu.memory_space<hbm>> -> memref<128x128xf32, #tpu.memory_space<hbm>>
    tpu.wait_dma2 semaphore(%arg19 : memref<!tpu.dma_semaphore, #tpu.memory_space<semaphore_mem>>) src(%arg7 : memref<128x128xf32, #tpu.memory_space<vmem>>) dst(%dma_wait3A_141 : memref<128x128xf32, #tpu.memory_space<hbm>>)
    %dma_start3A_142 = arith.constant 7 : i32
    %dma_start3A_143 = arith.constant 0 : i32
    %dma_start3A_144 = tpu.memref_slice %arg5[%dma_start3A_142, %dma_start3A_143] : memref<8x128xi32, #tpu.memory_space<vmem>> -> memref<1x128xi32, #tpu.memory_space<vmem>>
    %dma_start3A_145 = tpu.memref_squeeze %dma_start3A_144 : memref<1x128xi32, #tpu.memory_space<vmem>> -> memref<128xi32, #tpu.memory_space<vmem>>
    %dma_start3A_146 = arith.constant 0 : i32
    %dma_start3A_147 = arith.constant 0 : i32
    %dma_start3A_148 = tpu.memref_slice %arg3[%dma_start3A_146, %dma_start3A_147] : memref<100000x128xf32, #tpu.memory_space<hbm>> -> memref<100000x128xf32, #tpu.memory_space<hbm>>
    tpu.enqueue_indirect_dma source(%dma_start3A_148 : memref<100000x128xf32, #tpu.memory_space<hbm>>) target(%arg7 : memref<128x128xf32, #tpu.memory_space<vmem>>) offsets(%dma_start3A_145 : memref<128xi32, #tpu.memory_space<vmem>>) semaphore(%arg13 : memref<!tpu.dma_semaphore, #tpu.memory_space<semaphore_mem>>)
    %dma_wait3A_149 = arith.constant 4 : i32
    %dma_wait3A_150 = arith.constant 0 : i32
    %dma_wait3A_151 = tpu.memref_slice %arg5[%dma_wait3A_149, %dma_wait3A_150] : memref<8x128xi32, #tpu.memory_space<vmem>> -> memref<1x128xi32, #tpu.memory_space<vmem>>
    %dma_wait3A_152 = tpu.memref_squeeze %dma_wait3A_151 : memref<1x128xi32, #tpu.memory_space<vmem>> -> memref<128xi32, #tpu.memory_space<vmem>>
    %dma_wait3A_153 = arith.constant 0 : i32
    %dma_wait3A_154 = arith.constant 0 : i32
    %dma_wait3A_155 = tpu.memref_slice %arg3[%dma_wait3A_153, %dma_wait3A_154] : memref<100000x128xf32, #tpu.memory_space<hbm>> -> memref<100000x128xf32, #tpu.memory_space<hbm>>
    tpu.wait_indirect_dma semaphore(%arg16 : memref<!tpu.dma_semaphore, #tpu.memory_space<semaphore_mem>>) src(%dma_wait3A_155 : memref<100000x128xf32, #tpu.memory_space<hbm>>) dst(%arg10 : memref<128x128xf32, #tpu.memory_space<vmem>>)
    %mul3A_156 = arith.constant 8 : i32
    %mul3A_157 = arith.muli %add3A, %mul3A_156 : i32
    %add3A_158 = arith.constant 4 : i32
    %add3A_159 = arith.addi %mul3A_157, %add3A_158 : i32
    %dma_start3A_160 = arith.constant 0 : i32
    %dma_start3A_161 = arith.constant 0 : i32
    %dma_start3A_162 = tpu.memref_slice %arg4[%add3A_159, %dma_start3A_160, %dma_start3A_161] : memref<256x128x128xf32, #tpu.memory_space<hbm>> -> memref<1x128x128xf32, #tpu.memory_space<hbm>>
    %dma_start3A_163 = tpu.memref_squeeze %dma_start3A_162 : memref<1x128x128xf32, #tpu.memory_space<hbm>> -> memref<128x128xf32, #tpu.memory_space<hbm>>
    %dma_start3A_164 = arith.constant 0 : i32
    %dma_start3A_165 = arith.constant 0 : i32
    %dma_start3A_166 = tpu.memref_slice %arg4[%add3A_159, %dma_start3A_164, %dma_start3A_165] : memref<256x128x128xf32, #tpu.memory_space<hbm>> -> memref<1x128x128xf32, #tpu.memory_space<hbm>>
    %dma_start3A_167 = tpu.memref_squeeze %dma_start3A_166 : memref<1x128x128xf32, #tpu.memory_space<hbm>> -> memref<128x128xf32, #tpu.memory_space<hbm>>
    tpu.enqueue_dma source(%arg10 : memref<128x128xf32, #tpu.memory_space<vmem>>) target(%dma_start3A_167 : memref<128x128xf32, #tpu.memory_space<hbm>>) target_semaphore(%arg22 : memref<!tpu.dma_semaphore, #tpu.memory_space<semaphore_mem>>)
    %dma_wait3A_168 = arith.constant 5 : i32
    %dma_wait3A_169 = arith.constant 0 : i32
    %dma_wait3A_170 = tpu.memref_slice %arg5[%dma_wait3A_168, %dma_wait3A_169] : memref<8x128xi32, #tpu.memory_space<vmem>> -> memref<1x128xi32, #tpu.memory_space<vmem>>
    %dma_wait3A_171 = tpu.memref_squeeze %dma_wait3A_170 : memref<1x128xi32, #tpu.memory_space<vmem>> -> memref<128xi32, #tpu.memory_space<vmem>>
    %dma_wait3A_172 = arith.constant 0 : i32
    %dma_wait3A_173 = arith.constant 0 : i32
    %dma_wait3A_174 = tpu.memref_slice %arg3[%dma_wait3A_172, %dma_wait3A_173] : memref<100000x128xf32, #tpu.memory_space<hbm>> -> memref<100000x128xf32, #tpu.memory_space<hbm>>
    tpu.wait_indirect_dma semaphore(%arg17 : memref<!tpu.dma_semaphore, #tpu.memory_space<semaphore_mem>>) src(%dma_wait3A_174 : memref<100000x128xf32, #tpu.memory_space<hbm>>) dst(%arg11 : memref<128x128xf32, #tpu.memory_space<vmem>>)
    %mul3A_175 = arith.constant 8 : i32
    %mul3A_176 = arith.muli %add3A, %mul3A_175 : i32
    %add3A_177 = arith.constant 5 : i32
    %add3A_178 = arith.addi %mul3A_176, %add3A_177 : i32
    %dma_start3A_179 = arith.constant 0 : i32
    %dma_start3A_180 = arith.constant 0 : i32
    %dma_start3A_181 = tpu.memref_slice %arg4[%add3A_178, %dma_start3A_179, %dma_start3A_180] : memref<256x128x128xf32, #tpu.memory_space<hbm>> -> memref<1x128x128xf32, #tpu.memory_space<hbm>>
    %dma_start3A_182 = tpu.memref_squeeze %dma_start3A_181 : memref<1x128x128xf32, #tpu.memory_space<hbm>> -> memref<128x128xf32, #tpu.memory_space<hbm>>
    %dma_start3A_183 = arith.constant 0 : i32
    %dma_start3A_184 = arith.constant 0 : i32
    %dma_start3A_185 = tpu.memref_slice %arg4[%add3A_178, %dma_start3A_183, %dma_start3A_184] : memref<256x128x128xf32, #tpu.memory_space<hbm>> -> memref<1x128x128xf32, #tpu.memory_space<hbm>>
    %dma_start3A_186 = tpu.memref_squeeze %dma_start3A_185 : memref<1x128x128xf32, #tpu.memory_space<hbm>> -> memref<128x128xf32, #tpu.memory_space<hbm>>
    tpu.enqueue_dma source(%arg11 : memref<128x128xf32, #tpu.memory_space<vmem>>) target(%dma_start3A_186 : memref<128x128xf32, #tpu.memory_space<hbm>>) target_semaphore(%arg23 : memref<!tpu.dma_semaphore, #tpu.memory_space<semaphore_mem>>)
    %dma_wait3A_187 = arith.constant 6 : i32
    %dma_wait3A_188 = arith.constant 0 : i32
    %dma_wait3A_189 = tpu.memref_slice %arg5[%dma_wait3A_187, %dma_wait3A_188] : memref<8x128xi32, #tpu.memory_space<vmem>> -> memref<1x128xi32, #tpu.memory_space<vmem>>
    %dma_wait3A_190 = tpu.memref_squeeze %dma_wait3A_189 : memref<1x128xi32, #tpu.memory_space<vmem>> -> memref<128xi32, #tpu.memory_space<vmem>>
    %dma_wait3A_191 = arith.constant 0 : i32
    %dma_wait3A_192 = arith.constant 0 : i32
    %dma_wait3A_193 = tpu.memref_slice %arg3[%dma_wait3A_191, %dma_wait3A_192] : memref<100000x128xf32, #tpu.memory_space<hbm>> -> memref<100000x128xf32, #tpu.memory_space<hbm>>
    tpu.wait_indirect_dma semaphore(%arg12 : memref<!tpu.dma_semaphore, #tpu.memory_space<semaphore_mem>>) src(%dma_wait3A_193 : memref<100000x128xf32, #tpu.memory_space<hbm>>) dst(%arg6 : memref<128x128xf32, #tpu.memory_space<vmem>>)
    %mul3A_194 = arith.constant 8 : i32
    %mul3A_195 = arith.muli %add3A, %mul3A_194 : i32
    %add3A_196 = arith.constant 6 : i32
    %add3A_197 = arith.addi %mul3A_195, %add3A_196 : i32
    %dma_start3A_198 = arith.constant 0 : i32
    %dma_start3A_199 = arith.constant 0 : i32
    %dma_start3A_200 = tpu.memref_slice %arg4[%add3A_197, %dma_start3A_198, %dma_start3A_199] : memref<256x128x128xf32, #tpu.memory_space<hbm>> -> memref<1x128x128xf32, #tpu.memory_space<hbm>>
    %dma_start3A_201 = tpu.memref_squeeze %dma_start3A_200 : memref<1x128x128xf32, #tpu.memory_space<hbm>> -> memref<128x128xf32, #tpu.memory_space<hbm>>
    %dma_start3A_202 = arith.constant 0 : i32
    %dma_start3A_203 = arith.constant 0 : i32
    %dma_start3A_204 = tpu.memref_slice %arg4[%add3A_197, %dma_start3A_202, %dma_start3A_203] : memref<256x128x128xf32, #tpu.memory_space<hbm>> -> memref<1x128x128xf32, #tpu.memory_space<hbm>>
    %dma_start3A_205 = tpu.memref_squeeze %dma_start3A_204 : memref<1x128x128xf32, #tpu.memory_space<hbm>> -> memref<128x128xf32, #tpu.memory_space<hbm>>
    tpu.enqueue_dma source(%arg6 : memref<128x128xf32, #tpu.memory_space<vmem>>) target(%dma_start3A_205 : memref<128x128xf32, #tpu.memory_space<hbm>>) target_semaphore(%arg18 : memref<!tpu.dma_semaphore, #tpu.memory_space<semaphore_mem>>)
    %dma_wait3A_206 = arith.constant 7 : i32
    %dma_wait3A_207 = arith.constant 0 : i32
    %dma_wait3A_208 = tpu.memref_slice %arg5[%dma_wait3A_206, %dma_wait3A_207] : memref<8x128xi32, #tpu.memory_space<vmem>> -> memref<1x128xi32, #tpu.memory_space<vmem>>
    %dma_wait3A_209 = tpu.memref_squeeze %dma_wait3A_208 : memref<1x128xi32, #tpu.memory_space<vmem>> -> memref<128xi32, #tpu.memory_space<vmem>>
    %dma_wait3A_210 = arith.constant 0 : i32
    %dma_wait3A_211 = arith.constant 0 : i32
    %dma_wait3A_212 = tpu.memref_slice %arg3[%dma_wait3A_210, %dma_wait3A_211] : memref<100000x128xf32, #tpu.memory_space<hbm>> -> memref<100000x128xf32, #tpu.memory_space<hbm>>
    tpu.wait_indirect_dma semaphore(%arg13 : memref<!tpu.dma_semaphore, #tpu.memory_space<semaphore_mem>>) src(%dma_wait3A_212 : memref<100000x128xf32, #tpu.memory_space<hbm>>) dst(%arg7 : memref<128x128xf32, #tpu.memory_space<vmem>>)
    %mul3A_213 = arith.constant 8 : i32
    %mul3A_214 = arith.muli %add3A, %mul3A_213 : i32
    %add3A_215 = arith.constant 7 : i32
    %add3A_216 = arith.addi %mul3A_214, %add3A_215 : i32
    %dma_start3A_217 = arith.constant 0 : i32
    %dma_start3A_218 = arith.constant 0 : i32
    %dma_start3A_219 = tpu.memref_slice %arg4[%add3A_216, %dma_start3A_217, %dma_start3A_218] : memref<256x128x128xf32, #tpu.memory_space<hbm>> -> memref<1x128x128xf32, #tpu.memory_space<hbm>>
    %dma_start3A_220 = tpu.memref_squeeze %dma_start3A_219 : memref<1x128x128xf32, #tpu.memory_space<hbm>> -> memref<128x128xf32, #tpu.memory_space<hbm>>
    %dma_start3A_221 = arith.constant 0 : i32
    %dma_start3A_222 = arith.constant 0 : i32
    %dma_start3A_223 = tpu.memref_slice %arg4[%add3A_216, %dma_start3A_221, %dma_start3A_222] : memref<256x128x128xf32, #tpu.memory_space<hbm>> -> memref<1x128x128xf32, #tpu.memory_space<hbm>>
    %dma_start3A_224 = tpu.memref_squeeze %dma_start3A_223 : memref<1x128x128xf32, #tpu.memory_space<hbm>> -> memref<128x128xf32, #tpu.memory_space<hbm>>
    tpu.enqueue_dma source(%arg7 : memref<128x128xf32, #tpu.memory_space<vmem>>) target(%dma_start3A_224 : memref<128x128xf32, #tpu.memory_space<hbm>>) target_semaphore(%arg19 : memref<!tpu.dma_semaphore, #tpu.memory_space<semaphore_mem>>)
    %dma_wait3A_225 = arith.constant 0 : i32
    %dma_wait3A_226 = arith.constant 0 : i32
    %dma_wait3A_227 = tpu.memref_slice %arg4[%add3A_91, %dma_wait3A_225, %dma_wait3A_226] : memref<256x128x128xf32, #tpu.memory_space<hbm>> -> memref<1x128x128xf32, #tpu.memory_space<hbm>>
    %dma_wait3A_228 = tpu.memref_squeeze %dma_wait3A_227 : memref<1x128x128xf32, #tpu.memory_space<hbm>> -> memref<128x128xf32, #tpu.memory_space<hbm>>
    %dma_wait3A_229 = arith.constant 0 : i32
    %dma_wait3A_230 = arith.constant 0 : i32
    %dma_wait3A_231 = tpu.memref_slice %arg4[%add3A_91, %dma_wait3A_229, %dma_wait3A_230] : memref<256x128x128xf32, #tpu.memory_space<hbm>> -> memref<1x128x128xf32, #tpu.memory_space<hbm>>
    %dma_wait3A_232 = tpu.memref_squeeze %dma_wait3A_231 : memref<1x128x128xf32, #tpu.memory_space<hbm>> -> memref<128x128xf32, #tpu.memory_space<hbm>>
    tpu.wait_dma2 semaphore(%arg20 : memref<!tpu.dma_semaphore, #tpu.memory_space<semaphore_mem>>) src(%arg8 : memref<128x128xf32, #tpu.memory_space<vmem>>) dst(%dma_wait3A_232 : memref<128x128xf32, #tpu.memory_space<hbm>>)
    %dma_wait3A_233 = arith.constant 0 : i32
    %dma_wait3A_234 = arith.constant 0 : i32
    %dma_wait3A_235 = tpu.memref_slice %arg4[%add3A_125, %dma_wait3A_233, %dma_wait3A_234] : memref<256x128x128xf32, #tpu.memory_space<hbm>> -> memref<1x128x128xf32, #tpu.memory_space<hbm>>
    %dma_wait3A_236 = tpu.memref_squeeze %dma_wait3A_235 : memref<1x128x128xf32, #tpu.memory_space<hbm>> -> memref<128x128xf32, #tpu.memory_space<hbm>>
    %dma_wait3A_237 = arith.constant 0 : i32
    %dma_wait3A_238 = arith.constant 0 : i32
    %dma_wait3A_239 = tpu.memref_slice %arg4[%add3A_125, %dma_wait3A_237, %dma_wait3A_238] : memref<256x128x128xf32, #tpu.memory_space<hbm>> -> memref<1x128x128xf32, #tpu.memory_space<hbm>>
    %dma_wait3A_240 = tpu.memref_squeeze %dma_wait3A_239 : memref<1x128x128xf32, #tpu.memory_space<hbm>> -> memref<128x128xf32, #tpu.memory_space<hbm>>
    tpu.wait_dma2 semaphore(%arg21 : memref<!tpu.dma_semaphore, #tpu.memory_space<semaphore_mem>>) src(%arg9 : memref<128x128xf32, #tpu.memory_space<vmem>>) dst(%dma_wait3A_240 : memref<128x128xf32, #tpu.memory_space<hbm>>)
    %dma_wait3A_241 = arith.constant 0 : i32
    %dma_wait3A_242 = arith.constant 0 : i32
    %dma_wait3A_243 = tpu.memref_slice %arg4[%add3A_159, %dma_wait3A_241, %dma_wait3A_242] : memref<256x128x128xf32, #tpu.memory_space<hbm>> -> memref<1x128x128xf32, #tpu.memory_space<hbm>>
    %dma_wait3A_244 = tpu.memref_squeeze %dma_wait3A_243 : memref<1x128x128xf32, #tpu.memory_space<hbm>> -> memref<128x128xf32, #tpu.memory_space<hbm>>
    %dma_wait3A_245 = arith.constant 0 : i32
    %dma_wait3A_246 = arith.constant 0 : i32
    %dma_wait3A_247 = tpu.memref_slice %arg4[%add3A_159, %dma_wait3A_245, %dma_wait3A_246] : memref<256x128x128xf32, #tpu.memory_space<hbm>> -> memref<1x128x128xf32, #tpu.memory_space<hbm>>
    %dma_wait3A_248 = tpu.memref_squeeze %dma_wait3A_247 : memref<1x128x128xf32, #tpu.memory_space<hbm>> -> memref<128x128xf32, #tpu.memory_space<hbm>>
    tpu.wait_dma2 semaphore(%arg22 : memref<!tpu.dma_semaphore, #tpu.memory_space<semaphore_mem>>) src(%arg10 : memref<128x128xf32, #tpu.memory_space<vmem>>) dst(%dma_wait3A_248 : memref<128x128xf32, #tpu.memory_space<hbm>>)
    %dma_wait3A_249 = arith.constant 0 : i32
    %dma_wait3A_250 = arith.constant 0 : i32
    %dma_wait3A_251 = tpu.memref_slice %arg4[%add3A_178, %dma_wait3A_249, %dma_wait3A_250] : memref<256x128x128xf32, #tpu.memory_space<hbm>> -> memref<1x128x128xf32, #tpu.memory_space<hbm>>
    %dma_wait3A_252 = tpu.memref_squeeze %dma_wait3A_251 : memref<1x128x128xf32, #tpu.memory_space<hbm>> -> memref<128x128xf32, #tpu.memory_space<hbm>>
    %dma_wait3A_253 = arith.constant 0 : i32
    %dma_wait3A_254 = arith.constant 0 : i32
    %dma_wait3A_255 = tpu.memref_slice %arg4[%add3A_178, %dma_wait3A_253, %dma_wait3A_254] : memref<256x128x128xf32, #tpu.memory_space<hbm>> -> memref<1x128x128xf32, #tpu.memory_space<hbm>>
    %dma_wait3A_256 = tpu.memref_squeeze %dma_wait3A_255 : memref<1x128x128xf32, #tpu.memory_space<hbm>> -> memref<128x128xf32, #tpu.memory_space<hbm>>
    tpu.wait_dma2 semaphore(%arg23 : memref<!tpu.dma_semaphore, #tpu.memory_space<semaphore_mem>>) src(%arg11 : memref<128x128xf32, #tpu.memory_space<vmem>>) dst(%dma_wait3A_256 : memref<128x128xf32, #tpu.memory_space<hbm>>)
    %dma_wait3A_257 = arith.constant 0 : i32
    %dma_wait3A_258 = arith.constant 0 : i32
    %dma_wait3A_259 = tpu.memref_slice %arg4[%add3A_197, %dma_wait3A_257, %dma_wait3A_258] : memref<256x128x128xf32, #tpu.memory_space<hbm>> -> memref<1x128x128xf32, #tpu.memory_space<hbm>>
    %dma_wait3A_260 = tpu.memref_squeeze %dma_wait3A_259 : memref<1x128x128xf32, #tpu.memory_space<hbm>> -> memref<128x128xf32, #tpu.memory_space<hbm>>
    %dma_wait3A_261 = arith.constant 0 : i32
    %dma_wait3A_262 = arith.constant 0 : i32
    %dma_wait3A_263 = tpu.memref_slice %arg4[%add3A_197, %dma_wait3A_261, %dma_wait3A_262] : memref<256x128x128xf32, #tpu.memory_space<hbm>> -> memref<1x128x128xf32, #tpu.memory_space<hbm>>
    %dma_wait3A_264 = tpu.memref_squeeze %dma_wait3A_263 : memref<1x128x128xf32, #tpu.memory_space<hbm>> -> memref<128x128xf32, #tpu.memory_space<hbm>>
    tpu.wait_dma2 semaphore(%arg18 : memref<!tpu.dma_semaphore, #tpu.memory_space<semaphore_mem>>) src(%arg6 : memref<128x128xf32, #tpu.memory_space<vmem>>) dst(%dma_wait3A_264 : memref<128x128xf32, #tpu.memory_space<hbm>>)
    %dma_wait3A_265 = arith.constant 0 : i32
    %dma_wait3A_266 = arith.constant 0 : i32
    %dma_wait3A_267 = tpu.memref_slice %arg4[%add3A_216, %dma_wait3A_265, %dma_wait3A_266] : memref<256x128x128xf32, #tpu.memory_space<hbm>> -> memref<1x128x128xf32, #tpu.memory_space<hbm>>
    %dma_wait3A_268 = tpu.memref_squeeze %dma_wait3A_267 : memref<1x128x128xf32, #tpu.memory_space<hbm>> -> memref<128x128xf32, #tpu.memory_space<hbm>>
    %dma_wait3A_269 = arith.constant 0 : i32
    %dma_wait3A_270 = arith.constant 0 : i32
    %dma_wait3A_271 = tpu.memref_slice %arg4[%add3A_216, %dma_wait3A_269, %dma_wait3A_270] : memref<256x128x128xf32, #tpu.memory_space<hbm>> -> memref<1x128x128xf32, #tpu.memory_space<hbm>>
    %dma_wait3A_272 = tpu.memref_squeeze %dma_wait3A_271 : memref<1x128x128xf32, #tpu.memory_space<hbm>> -> memref<128x128xf32, #tpu.memory_space<hbm>>
    tpu.wait_dma2 semaphore(%arg19 : memref<!tpu.dma_semaphore, #tpu.memory_space<semaphore_mem>>) src(%arg7 : memref<128x128xf32, #tpu.memory_space<vmem>>) dst(%dma_wait3A_272 : memref<128x128xf32, #tpu.memory_space<hbm>>)
    return
  }
}

module attributes {stable_mosaic.version = 14 : i64} {
  func.func @_tc_body(%arg0: i32, %arg1: memref<32x128x128xf32, #tpu.memory_space<vmem>>, %arg2: memref<32x128x512xf32, #tpu.memory_space<vmem>>, %arg3: memref<32x128xi32, #tpu.memory_space<vmem>>, %arg4: memref<32x128xi32, #tpu.memory_space<vmem>>, %arg5: memref<128x128xf32, #tpu.memory_space<vmem>>, %arg6: memref<8x128x128xf32, #tpu.memory_space<vmem>>, %arg7: memref<128x128xf32, #tpu.memory_space<vmem>>, %arg8: memref<32x128x32xf32, #tpu.memory_space<vmem>>) attributes {dimension_semantics = [#tpu.dimension_semantics<arbitrary>], iteration_bounds = array<i64: 8>, scalar_prefetch = 0 : i64, scratch_operands = 0 : i64, tpu.core_type = #tpu.core_type<tc>, window_params = [{transform_indices = @transform_0, window_bounds = array<i64: 32, 128, 128>}, {transform_indices = @transform_1, window_bounds = array<i64: 32, 128, 512>}, {transform_indices = @transform_2, window_bounds = array<i64: 32, 128>}, {transform_indices = @transform_3, window_bounds = array<i64: 32, 128>}, {pipeline_mode = #tpu.pipeline_mode<synchronous>, transform_indices = @transform_4, window_bounds = array<i64: 128, 128>}, {pipeline_mode = #tpu.pipeline_mode<synchronous>, transform_indices = @transform_5, window_bounds = array<i64: 8, 128, 128>}, {pipeline_mode = #tpu.pipeline_mode<synchronous>, transform_indices = @transform_6, window_bounds = array<i64: 128, 128>}, {transform_indices = @transform_7, window_bounds = array<i64: 32, 128, 32>}]} {
    %iota3A = tpu.iota {dimensions = array<i32: 0>} : vector<128x128xi32>
    %get3A = arith.constant 0 : index
    %get3A_0 = arith.constant 0 : index
    %get3A_1 = vector.load %arg5[%get3A, %get3A_0] : memref<128x128xf32, #tpu.memory_space<vmem>>, vector<128x128xf32>
    %get3A_2 = arith.constant 0 : index
    %get3A_3 = arith.constant 0 : index
    %get3A_4 = vector.load %arg7[%get3A_2, %get3A_3] : memref<128x128xf32, #tpu.memory_space<vmem>>, vector<128x128xf32>
    %get3A_5 = arith.constant 0 : index
    %get3A_6 = arith.constant 0 : index
    %get3A_7 = arith.constant 0 : index
    %get3A_8 = vector.load %arg1[%get3A_5, %get3A_6, %get3A_7] : memref<32x128x128xf32, #tpu.memory_space<vmem>>, vector<32x128x128xf32>
    %reshape3A = vector.shape_cast %get3A_8 : vector<32x128x128xf32> to vector<4096x128xf32>
    %dot_general3A = arith.constant dense<0.000000e+00> : vector<4096x128xf32>
    %dot_general3A_9 = tpu.matmul %reshape3A, %get3A_1, %dot_general3A {dimension_numbers = #tpu.dot_dimension_numbers<[1], [0], [0], [1], [0, 0, 1, 1], [], []>, transpose_lhs_hint = false} : vector<4096x128xf32>, vector<128x128xf32>, vector<4096x128xf32> -> vector<4096x128xf32>
    %max3A = arith.constant 0.000000e+00 : f32
    %max3A_10 = vector.broadcast %max3A : f32 to vector<4096x128xf32>
    %max3A_11 = arith.maximumf %dot_general3A_9, %max3A_10 : vector<4096x128xf32>
    %get3A_12 = arith.constant 0 : index
    %get3A_13 = arith.constant 0 : index
    %get3A_14 = vector.load %arg3[%get3A_12, %get3A_13] : memref<32x128xi32, #tpu.memory_space<vmem>>, vector<1x128xi32>
    %slice3A = vector.extract_strided_slice %max3A_11 {offsets = [0, 0], sizes = [128, 128], strides = [1, 1]} : vector<4096x128xf32> to vector<128x128xf32>
    %broadcast_in_dim3A = vector.shape_cast %get3A_14 : vector<1x128xi32> to vector<1x128xi32>
    %broadcast_in_dim3A_15 = vector.broadcast %broadcast_in_dim3A : vector<1x128xi32> to vector<128x128xi32>
    %eq3A = arith.cmpi eq, %broadcast_in_dim3A_15, %iota3A : vector<128x128xi32>
    %convert_element_type3A = arith.extui %eq3A : vector<128x128xi1> to vector<128x128xi32>
    %convert_element_type3A_16 = arith.sitofp %convert_element_type3A : vector<128x128xi32> to vector<128x128xf32>
    %dot_general3A_17 = arith.constant dense<0.000000e+00> : vector<128x128xf32>
    %dot_general3A_18 = tpu.matmul %convert_element_type3A_16, %slice3A, %dot_general3A_17 {dimension_numbers = #tpu.dot_dimension_numbers<[0], [0], [1], [1], [0, 1, 1, 1], [], []>, transpose_lhs_hint = false} : vector<128x128xf32>, vector<128x128xf32>, vector<128x128xf32> -> vector<128x128xf32>
    %get3A_19 = arith.constant 1 : index
    %get3A_20 = arith.constant 0 : index
    %get3A_21 = vector.load %arg3[%get3A_19, %get3A_20] : memref<32x128xi32, #tpu.memory_space<vmem>>, vector<1x128xi32>
    %slice3A_22 = vector.extract_strided_slice %max3A_11 {offsets = [128, 0], sizes = [128, 128], strides = [1, 1]} : vector<4096x128xf32> to vector<128x128xf32>
    %broadcast_in_dim3A_23 = vector.shape_cast %get3A_21 : vector<1x128xi32> to vector<1x128xi32>
    %broadcast_in_dim3A_24 = vector.broadcast %broadcast_in_dim3A_23 : vector<1x128xi32> to vector<128x128xi32>
    %eq3A_25 = arith.cmpi eq, %broadcast_in_dim3A_24, %iota3A : vector<128x128xi32>
    %convert_element_type3A_26 = arith.extui %eq3A_25 : vector<128x128xi1> to vector<128x128xi32>
    %convert_element_type3A_27 = arith.sitofp %convert_element_type3A_26 : vector<128x128xi32> to vector<128x128xf32>
    %dot_general3A_28 = arith.constant dense<0.000000e+00> : vector<128x128xf32>
    %dot_general3A_29 = tpu.matmul %convert_element_type3A_27, %slice3A_22, %dot_general3A_28 {dimension_numbers = #tpu.dot_dimension_numbers<[0], [0], [1], [1], [0, 1, 1, 1], [], []>, transpose_lhs_hint = false} : vector<128x128xf32>, vector<128x128xf32>, vector<128x128xf32> -> vector<128x128xf32>
    %get3A_30 = arith.constant 2 : index
    %get3A_31 = arith.constant 0 : index
    %get3A_32 = vector.load %arg3[%get3A_30, %get3A_31] : memref<32x128xi32, #tpu.memory_space<vmem>>, vector<1x128xi32>
    %slice3A_33 = vector.extract_strided_slice %max3A_11 {offsets = [256, 0], sizes = [128, 128], strides = [1, 1]} : vector<4096x128xf32> to vector<128x128xf32>
    %broadcast_in_dim3A_34 = vector.shape_cast %get3A_32 : vector<1x128xi32> to vector<1x128xi32>
    %broadcast_in_dim3A_35 = vector.broadcast %broadcast_in_dim3A_34 : vector<1x128xi32> to vector<128x128xi32>
    %eq3A_36 = arith.cmpi eq, %broadcast_in_dim3A_35, %iota3A : vector<128x128xi32>
    %convert_element_type3A_37 = arith.extui %eq3A_36 : vector<128x128xi1> to vector<128x128xi32>
    %convert_element_type3A_38 = arith.sitofp %convert_element_type3A_37 : vector<128x128xi32> to vector<128x128xf32>
    %dot_general3A_39 = arith.constant dense<0.000000e+00> : vector<128x128xf32>
    %dot_general3A_40 = tpu.matmul %convert_element_type3A_38, %slice3A_33, %dot_general3A_39 {dimension_numbers = #tpu.dot_dimension_numbers<[0], [0], [1], [1], [0, 1, 1, 1], [], []>, transpose_lhs_hint = false} : vector<128x128xf32>, vector<128x128xf32>, vector<128x128xf32> -> vector<128x128xf32>
    %get3A_41 = arith.constant 3 : index
    %get3A_42 = arith.constant 0 : index
    %get3A_43 = vector.load %arg3[%get3A_41, %get3A_42] : memref<32x128xi32, #tpu.memory_space<vmem>>, vector<1x128xi32>
    %slice3A_44 = vector.extract_strided_slice %max3A_11 {offsets = [384, 0], sizes = [128, 128], strides = [1, 1]} : vector<4096x128xf32> to vector<128x128xf32>
    %broadcast_in_dim3A_45 = vector.shape_cast %get3A_43 : vector<1x128xi32> to vector<1x128xi32>
    %broadcast_in_dim3A_46 = vector.broadcast %broadcast_in_dim3A_45 : vector<1x128xi32> to vector<128x128xi32>
    %eq3A_47 = arith.cmpi eq, %broadcast_in_dim3A_46, %iota3A : vector<128x128xi32>
    %convert_element_type3A_48 = arith.extui %eq3A_47 : vector<128x128xi1> to vector<128x128xi32>
    %convert_element_type3A_49 = arith.sitofp %convert_element_type3A_48 : vector<128x128xi32> to vector<128x128xf32>
    %dot_general3A_50 = arith.constant dense<0.000000e+00> : vector<128x128xf32>
    %dot_general3A_51 = tpu.matmul %convert_element_type3A_49, %slice3A_44, %dot_general3A_50 {dimension_numbers = #tpu.dot_dimension_numbers<[0], [0], [1], [1], [0, 1, 1, 1], [], []>, transpose_lhs_hint = false} : vector<128x128xf32>, vector<128x128xf32>, vector<128x128xf32> -> vector<128x128xf32>
    %get3A_52 = arith.constant 4 : index
    %get3A_53 = arith.constant 0 : index
    %get3A_54 = vector.load %arg3[%get3A_52, %get3A_53] : memref<32x128xi32, #tpu.memory_space<vmem>>, vector<1x128xi32>
    %slice3A_55 = vector.extract_strided_slice %max3A_11 {offsets = [512, 0], sizes = [128, 128], strides = [1, 1]} : vector<4096x128xf32> to vector<128x128xf32>
    %broadcast_in_dim3A_56 = vector.shape_cast %get3A_54 : vector<1x128xi32> to vector<1x128xi32>
    %broadcast_in_dim3A_57 = vector.broadcast %broadcast_in_dim3A_56 : vector<1x128xi32> to vector<128x128xi32>
    %eq3A_58 = arith.cmpi eq, %broadcast_in_dim3A_57, %iota3A : vector<128x128xi32>
    %convert_element_type3A_59 = arith.extui %eq3A_58 : vector<128x128xi1> to vector<128x128xi32>
    %convert_element_type3A_60 = arith.sitofp %convert_element_type3A_59 : vector<128x128xi32> to vector<128x128xf32>
    %dot_general3A_61 = arith.constant dense<0.000000e+00> : vector<128x128xf32>
    %dot_general3A_62 = tpu.matmul %convert_element_type3A_60, %slice3A_55, %dot_general3A_61 {dimension_numbers = #tpu.dot_dimension_numbers<[0], [0], [1], [1], [0, 1, 1, 1], [], []>, transpose_lhs_hint = false} : vector<128x128xf32>, vector<128x128xf32>, vector<128x128xf32> -> vector<128x128xf32>
    %get3A_63 = arith.constant 5 : index
    %get3A_64 = arith.constant 0 : index
    %get3A_65 = vector.load %arg3[%get3A_63, %get3A_64] : memref<32x128xi32, #tpu.memory_space<vmem>>, vector<1x128xi32>
    %slice3A_66 = vector.extract_strided_slice %max3A_11 {offsets = [640, 0], sizes = [128, 128], strides = [1, 1]} : vector<4096x128xf32> to vector<128x128xf32>
    %broadcast_in_dim3A_67 = vector.shape_cast %get3A_65 : vector<1x128xi32> to vector<1x128xi32>
    %broadcast_in_dim3A_68 = vector.broadcast %broadcast_in_dim3A_67 : vector<1x128xi32> to vector<128x128xi32>
    %eq3A_69 = arith.cmpi eq, %broadcast_in_dim3A_68, %iota3A : vector<128x128xi32>
    %convert_element_type3A_70 = arith.extui %eq3A_69 : vector<128x128xi1> to vector<128x128xi32>
    %convert_element_type3A_71 = arith.sitofp %convert_element_type3A_70 : vector<128x128xi32> to vector<128x128xf32>
    %dot_general3A_72 = arith.constant dense<0.000000e+00> : vector<128x128xf32>
    %dot_general3A_73 = tpu.matmul %convert_element_type3A_71, %slice3A_66, %dot_general3A_72 {dimension_numbers = #tpu.dot_dimension_numbers<[0], [0], [1], [1], [0, 1, 1, 1], [], []>, transpose_lhs_hint = false} : vector<128x128xf32>, vector<128x128xf32>, vector<128x128xf32> -> vector<128x128xf32>
    %get3A_74 = arith.constant 6 : index
    %get3A_75 = arith.constant 0 : index
    %get3A_76 = vector.load %arg3[%get3A_74, %get3A_75] : memref<32x128xi32, #tpu.memory_space<vmem>>, vector<1x128xi32>
    %slice3A_77 = vector.extract_strided_slice %max3A_11 {offsets = [768, 0], sizes = [128, 128], strides = [1, 1]} : vector<4096x128xf32> to vector<128x128xf32>
    %broadcast_in_dim3A_78 = vector.shape_cast %get3A_76 : vector<1x128xi32> to vector<1x128xi32>
    %broadcast_in_dim3A_79 = vector.broadcast %broadcast_in_dim3A_78 : vector<1x128xi32> to vector<128x128xi32>
    %eq3A_80 = arith.cmpi eq, %broadcast_in_dim3A_79, %iota3A : vector<128x128xi32>
    %convert_element_type3A_81 = arith.extui %eq3A_80 : vector<128x128xi1> to vector<128x128xi32>
    %convert_element_type3A_82 = arith.sitofp %convert_element_type3A_81 : vector<128x128xi32> to vector<128x128xf32>
    %dot_general3A_83 = arith.constant dense<0.000000e+00> : vector<128x128xf32>
    %dot_general3A_84 = tpu.matmul %convert_element_type3A_82, %slice3A_77, %dot_general3A_83 {dimension_numbers = #tpu.dot_dimension_numbers<[0], [0], [1], [1], [0, 1, 1, 1], [], []>, transpose_lhs_hint = false} : vector<128x128xf32>, vector<128x128xf32>, vector<128x128xf32> -> vector<128x128xf32>
    %get3A_85 = arith.constant 7 : index
    %get3A_86 = arith.constant 0 : index
    %get3A_87 = vector.load %arg3[%get3A_85, %get3A_86] : memref<32x128xi32, #tpu.memory_space<vmem>>, vector<1x128xi32>
    %slice3A_88 = vector.extract_strided_slice %max3A_11 {offsets = [896, 0], sizes = [128, 128], strides = [1, 1]} : vector<4096x128xf32> to vector<128x128xf32>
    %broadcast_in_dim3A_89 = vector.shape_cast %get3A_87 : vector<1x128xi32> to vector<1x128xi32>
    %broadcast_in_dim3A_90 = vector.broadcast %broadcast_in_dim3A_89 : vector<1x128xi32> to vector<128x128xi32>
    %eq3A_91 = arith.cmpi eq, %broadcast_in_dim3A_90, %iota3A : vector<128x128xi32>
    %convert_element_type3A_92 = arith.extui %eq3A_91 : vector<128x128xi1> to vector<128x128xi32>
    %convert_element_type3A_93 = arith.sitofp %convert_element_type3A_92 : vector<128x128xi32> to vector<128x128xf32>
    %dot_general3A_94 = arith.constant dense<0.000000e+00> : vector<128x128xf32>
    %dot_general3A_95 = tpu.matmul %convert_element_type3A_93, %slice3A_88, %dot_general3A_94 {dimension_numbers = #tpu.dot_dimension_numbers<[0], [0], [1], [1], [0, 1, 1, 1], [], []>, transpose_lhs_hint = false} : vector<128x128xf32>, vector<128x128xf32>, vector<128x128xf32> -> vector<128x128xf32>
    %get3A_96 = arith.constant 8 : index
    %get3A_97 = arith.constant 0 : index
    %get3A_98 = vector.load %arg3[%get3A_96, %get3A_97] : memref<32x128xi32, #tpu.memory_space<vmem>>, vector<1x128xi32>
    %slice3A_99 = vector.extract_strided_slice %max3A_11 {offsets = [1024, 0], sizes = [128, 128], strides = [1, 1]} : vector<4096x128xf32> to vector<128x128xf32>
    %broadcast_in_dim3A_100 = vector.shape_cast %get3A_98 : vector<1x128xi32> to vector<1x128xi32>
    %broadcast_in_dim3A_101 = vector.broadcast %broadcast_in_dim3A_100 : vector<1x128xi32> to vector<128x128xi32>
    %eq3A_102 = arith.cmpi eq, %broadcast_in_dim3A_101, %iota3A : vector<128x128xi32>
    %convert_element_type3A_103 = arith.extui %eq3A_102 : vector<128x128xi1> to vector<128x128xi32>
    %convert_element_type3A_104 = arith.sitofp %convert_element_type3A_103 : vector<128x128xi32> to vector<128x128xf32>
    %dot_general3A_105 = arith.constant dense<0.000000e+00> : vector<128x128xf32>
    %dot_general3A_106 = tpu.matmul %convert_element_type3A_104, %slice3A_99, %dot_general3A_105 {dimension_numbers = #tpu.dot_dimension_numbers<[0], [0], [1], [1], [0, 1, 1, 1], [], []>, transpose_lhs_hint = false} : vector<128x128xf32>, vector<128x128xf32>, vector<128x128xf32> -> vector<128x128xf32>
    %get3A_107 = arith.constant 9 : index
    %get3A_108 = arith.constant 0 : index
    %get3A_109 = vector.load %arg3[%get3A_107, %get3A_108] : memref<32x128xi32, #tpu.memory_space<vmem>>, vector<1x128xi32>
    %slice3A_110 = vector.extract_strided_slice %max3A_11 {offsets = [1152, 0], sizes = [128, 128], strides = [1, 1]} : vector<4096x128xf32> to vector<128x128xf32>
    %broadcast_in_dim3A_111 = vector.shape_cast %get3A_109 : vector<1x128xi32> to vector<1x128xi32>
    %broadcast_in_dim3A_112 = vector.broadcast %broadcast_in_dim3A_111 : vector<1x128xi32> to vector<128x128xi32>
    %eq3A_113 = arith.cmpi eq, %broadcast_in_dim3A_112, %iota3A : vector<128x128xi32>
    %convert_element_type3A_114 = arith.extui %eq3A_113 : vector<128x128xi1> to vector<128x128xi32>
    %convert_element_type3A_115 = arith.sitofp %convert_element_type3A_114 : vector<128x128xi32> to vector<128x128xf32>
    %dot_general3A_116 = arith.constant dense<0.000000e+00> : vector<128x128xf32>
    %dot_general3A_117 = tpu.matmul %convert_element_type3A_115, %slice3A_110, %dot_general3A_116 {dimension_numbers = #tpu.dot_dimension_numbers<[0], [0], [1], [1], [0, 1, 1, 1], [], []>, transpose_lhs_hint = false} : vector<128x128xf32>, vector<128x128xf32>, vector<128x128xf32> -> vector<128x128xf32>
    %get3A_118 = arith.constant 10 : index
    %get3A_119 = arith.constant 0 : index
    %get3A_120 = vector.load %arg3[%get3A_118, %get3A_119] : memref<32x128xi32, #tpu.memory_space<vmem>>, vector<1x128xi32>
    %slice3A_121 = vector.extract_strided_slice %max3A_11 {offsets = [1280, 0], sizes = [128, 128], strides = [1, 1]} : vector<4096x128xf32> to vector<128x128xf32>
    %broadcast_in_dim3A_122 = vector.shape_cast %get3A_120 : vector<1x128xi32> to vector<1x128xi32>
    %broadcast_in_dim3A_123 = vector.broadcast %broadcast_in_dim3A_122 : vector<1x128xi32> to vector<128x128xi32>
    %eq3A_124 = arith.cmpi eq, %broadcast_in_dim3A_123, %iota3A : vector<128x128xi32>
    %convert_element_type3A_125 = arith.extui %eq3A_124 : vector<128x128xi1> to vector<128x128xi32>
    %convert_element_type3A_126 = arith.sitofp %convert_element_type3A_125 : vector<128x128xi32> to vector<128x128xf32>
    %dot_general3A_127 = arith.constant dense<0.000000e+00> : vector<128x128xf32>
    %dot_general3A_128 = tpu.matmul %convert_element_type3A_126, %slice3A_121, %dot_general3A_127 {dimension_numbers = #tpu.dot_dimension_numbers<[0], [0], [1], [1], [0, 1, 1, 1], [], []>, transpose_lhs_hint = false} : vector<128x128xf32>, vector<128x128xf32>, vector<128x128xf32> -> vector<128x128xf32>
    %get3A_129 = arith.constant 11 : index
    %get3A_130 = arith.constant 0 : index
    %get3A_131 = vector.load %arg3[%get3A_129, %get3A_130] : memref<32x128xi32, #tpu.memory_space<vmem>>, vector<1x128xi32>
    %slice3A_132 = vector.extract_strided_slice %max3A_11 {offsets = [1408, 0], sizes = [128, 128], strides = [1, 1]} : vector<4096x128xf32> to vector<128x128xf32>
    %broadcast_in_dim3A_133 = vector.shape_cast %get3A_131 : vector<1x128xi32> to vector<1x128xi32>
    %broadcast_in_dim3A_134 = vector.broadcast %broadcast_in_dim3A_133 : vector<1x128xi32> to vector<128x128xi32>
    %eq3A_135 = arith.cmpi eq, %broadcast_in_dim3A_134, %iota3A : vector<128x128xi32>
    %convert_element_type3A_136 = arith.extui %eq3A_135 : vector<128x128xi1> to vector<128x128xi32>
    %convert_element_type3A_137 = arith.sitofp %convert_element_type3A_136 : vector<128x128xi32> to vector<128x128xf32>
    %dot_general3A_138 = arith.constant dense<0.000000e+00> : vector<128x128xf32>
    %dot_general3A_139 = tpu.matmul %convert_element_type3A_137, %slice3A_132, %dot_general3A_138 {dimension_numbers = #tpu.dot_dimension_numbers<[0], [0], [1], [1], [0, 1, 1, 1], [], []>, transpose_lhs_hint = false} : vector<128x128xf32>, vector<128x128xf32>, vector<128x128xf32> -> vector<128x128xf32>
    %get3A_140 = arith.constant 12 : index
    %get3A_141 = arith.constant 0 : index
    %get3A_142 = vector.load %arg3[%get3A_140, %get3A_141] : memref<32x128xi32, #tpu.memory_space<vmem>>, vector<1x128xi32>
    %slice3A_143 = vector.extract_strided_slice %max3A_11 {offsets = [1536, 0], sizes = [128, 128], strides = [1, 1]} : vector<4096x128xf32> to vector<128x128xf32>
    %broadcast_in_dim3A_144 = vector.shape_cast %get3A_142 : vector<1x128xi32> to vector<1x128xi32>
    %broadcast_in_dim3A_145 = vector.broadcast %broadcast_in_dim3A_144 : vector<1x128xi32> to vector<128x128xi32>
    %eq3A_146 = arith.cmpi eq, %broadcast_in_dim3A_145, %iota3A : vector<128x128xi32>
    %convert_element_type3A_147 = arith.extui %eq3A_146 : vector<128x128xi1> to vector<128x128xi32>
    %convert_element_type3A_148 = arith.sitofp %convert_element_type3A_147 : vector<128x128xi32> to vector<128x128xf32>
    %dot_general3A_149 = arith.constant dense<0.000000e+00> : vector<128x128xf32>
    %dot_general3A_150 = tpu.matmul %convert_element_type3A_148, %slice3A_143, %dot_general3A_149 {dimension_numbers = #tpu.dot_dimension_numbers<[0], [0], [1], [1], [0, 1, 1, 1], [], []>, transpose_lhs_hint = false} : vector<128x128xf32>, vector<128x128xf32>, vector<128x128xf32> -> vector<128x128xf32>
    %get3A_151 = arith.constant 13 : index
    %get3A_152 = arith.constant 0 : index
    %get3A_153 = vector.load %arg3[%get3A_151, %get3A_152] : memref<32x128xi32, #tpu.memory_space<vmem>>, vector<1x128xi32>
    %slice3A_154 = vector.extract_strided_slice %max3A_11 {offsets = [1664, 0], sizes = [128, 128], strides = [1, 1]} : vector<4096x128xf32> to vector<128x128xf32>
    %broadcast_in_dim3A_155 = vector.shape_cast %get3A_153 : vector<1x128xi32> to vector<1x128xi32>
    %broadcast_in_dim3A_156 = vector.broadcast %broadcast_in_dim3A_155 : vector<1x128xi32> to vector<128x128xi32>
    %eq3A_157 = arith.cmpi eq, %broadcast_in_dim3A_156, %iota3A : vector<128x128xi32>
    %convert_element_type3A_158 = arith.extui %eq3A_157 : vector<128x128xi1> to vector<128x128xi32>
    %convert_element_type3A_159 = arith.sitofp %convert_element_type3A_158 : vector<128x128xi32> to vector<128x128xf32>
    %dot_general3A_160 = arith.constant dense<0.000000e+00> : vector<128x128xf32>
    %dot_general3A_161 = tpu.matmul %convert_element_type3A_159, %slice3A_154, %dot_general3A_160 {dimension_numbers = #tpu.dot_dimension_numbers<[0], [0], [1], [1], [0, 1, 1, 1], [], []>, transpose_lhs_hint = false} : vector<128x128xf32>, vector<128x128xf32>, vector<128x128xf32> -> vector<128x128xf32>
    %get3A_162 = arith.constant 14 : index
    %get3A_163 = arith.constant 0 : index
    %get3A_164 = vector.load %arg3[%get3A_162, %get3A_163] : memref<32x128xi32, #tpu.memory_space<vmem>>, vector<1x128xi32>
    %slice3A_165 = vector.extract_strided_slice %max3A_11 {offsets = [1792, 0], sizes = [128, 128], strides = [1, 1]} : vector<4096x128xf32> to vector<128x128xf32>
    %broadcast_in_dim3A_166 = vector.shape_cast %get3A_164 : vector<1x128xi32> to vector<1x128xi32>
    %broadcast_in_dim3A_167 = vector.broadcast %broadcast_in_dim3A_166 : vector<1x128xi32> to vector<128x128xi32>
    %eq3A_168 = arith.cmpi eq, %broadcast_in_dim3A_167, %iota3A : vector<128x128xi32>
    %convert_element_type3A_169 = arith.extui %eq3A_168 : vector<128x128xi1> to vector<128x128xi32>
    %convert_element_type3A_170 = arith.sitofp %convert_element_type3A_169 : vector<128x128xi32> to vector<128x128xf32>
    %dot_general3A_171 = arith.constant dense<0.000000e+00> : vector<128x128xf32>
    %dot_general3A_172 = tpu.matmul %convert_element_type3A_170, %slice3A_165, %dot_general3A_171 {dimension_numbers = #tpu.dot_dimension_numbers<[0], [0], [1], [1], [0, 1, 1, 1], [], []>, transpose_lhs_hint = false} : vector<128x128xf32>, vector<128x128xf32>, vector<128x128xf32> -> vector<128x128xf32>
    %get3A_173 = arith.constant 15 : index
    %get3A_174 = arith.constant 0 : index
    %get3A_175 = vector.load %arg3[%get3A_173, %get3A_174] : memref<32x128xi32, #tpu.memory_space<vmem>>, vector<1x128xi32>
    %slice3A_176 = vector.extract_strided_slice %max3A_11 {offsets = [1920, 0], sizes = [128, 128], strides = [1, 1]} : vector<4096x128xf32> to vector<128x128xf32>
    %broadcast_in_dim3A_177 = vector.shape_cast %get3A_175 : vector<1x128xi32> to vector<1x128xi32>
    %broadcast_in_dim3A_178 = vector.broadcast %broadcast_in_dim3A_177 : vector<1x128xi32> to vector<128x128xi32>
    %eq3A_179 = arith.cmpi eq, %broadcast_in_dim3A_178, %iota3A : vector<128x128xi32>
    %convert_element_type3A_180 = arith.extui %eq3A_179 : vector<128x128xi1> to vector<128x128xi32>
    %convert_element_type3A_181 = arith.sitofp %convert_element_type3A_180 : vector<128x128xi32> to vector<128x128xf32>
    %dot_general3A_182 = arith.constant dense<0.000000e+00> : vector<128x128xf32>
    %dot_general3A_183 = tpu.matmul %convert_element_type3A_181, %slice3A_176, %dot_general3A_182 {dimension_numbers = #tpu.dot_dimension_numbers<[0], [0], [1], [1], [0, 1, 1, 1], [], []>, transpose_lhs_hint = false} : vector<128x128xf32>, vector<128x128xf32>, vector<128x128xf32> -> vector<128x128xf32>
    %get3A_184 = arith.constant 16 : index
    %get3A_185 = arith.constant 0 : index
    %get3A_186 = vector.load %arg3[%get3A_184, %get3A_185] : memref<32x128xi32, #tpu.memory_space<vmem>>, vector<1x128xi32>
    %slice3A_187 = vector.extract_strided_slice %max3A_11 {offsets = [2048, 0], sizes = [128, 128], strides = [1, 1]} : vector<4096x128xf32> to vector<128x128xf32>
    %broadcast_in_dim3A_188 = vector.shape_cast %get3A_186 : vector<1x128xi32> to vector<1x128xi32>
    %broadcast_in_dim3A_189 = vector.broadcast %broadcast_in_dim3A_188 : vector<1x128xi32> to vector<128x128xi32>
    %eq3A_190 = arith.cmpi eq, %broadcast_in_dim3A_189, %iota3A : vector<128x128xi32>
    %convert_element_type3A_191 = arith.extui %eq3A_190 : vector<128x128xi1> to vector<128x128xi32>
    %convert_element_type3A_192 = arith.sitofp %convert_element_type3A_191 : vector<128x128xi32> to vector<128x128xf32>
    %dot_general3A_193 = arith.constant dense<0.000000e+00> : vector<128x128xf32>
    %dot_general3A_194 = tpu.matmul %convert_element_type3A_192, %slice3A_187, %dot_general3A_193 {dimension_numbers = #tpu.dot_dimension_numbers<[0], [0], [1], [1], [0, 1, 1, 1], [], []>, transpose_lhs_hint = false} : vector<128x128xf32>, vector<128x128xf32>, vector<128x128xf32> -> vector<128x128xf32>
    %get3A_195 = arith.constant 17 : index
    %get3A_196 = arith.constant 0 : index
    %get3A_197 = vector.load %arg3[%get3A_195, %get3A_196] : memref<32x128xi32, #tpu.memory_space<vmem>>, vector<1x128xi32>
    %slice3A_198 = vector.extract_strided_slice %max3A_11 {offsets = [2176, 0], sizes = [128, 128], strides = [1, 1]} : vector<4096x128xf32> to vector<128x128xf32>
    %broadcast_in_dim3A_199 = vector.shape_cast %get3A_197 : vector<1x128xi32> to vector<1x128xi32>
    %broadcast_in_dim3A_200 = vector.broadcast %broadcast_in_dim3A_199 : vector<1x128xi32> to vector<128x128xi32>
    %eq3A_201 = arith.cmpi eq, %broadcast_in_dim3A_200, %iota3A : vector<128x128xi32>
    %convert_element_type3A_202 = arith.extui %eq3A_201 : vector<128x128xi1> to vector<128x128xi32>
    %convert_element_type3A_203 = arith.sitofp %convert_element_type3A_202 : vector<128x128xi32> to vector<128x128xf32>
    %dot_general3A_204 = arith.constant dense<0.000000e+00> : vector<128x128xf32>
    %dot_general3A_205 = tpu.matmul %convert_element_type3A_203, %slice3A_198, %dot_general3A_204 {dimension_numbers = #tpu.dot_dimension_numbers<[0], [0], [1], [1], [0, 1, 1, 1], [], []>, transpose_lhs_hint = false} : vector<128x128xf32>, vector<128x128xf32>, vector<128x128xf32> -> vector<128x128xf32>
    %get3A_206 = arith.constant 18 : index
    %get3A_207 = arith.constant 0 : index
    %get3A_208 = vector.load %arg3[%get3A_206, %get3A_207] : memref<32x128xi32, #tpu.memory_space<vmem>>, vector<1x128xi32>
    %slice3A_209 = vector.extract_strided_slice %max3A_11 {offsets = [2304, 0], sizes = [128, 128], strides = [1, 1]} : vector<4096x128xf32> to vector<128x128xf32>
    %broadcast_in_dim3A_210 = vector.shape_cast %get3A_208 : vector<1x128xi32> to vector<1x128xi32>
    %broadcast_in_dim3A_211 = vector.broadcast %broadcast_in_dim3A_210 : vector<1x128xi32> to vector<128x128xi32>
    %eq3A_212 = arith.cmpi eq, %broadcast_in_dim3A_211, %iota3A : vector<128x128xi32>
    %convert_element_type3A_213 = arith.extui %eq3A_212 : vector<128x128xi1> to vector<128x128xi32>
    %convert_element_type3A_214 = arith.sitofp %convert_element_type3A_213 : vector<128x128xi32> to vector<128x128xf32>
    %dot_general3A_215 = arith.constant dense<0.000000e+00> : vector<128x128xf32>
    %dot_general3A_216 = tpu.matmul %convert_element_type3A_214, %slice3A_209, %dot_general3A_215 {dimension_numbers = #tpu.dot_dimension_numbers<[0], [0], [1], [1], [0, 1, 1, 1], [], []>, transpose_lhs_hint = false} : vector<128x128xf32>, vector<128x128xf32>, vector<128x128xf32> -> vector<128x128xf32>
    %get3A_217 = arith.constant 19 : index
    %get3A_218 = arith.constant 0 : index
    %get3A_219 = vector.load %arg3[%get3A_217, %get3A_218] : memref<32x128xi32, #tpu.memory_space<vmem>>, vector<1x128xi32>
    %slice3A_220 = vector.extract_strided_slice %max3A_11 {offsets = [2432, 0], sizes = [128, 128], strides = [1, 1]} : vector<4096x128xf32> to vector<128x128xf32>
    %broadcast_in_dim3A_221 = vector.shape_cast %get3A_219 : vector<1x128xi32> to vector<1x128xi32>
    %broadcast_in_dim3A_222 = vector.broadcast %broadcast_in_dim3A_221 : vector<1x128xi32> to vector<128x128xi32>
    %eq3A_223 = arith.cmpi eq, %broadcast_in_dim3A_222, %iota3A : vector<128x128xi32>
    %convert_element_type3A_224 = arith.extui %eq3A_223 : vector<128x128xi1> to vector<128x128xi32>
    %convert_element_type3A_225 = arith.sitofp %convert_element_type3A_224 : vector<128x128xi32> to vector<128x128xf32>
    %dot_general3A_226 = arith.constant dense<0.000000e+00> : vector<128x128xf32>
    %dot_general3A_227 = tpu.matmul %convert_element_type3A_225, %slice3A_220, %dot_general3A_226 {dimension_numbers = #tpu.dot_dimension_numbers<[0], [0], [1], [1], [0, 1, 1, 1], [], []>, transpose_lhs_hint = false} : vector<128x128xf32>, vector<128x128xf32>, vector<128x128xf32> -> vector<128x128xf32>
    %get3A_228 = arith.constant 20 : index
    %get3A_229 = arith.constant 0 : index
    %get3A_230 = vector.load %arg3[%get3A_228, %get3A_229] : memref<32x128xi32, #tpu.memory_space<vmem>>, vector<1x128xi32>
    %slice3A_231 = vector.extract_strided_slice %max3A_11 {offsets = [2560, 0], sizes = [128, 128], strides = [1, 1]} : vector<4096x128xf32> to vector<128x128xf32>
    %broadcast_in_dim3A_232 = vector.shape_cast %get3A_230 : vector<1x128xi32> to vector<1x128xi32>
    %broadcast_in_dim3A_233 = vector.broadcast %broadcast_in_dim3A_232 : vector<1x128xi32> to vector<128x128xi32>
    %eq3A_234 = arith.cmpi eq, %broadcast_in_dim3A_233, %iota3A : vector<128x128xi32>
    %convert_element_type3A_235 = arith.extui %eq3A_234 : vector<128x128xi1> to vector<128x128xi32>
    %convert_element_type3A_236 = arith.sitofp %convert_element_type3A_235 : vector<128x128xi32> to vector<128x128xf32>
    %dot_general3A_237 = arith.constant dense<0.000000e+00> : vector<128x128xf32>
    %dot_general3A_238 = tpu.matmul %convert_element_type3A_236, %slice3A_231, %dot_general3A_237 {dimension_numbers = #tpu.dot_dimension_numbers<[0], [0], [1], [1], [0, 1, 1, 1], [], []>, transpose_lhs_hint = false} : vector<128x128xf32>, vector<128x128xf32>, vector<128x128xf32> -> vector<128x128xf32>
    %get3A_239 = arith.constant 21 : index
    %get3A_240 = arith.constant 0 : index
    %get3A_241 = vector.load %arg3[%get3A_239, %get3A_240] : memref<32x128xi32, #tpu.memory_space<vmem>>, vector<1x128xi32>
    %slice3A_242 = vector.extract_strided_slice %max3A_11 {offsets = [2688, 0], sizes = [128, 128], strides = [1, 1]} : vector<4096x128xf32> to vector<128x128xf32>
    %broadcast_in_dim3A_243 = vector.shape_cast %get3A_241 : vector<1x128xi32> to vector<1x128xi32>
    %broadcast_in_dim3A_244 = vector.broadcast %broadcast_in_dim3A_243 : vector<1x128xi32> to vector<128x128xi32>
    %eq3A_245 = arith.cmpi eq, %broadcast_in_dim3A_244, %iota3A : vector<128x128xi32>
    %convert_element_type3A_246 = arith.extui %eq3A_245 : vector<128x128xi1> to vector<128x128xi32>
    %convert_element_type3A_247 = arith.sitofp %convert_element_type3A_246 : vector<128x128xi32> to vector<128x128xf32>
    %dot_general3A_248 = arith.constant dense<0.000000e+00> : vector<128x128xf32>
    %dot_general3A_249 = tpu.matmul %convert_element_type3A_247, %slice3A_242, %dot_general3A_248 {dimension_numbers = #tpu.dot_dimension_numbers<[0], [0], [1], [1], [0, 1, 1, 1], [], []>, transpose_lhs_hint = false} : vector<128x128xf32>, vector<128x128xf32>, vector<128x128xf32> -> vector<128x128xf32>
    %get3A_250 = arith.constant 22 : index
    %get3A_251 = arith.constant 0 : index
    %get3A_252 = vector.load %arg3[%get3A_250, %get3A_251] : memref<32x128xi32, #tpu.memory_space<vmem>>, vector<1x128xi32>
    %slice3A_253 = vector.extract_strided_slice %max3A_11 {offsets = [2816, 0], sizes = [128, 128], strides = [1, 1]} : vector<4096x128xf32> to vector<128x128xf32>
    %broadcast_in_dim3A_254 = vector.shape_cast %get3A_252 : vector<1x128xi32> to vector<1x128xi32>
    %broadcast_in_dim3A_255 = vector.broadcast %broadcast_in_dim3A_254 : vector<1x128xi32> to vector<128x128xi32>
    %eq3A_256 = arith.cmpi eq, %broadcast_in_dim3A_255, %iota3A : vector<128x128xi32>
    %convert_element_type3A_257 = arith.extui %eq3A_256 : vector<128x128xi1> to vector<128x128xi32>
    %convert_element_type3A_258 = arith.sitofp %convert_element_type3A_257 : vector<128x128xi32> to vector<128x128xf32>
    %dot_general3A_259 = arith.constant dense<0.000000e+00> : vector<128x128xf32>
    %dot_general3A_260 = tpu.matmul %convert_element_type3A_258, %slice3A_253, %dot_general3A_259 {dimension_numbers = #tpu.dot_dimension_numbers<[0], [0], [1], [1], [0, 1, 1, 1], [], []>, transpose_lhs_hint = false} : vector<128x128xf32>, vector<128x128xf32>, vector<128x128xf32> -> vector<128x128xf32>
    %get3A_261 = arith.constant 23 : index
    %get3A_262 = arith.constant 0 : index
    %get3A_263 = vector.load %arg3[%get3A_261, %get3A_262] : memref<32x128xi32, #tpu.memory_space<vmem>>, vector<1x128xi32>
    %slice3A_264 = vector.extract_strided_slice %max3A_11 {offsets = [2944, 0], sizes = [128, 128], strides = [1, 1]} : vector<4096x128xf32> to vector<128x128xf32>
    %broadcast_in_dim3A_265 = vector.shape_cast %get3A_263 : vector<1x128xi32> to vector<1x128xi32>
    %broadcast_in_dim3A_266 = vector.broadcast %broadcast_in_dim3A_265 : vector<1x128xi32> to vector<128x128xi32>
    %eq3A_267 = arith.cmpi eq, %broadcast_in_dim3A_266, %iota3A : vector<128x128xi32>
    %convert_element_type3A_268 = arith.extui %eq3A_267 : vector<128x128xi1> to vector<128x128xi32>
    %convert_element_type3A_269 = arith.sitofp %convert_element_type3A_268 : vector<128x128xi32> to vector<128x128xf32>
    %dot_general3A_270 = arith.constant dense<0.000000e+00> : vector<128x128xf32>
    %dot_general3A_271 = tpu.matmul %convert_element_type3A_269, %slice3A_264, %dot_general3A_270 {dimension_numbers = #tpu.dot_dimension_numbers<[0], [0], [1], [1], [0, 1, 1, 1], [], []>, transpose_lhs_hint = false} : vector<128x128xf32>, vector<128x128xf32>, vector<128x128xf32> -> vector<128x128xf32>
    %get3A_272 = arith.constant 24 : index
    %get3A_273 = arith.constant 0 : index
    %get3A_274 = vector.load %arg3[%get3A_272, %get3A_273] : memref<32x128xi32, #tpu.memory_space<vmem>>, vector<1x128xi32>
    %slice3A_275 = vector.extract_strided_slice %max3A_11 {offsets = [3072, 0], sizes = [128, 128], strides = [1, 1]} : vector<4096x128xf32> to vector<128x128xf32>
    %broadcast_in_dim3A_276 = vector.shape_cast %get3A_274 : vector<1x128xi32> to vector<1x128xi32>
    %broadcast_in_dim3A_277 = vector.broadcast %broadcast_in_dim3A_276 : vector<1x128xi32> to vector<128x128xi32>
    %eq3A_278 = arith.cmpi eq, %broadcast_in_dim3A_277, %iota3A : vector<128x128xi32>
    %convert_element_type3A_279 = arith.extui %eq3A_278 : vector<128x128xi1> to vector<128x128xi32>
    %convert_element_type3A_280 = arith.sitofp %convert_element_type3A_279 : vector<128x128xi32> to vector<128x128xf32>
    %dot_general3A_281 = arith.constant dense<0.000000e+00> : vector<128x128xf32>
    %dot_general3A_282 = tpu.matmul %convert_element_type3A_280, %slice3A_275, %dot_general3A_281 {dimension_numbers = #tpu.dot_dimension_numbers<[0], [0], [1], [1], [0, 1, 1, 1], [], []>, transpose_lhs_hint = false} : vector<128x128xf32>, vector<128x128xf32>, vector<128x128xf32> -> vector<128x128xf32>
    %get3A_283 = arith.constant 25 : index
    %get3A_284 = arith.constant 0 : index
    %get3A_285 = vector.load %arg3[%get3A_283, %get3A_284] : memref<32x128xi32, #tpu.memory_space<vmem>>, vector<1x128xi32>
    %slice3A_286 = vector.extract_strided_slice %max3A_11 {offsets = [3200, 0], sizes = [128, 128], strides = [1, 1]} : vector<4096x128xf32> to vector<128x128xf32>
    %broadcast_in_dim3A_287 = vector.shape_cast %get3A_285 : vector<1x128xi32> to vector<1x128xi32>
    %broadcast_in_dim3A_288 = vector.broadcast %broadcast_in_dim3A_287 : vector<1x128xi32> to vector<128x128xi32>
    %eq3A_289 = arith.cmpi eq, %broadcast_in_dim3A_288, %iota3A : vector<128x128xi32>
    %convert_element_type3A_290 = arith.extui %eq3A_289 : vector<128x128xi1> to vector<128x128xi32>
    %convert_element_type3A_291 = arith.sitofp %convert_element_type3A_290 : vector<128x128xi32> to vector<128x128xf32>
    %dot_general3A_292 = arith.constant dense<0.000000e+00> : vector<128x128xf32>
    %dot_general3A_293 = tpu.matmul %convert_element_type3A_291, %slice3A_286, %dot_general3A_292 {dimension_numbers = #tpu.dot_dimension_numbers<[0], [0], [1], [1], [0, 1, 1, 1], [], []>, transpose_lhs_hint = false} : vector<128x128xf32>, vector<128x128xf32>, vector<128x128xf32> -> vector<128x128xf32>
    %get3A_294 = arith.constant 26 : index
    %get3A_295 = arith.constant 0 : index
    %get3A_296 = vector.load %arg3[%get3A_294, %get3A_295] : memref<32x128xi32, #tpu.memory_space<vmem>>, vector<1x128xi32>
    %slice3A_297 = vector.extract_strided_slice %max3A_11 {offsets = [3328, 0], sizes = [128, 128], strides = [1, 1]} : vector<4096x128xf32> to vector<128x128xf32>
    %broadcast_in_dim3A_298 = vector.shape_cast %get3A_296 : vector<1x128xi32> to vector<1x128xi32>
    %broadcast_in_dim3A_299 = vector.broadcast %broadcast_in_dim3A_298 : vector<1x128xi32> to vector<128x128xi32>
    %eq3A_300 = arith.cmpi eq, %broadcast_in_dim3A_299, %iota3A : vector<128x128xi32>
    %convert_element_type3A_301 = arith.extui %eq3A_300 : vector<128x128xi1> to vector<128x128xi32>
    %convert_element_type3A_302 = arith.sitofp %convert_element_type3A_301 : vector<128x128xi32> to vector<128x128xf32>
    %dot_general3A_303 = arith.constant dense<0.000000e+00> : vector<128x128xf32>
    %dot_general3A_304 = tpu.matmul %convert_element_type3A_302, %slice3A_297, %dot_general3A_303 {dimension_numbers = #tpu.dot_dimension_numbers<[0], [0], [1], [1], [0, 1, 1, 1], [], []>, transpose_lhs_hint = false} : vector<128x128xf32>, vector<128x128xf32>, vector<128x128xf32> -> vector<128x128xf32>
    %get3A_305 = arith.constant 27 : index
    %get3A_306 = arith.constant 0 : index
    %get3A_307 = vector.load %arg3[%get3A_305, %get3A_306] : memref<32x128xi32, #tpu.memory_space<vmem>>, vector<1x128xi32>
    %slice3A_308 = vector.extract_strided_slice %max3A_11 {offsets = [3456, 0], sizes = [128, 128], strides = [1, 1]} : vector<4096x128xf32> to vector<128x128xf32>
    %broadcast_in_dim3A_309 = vector.shape_cast %get3A_307 : vector<1x128xi32> to vector<1x128xi32>
    %broadcast_in_dim3A_310 = vector.broadcast %broadcast_in_dim3A_309 : vector<1x128xi32> to vector<128x128xi32>
    %eq3A_311 = arith.cmpi eq, %broadcast_in_dim3A_310, %iota3A : vector<128x128xi32>
    %convert_element_type3A_312 = arith.extui %eq3A_311 : vector<128x128xi1> to vector<128x128xi32>
    %convert_element_type3A_313 = arith.sitofp %convert_element_type3A_312 : vector<128x128xi32> to vector<128x128xf32>
    %dot_general3A_314 = arith.constant dense<0.000000e+00> : vector<128x128xf32>
    %dot_general3A_315 = tpu.matmul %convert_element_type3A_313, %slice3A_308, %dot_general3A_314 {dimension_numbers = #tpu.dot_dimension_numbers<[0], [0], [1], [1], [0, 1, 1, 1], [], []>, transpose_lhs_hint = false} : vector<128x128xf32>, vector<128x128xf32>, vector<128x128xf32> -> vector<128x128xf32>
    %get3A_316 = arith.constant 28 : index
    %get3A_317 = arith.constant 0 : index
    %get3A_318 = vector.load %arg3[%get3A_316, %get3A_317] : memref<32x128xi32, #tpu.memory_space<vmem>>, vector<1x128xi32>
    %slice3A_319 = vector.extract_strided_slice %max3A_11 {offsets = [3584, 0], sizes = [128, 128], strides = [1, 1]} : vector<4096x128xf32> to vector<128x128xf32>
    %broadcast_in_dim3A_320 = vector.shape_cast %get3A_318 : vector<1x128xi32> to vector<1x128xi32>
    %broadcast_in_dim3A_321 = vector.broadcast %broadcast_in_dim3A_320 : vector<1x128xi32> to vector<128x128xi32>
    %eq3A_322 = arith.cmpi eq, %broadcast_in_dim3A_321, %iota3A : vector<128x128xi32>
    %convert_element_type3A_323 = arith.extui %eq3A_322 : vector<128x128xi1> to vector<128x128xi32>
    %convert_element_type3A_324 = arith.sitofp %convert_element_type3A_323 : vector<128x128xi32> to vector<128x128xf32>
    %dot_general3A_325 = arith.constant dense<0.000000e+00> : vector<128x128xf32>
    %dot_general3A_326 = tpu.matmul %convert_element_type3A_324, %slice3A_319, %dot_general3A_325 {dimension_numbers = #tpu.dot_dimension_numbers<[0], [0], [1], [1], [0, 1, 1, 1], [], []>, transpose_lhs_hint = false} : vector<128x128xf32>, vector<128x128xf32>, vector<128x128xf32> -> vector<128x128xf32>
    %get3A_327 = arith.constant 29 : index
    %get3A_328 = arith.constant 0 : index
    %get3A_329 = vector.load %arg3[%get3A_327, %get3A_328] : memref<32x128xi32, #tpu.memory_space<vmem>>, vector<1x128xi32>
    %slice3A_330 = vector.extract_strided_slice %max3A_11 {offsets = [3712, 0], sizes = [128, 128], strides = [1, 1]} : vector<4096x128xf32> to vector<128x128xf32>
    %broadcast_in_dim3A_331 = vector.shape_cast %get3A_329 : vector<1x128xi32> to vector<1x128xi32>
    %broadcast_in_dim3A_332 = vector.broadcast %broadcast_in_dim3A_331 : vector<1x128xi32> to vector<128x128xi32>
    %eq3A_333 = arith.cmpi eq, %broadcast_in_dim3A_332, %iota3A : vector<128x128xi32>
    %convert_element_type3A_334 = arith.extui %eq3A_333 : vector<128x128xi1> to vector<128x128xi32>
    %convert_element_type3A_335 = arith.sitofp %convert_element_type3A_334 : vector<128x128xi32> to vector<128x128xf32>
    %dot_general3A_336 = arith.constant dense<0.000000e+00> : vector<128x128xf32>
    %dot_general3A_337 = tpu.matmul %convert_element_type3A_335, %slice3A_330, %dot_general3A_336 {dimension_numbers = #tpu.dot_dimension_numbers<[0], [0], [1], [1], [0, 1, 1, 1], [], []>, transpose_lhs_hint = false} : vector<128x128xf32>, vector<128x128xf32>, vector<128x128xf32> -> vector<128x128xf32>
    %get3A_338 = arith.constant 30 : index
    %get3A_339 = arith.constant 0 : index
    %get3A_340 = vector.load %arg3[%get3A_338, %get3A_339] : memref<32x128xi32, #tpu.memory_space<vmem>>, vector<1x128xi32>
    %slice3A_341 = vector.extract_strided_slice %max3A_11 {offsets = [3840, 0], sizes = [128, 128], strides = [1, 1]} : vector<4096x128xf32> to vector<128x128xf32>
    %broadcast_in_dim3A_342 = vector.shape_cast %get3A_340 : vector<1x128xi32> to vector<1x128xi32>
    %broadcast_in_dim3A_343 = vector.broadcast %broadcast_in_dim3A_342 : vector<1x128xi32> to vector<128x128xi32>
    %eq3A_344 = arith.cmpi eq, %broadcast_in_dim3A_343, %iota3A : vector<128x128xi32>
    %convert_element_type3A_345 = arith.extui %eq3A_344 : vector<128x128xi1> to vector<128x128xi32>
    %convert_element_type3A_346 = arith.sitofp %convert_element_type3A_345 : vector<128x128xi32> to vector<128x128xf32>
    %dot_general3A_347 = arith.constant dense<0.000000e+00> : vector<128x128xf32>
    %dot_general3A_348 = tpu.matmul %convert_element_type3A_346, %slice3A_341, %dot_general3A_347 {dimension_numbers = #tpu.dot_dimension_numbers<[0], [0], [1], [1], [0, 1, 1, 1], [], []>, transpose_lhs_hint = false} : vector<128x128xf32>, vector<128x128xf32>, vector<128x128xf32> -> vector<128x128xf32>
    %get3A_349 = arith.constant 31 : index
    %get3A_350 = arith.constant 0 : index
    %get3A_351 = vector.load %arg3[%get3A_349, %get3A_350] : memref<32x128xi32, #tpu.memory_space<vmem>>, vector<1x128xi32>
    %slice3A_352 = vector.extract_strided_slice %max3A_11 {offsets = [3968, 0], sizes = [128, 128], strides = [1, 1]} : vector<4096x128xf32> to vector<128x128xf32>
    %broadcast_in_dim3A_353 = vector.shape_cast %get3A_351 : vector<1x128xi32> to vector<1x128xi32>
    %broadcast_in_dim3A_354 = vector.broadcast %broadcast_in_dim3A_353 : vector<1x128xi32> to vector<128x128xi32>
    %eq3A_355 = arith.cmpi eq, %broadcast_in_dim3A_354, %iota3A : vector<128x128xi32>
    %convert_element_type3A_356 = arith.extui %eq3A_355 : vector<128x128xi1> to vector<128x128xi32>
    %convert_element_type3A_357 = arith.sitofp %convert_element_type3A_356 : vector<128x128xi32> to vector<128x128xf32>
    %dot_general3A_358 = arith.constant dense<0.000000e+00> : vector<128x128xf32>
    %dot_general3A_359 = tpu.matmul %convert_element_type3A_357, %slice3A_352, %dot_general3A_358 {dimension_numbers = #tpu.dot_dimension_numbers<[0], [0], [1], [1], [0, 1, 1, 1], [], []>, transpose_lhs_hint = false} : vector<128x128xf32>, vector<128x128xf32>, vector<128x128xf32> -> vector<128x128xf32>
    %concatenate3A = tpu.concatenate %dot_general3A_18, %dot_general3A_29, %dot_general3A_40, %dot_general3A_51, %dot_general3A_62, %dot_general3A_73, %dot_general3A_84, %dot_general3A_95, %dot_general3A_106, %dot_general3A_117, %dot_general3A_128, %dot_general3A_139, %dot_general3A_150, %dot_general3A_161, %dot_general3A_172, %dot_general3A_183, %dot_general3A_194, %dot_general3A_205, %dot_general3A_216, %dot_general3A_227, %dot_general3A_238, %dot_general3A_249, %dot_general3A_260, %dot_general3A_271, %dot_general3A_282, %dot_general3A_293, %dot_general3A_304, %dot_general3A_315, %dot_general3A_326, %dot_general3A_337, %dot_general3A_348, %dot_general3A_359 in 0 : vector<128x128xf32>, vector<128x128xf32>, vector<128x128xf32>, vector<128x128xf32>, vector<128x128xf32>, vector<128x128xf32>, vector<128x128xf32>, vector<128x128xf32>, vector<128x128xf32>, vector<128x128xf32>, vector<128x128xf32>, vector<128x128xf32>, vector<128x128xf32>, vector<128x128xf32>, vector<128x128xf32>, vector<128x128xf32>, vector<128x128xf32>, vector<128x128xf32>, vector<128x128xf32>, vector<128x128xf32>, vector<128x128xf32>, vector<128x128xf32>, vector<128x128xf32>, vector<128x128xf32>, vector<128x128xf32>, vector<128x128xf32>, vector<128x128xf32>, vector<128x128xf32>, vector<128x128xf32>, vector<128x128xf32>, vector<128x128xf32>, vector<128x128xf32> -> vector<4096x128xf32>
    %get3A_360 = arith.constant 0 : index
    %get3A_361 = arith.constant 0 : index
    %get3A_362 = arith.constant 0 : index
    %get3A_363 = vector.load %arg6[%get3A_360, %get3A_361, %get3A_362] : memref<8x128x128xf32, #tpu.memory_space<vmem>>, vector<1x128x128xf32>
    %get3A_364 = vector.shape_cast %get3A_363 : vector<1x128x128xf32> to vector<128x128xf32>
    %dot_general3A_365 = arith.constant dense<0.000000e+00> : vector<4096x128xf32>
    %dot_general3A_366 = tpu.matmul %concatenate3A, %get3A_364, %dot_general3A_365 {dimension_numbers = #tpu.dot_dimension_numbers<[1], [0], [0], [1], [0, 0, 1, 1], [], []>, transpose_lhs_hint = false} : vector<4096x128xf32>, vector<128x128xf32>, vector<4096x128xf32> -> vector<4096x128xf32>
    %get3A_367 = arith.constant 1 : index
    %get3A_368 = arith.constant 0 : index
    %get3A_369 = arith.constant 0 : index
    %get3A_370 = vector.load %arg6[%get3A_367, %get3A_368, %get3A_369] : memref<8x128x128xf32, #tpu.memory_space<vmem>>, vector<1x128x128xf32>
    %get3A_371 = vector.shape_cast %get3A_370 : vector<1x128x128xf32> to vector<128x128xf32>
    %dot_general3A_372 = arith.constant dense<0.000000e+00> : vector<4096x128xf32>
    %dot_general3A_373 = tpu.matmul %concatenate3A, %get3A_371, %dot_general3A_372 {dimension_numbers = #tpu.dot_dimension_numbers<[1], [0], [0], [1], [0, 0, 1, 1], [], []>, transpose_lhs_hint = false} : vector<4096x128xf32>, vector<128x128xf32>, vector<4096x128xf32> -> vector<4096x128xf32>
    %get3A_374 = arith.constant 2 : index
    %get3A_375 = arith.constant 0 : index
    %get3A_376 = arith.constant 0 : index
    %get3A_377 = vector.load %arg6[%get3A_374, %get3A_375, %get3A_376] : memref<8x128x128xf32, #tpu.memory_space<vmem>>, vector<1x128x128xf32>
    %get3A_378 = vector.shape_cast %get3A_377 : vector<1x128x128xf32> to vector<128x128xf32>
    %dot_general3A_379 = arith.constant dense<0.000000e+00> : vector<4096x128xf32>
    %dot_general3A_380 = tpu.matmul %concatenate3A, %get3A_378, %dot_general3A_379 {dimension_numbers = #tpu.dot_dimension_numbers<[1], [0], [0], [1], [0, 0, 1, 1], [], []>, transpose_lhs_hint = false} : vector<4096x128xf32>, vector<128x128xf32>, vector<4096x128xf32> -> vector<4096x128xf32>
    %get3A_381 = arith.constant 3 : index
    %get3A_382 = arith.constant 0 : index
    %get3A_383 = arith.constant 0 : index
    %get3A_384 = vector.load %arg6[%get3A_381, %get3A_382, %get3A_383] : memref<8x128x128xf32, #tpu.memory_space<vmem>>, vector<1x128x128xf32>
    %get3A_385 = vector.shape_cast %get3A_384 : vector<1x128x128xf32> to vector<128x128xf32>
    %dot_general3A_386 = arith.constant dense<0.000000e+00> : vector<4096x128xf32>
    %dot_general3A_387 = tpu.matmul %concatenate3A, %get3A_385, %dot_general3A_386 {dimension_numbers = #tpu.dot_dimension_numbers<[1], [0], [0], [1], [0, 0, 1, 1], [], []>, transpose_lhs_hint = false} : vector<4096x128xf32>, vector<128x128xf32>, vector<4096x128xf32> -> vector<4096x128xf32>
    %slice3A_388 = vector.extract_strided_slice %dot_general3A_366 {offsets = [0, 0], sizes = [128, 128], strides = [1, 1]} : vector<4096x128xf32> to vector<128x128xf32>
    %slice3A_389 = vector.extract_strided_slice %dot_general3A_373 {offsets = [0, 0], sizes = [128, 128], strides = [1, 1]} : vector<4096x128xf32> to vector<128x128xf32>
    %slice3A_390 = vector.extract_strided_slice %dot_general3A_380 {offsets = [0, 0], sizes = [128, 128], strides = [1, 1]} : vector<4096x128xf32> to vector<128x128xf32>
    %slice3A_391 = vector.extract_strided_slice %dot_general3A_387 {offsets = [0, 0], sizes = [128, 128], strides = [1, 1]} : vector<4096x128xf32> to vector<128x128xf32>
    %concatenate3A_392 = tpu.concatenate %slice3A_388, %slice3A_389, %slice3A_390, %slice3A_391 in 0 : vector<128x128xf32>, vector<128x128xf32>, vector<128x128xf32>, vector<128x128xf32> -> vector<512x128xf32>
    %get3A_393 = arith.constant 0 : index
    %get3A_394 = arith.constant 0 : index
    %get3A_395 = arith.constant 0 : index
    %get3A_396 = vector.load %arg2[%get3A_393, %get3A_394, %get3A_395] : memref<32x128x512xf32, #tpu.memory_space<vmem>>, vector<1x128x512xf32>
    %get3A_397 = vector.shape_cast %get3A_396 : vector<1x128x512xf32> to vector<128x512xf32>
    %dot_general3A_398 = arith.constant dense<0.000000e+00> : vector<128x128xf32>
    %dot_general3A_399 = tpu.matmul %get3A_397, %concatenate3A_392, %dot_general3A_398 {dimension_numbers = #tpu.dot_dimension_numbers<[1], [0], [0], [1], [0, 0, 1, 1], [], []>, transpose_lhs_hint = false} : vector<128x512xf32>, vector<512x128xf32>, vector<128x128xf32> -> vector<128x128xf32>
    %slice3A_400 = vector.extract_strided_slice %dot_general3A_366 {offsets = [128, 0], sizes = [128, 128], strides = [1, 1]} : vector<4096x128xf32> to vector<128x128xf32>
    %slice3A_401 = vector.extract_strided_slice %dot_general3A_373 {offsets = [128, 0], sizes = [128, 128], strides = [1, 1]} : vector<4096x128xf32> to vector<128x128xf32>
    %slice3A_402 = vector.extract_strided_slice %dot_general3A_380 {offsets = [128, 0], sizes = [128, 128], strides = [1, 1]} : vector<4096x128xf32> to vector<128x128xf32>
    %slice3A_403 = vector.extract_strided_slice %dot_general3A_387 {offsets = [128, 0], sizes = [128, 128], strides = [1, 1]} : vector<4096x128xf32> to vector<128x128xf32>
    %concatenate3A_404 = tpu.concatenate %slice3A_400, %slice3A_401, %slice3A_402, %slice3A_403 in 0 : vector<128x128xf32>, vector<128x128xf32>, vector<128x128xf32>, vector<128x128xf32> -> vector<512x128xf32>
    %get3A_405 = arith.constant 1 : index
    %get3A_406 = arith.constant 0 : index
    %get3A_407 = arith.constant 0 : index
    %get3A_408 = vector.load %arg2[%get3A_405, %get3A_406, %get3A_407] : memref<32x128x512xf32, #tpu.memory_space<vmem>>, vector<1x128x512xf32>
    %get3A_409 = vector.shape_cast %get3A_408 : vector<1x128x512xf32> to vector<128x512xf32>
    %dot_general3A_410 = arith.constant dense<0.000000e+00> : vector<128x128xf32>
    %dot_general3A_411 = tpu.matmul %get3A_409, %concatenate3A_404, %dot_general3A_410 {dimension_numbers = #tpu.dot_dimension_numbers<[1], [0], [0], [1], [0, 0, 1, 1], [], []>, transpose_lhs_hint = false} : vector<128x512xf32>, vector<512x128xf32>, vector<128x128xf32> -> vector<128x128xf32>
    %slice3A_412 = vector.extract_strided_slice %dot_general3A_366 {offsets = [256, 0], sizes = [128, 128], strides = [1, 1]} : vector<4096x128xf32> to vector<128x128xf32>
    %slice3A_413 = vector.extract_strided_slice %dot_general3A_373 {offsets = [256, 0], sizes = [128, 128], strides = [1, 1]} : vector<4096x128xf32> to vector<128x128xf32>
    %slice3A_414 = vector.extract_strided_slice %dot_general3A_380 {offsets = [256, 0], sizes = [128, 128], strides = [1, 1]} : vector<4096x128xf32> to vector<128x128xf32>
    %slice3A_415 = vector.extract_strided_slice %dot_general3A_387 {offsets = [256, 0], sizes = [128, 128], strides = [1, 1]} : vector<4096x128xf32> to vector<128x128xf32>
    %concatenate3A_416 = tpu.concatenate %slice3A_412, %slice3A_413, %slice3A_414, %slice3A_415 in 0 : vector<128x128xf32>, vector<128x128xf32>, vector<128x128xf32>, vector<128x128xf32> -> vector<512x128xf32>
    %get3A_417 = arith.constant 2 : index
    %get3A_418 = arith.constant 0 : index
    %get3A_419 = arith.constant 0 : index
    %get3A_420 = vector.load %arg2[%get3A_417, %get3A_418, %get3A_419] : memref<32x128x512xf32, #tpu.memory_space<vmem>>, vector<1x128x512xf32>
    %get3A_421 = vector.shape_cast %get3A_420 : vector<1x128x512xf32> to vector<128x512xf32>
    %dot_general3A_422 = arith.constant dense<0.000000e+00> : vector<128x128xf32>
    %dot_general3A_423 = tpu.matmul %get3A_421, %concatenate3A_416, %dot_general3A_422 {dimension_numbers = #tpu.dot_dimension_numbers<[1], [0], [0], [1], [0, 0, 1, 1], [], []>, transpose_lhs_hint = false} : vector<128x512xf32>, vector<512x128xf32>, vector<128x128xf32> -> vector<128x128xf32>
    %slice3A_424 = vector.extract_strided_slice %dot_general3A_366 {offsets = [384, 0], sizes = [128, 128], strides = [1, 1]} : vector<4096x128xf32> to vector<128x128xf32>
    %slice3A_425 = vector.extract_strided_slice %dot_general3A_373 {offsets = [384, 0], sizes = [128, 128], strides = [1, 1]} : vector<4096x128xf32> to vector<128x128xf32>
    %slice3A_426 = vector.extract_strided_slice %dot_general3A_380 {offsets = [384, 0], sizes = [128, 128], strides = [1, 1]} : vector<4096x128xf32> to vector<128x128xf32>
    %slice3A_427 = vector.extract_strided_slice %dot_general3A_387 {offsets = [384, 0], sizes = [128, 128], strides = [1, 1]} : vector<4096x128xf32> to vector<128x128xf32>
    %concatenate3A_428 = tpu.concatenate %slice3A_424, %slice3A_425, %slice3A_426, %slice3A_427 in 0 : vector<128x128xf32>, vector<128x128xf32>, vector<128x128xf32>, vector<128x128xf32> -> vector<512x128xf32>
    %get3A_429 = arith.constant 3 : index
    %get3A_430 = arith.constant 0 : index
    %get3A_431 = arith.constant 0 : index
    %get3A_432 = vector.load %arg2[%get3A_429, %get3A_430, %get3A_431] : memref<32x128x512xf32, #tpu.memory_space<vmem>>, vector<1x128x512xf32>
    %get3A_433 = vector.shape_cast %get3A_432 : vector<1x128x512xf32> to vector<128x512xf32>
    %dot_general3A_434 = arith.constant dense<0.000000e+00> : vector<128x128xf32>
    %dot_general3A_435 = tpu.matmul %get3A_433, %concatenate3A_428, %dot_general3A_434 {dimension_numbers = #tpu.dot_dimension_numbers<[1], [0], [0], [1], [0, 0, 1, 1], [], []>, transpose_lhs_hint = false} : vector<128x512xf32>, vector<512x128xf32>, vector<128x128xf32> -> vector<128x128xf32>
    %slice3A_436 = vector.extract_strided_slice %dot_general3A_366 {offsets = [512, 0], sizes = [128, 128], strides = [1, 1]} : vector<4096x128xf32> to vector<128x128xf32>
    %slice3A_437 = vector.extract_strided_slice %dot_general3A_373 {offsets = [512, 0], sizes = [128, 128], strides = [1, 1]} : vector<4096x128xf32> to vector<128x128xf32>
    %slice3A_438 = vector.extract_strided_slice %dot_general3A_380 {offsets = [512, 0], sizes = [128, 128], strides = [1, 1]} : vector<4096x128xf32> to vector<128x128xf32>
    %slice3A_439 = vector.extract_strided_slice %dot_general3A_387 {offsets = [512, 0], sizes = [128, 128], strides = [1, 1]} : vector<4096x128xf32> to vector<128x128xf32>
    %concatenate3A_440 = tpu.concatenate %slice3A_436, %slice3A_437, %slice3A_438, %slice3A_439 in 0 : vector<128x128xf32>, vector<128x128xf32>, vector<128x128xf32>, vector<128x128xf32> -> vector<512x128xf32>
    %get3A_441 = arith.constant 4 : index
    %get3A_442 = arith.constant 0 : index
    %get3A_443 = arith.constant 0 : index
    %get3A_444 = vector.load %arg2[%get3A_441, %get3A_442, %get3A_443] : memref<32x128x512xf32, #tpu.memory_space<vmem>>, vector<1x128x512xf32>
    %get3A_445 = vector.shape_cast %get3A_444 : vector<1x128x512xf32> to vector<128x512xf32>
    %dot_general3A_446 = arith.constant dense<0.000000e+00> : vector<128x128xf32>
    %dot_general3A_447 = tpu.matmul %get3A_445, %concatenate3A_440, %dot_general3A_446 {dimension_numbers = #tpu.dot_dimension_numbers<[1], [0], [0], [1], [0, 0, 1, 1], [], []>, transpose_lhs_hint = false} : vector<128x512xf32>, vector<512x128xf32>, vector<128x128xf32> -> vector<128x128xf32>
    %slice3A_448 = vector.extract_strided_slice %dot_general3A_366 {offsets = [640, 0], sizes = [128, 128], strides = [1, 1]} : vector<4096x128xf32> to vector<128x128xf32>
    %slice3A_449 = vector.extract_strided_slice %dot_general3A_373 {offsets = [640, 0], sizes = [128, 128], strides = [1, 1]} : vector<4096x128xf32> to vector<128x128xf32>
    %slice3A_450 = vector.extract_strided_slice %dot_general3A_380 {offsets = [640, 0], sizes = [128, 128], strides = [1, 1]} : vector<4096x128xf32> to vector<128x128xf32>
    %slice3A_451 = vector.extract_strided_slice %dot_general3A_387 {offsets = [640, 0], sizes = [128, 128], strides = [1, 1]} : vector<4096x128xf32> to vector<128x128xf32>
    %concatenate3A_452 = tpu.concatenate %slice3A_448, %slice3A_449, %slice3A_450, %slice3A_451 in 0 : vector<128x128xf32>, vector<128x128xf32>, vector<128x128xf32>, vector<128x128xf32> -> vector<512x128xf32>
    %get3A_453 = arith.constant 5 : index
    %get3A_454 = arith.constant 0 : index
    %get3A_455 = arith.constant 0 : index
    %get3A_456 = vector.load %arg2[%get3A_453, %get3A_454, %get3A_455] : memref<32x128x512xf32, #tpu.memory_space<vmem>>, vector<1x128x512xf32>
    %get3A_457 = vector.shape_cast %get3A_456 : vector<1x128x512xf32> to vector<128x512xf32>
    %dot_general3A_458 = arith.constant dense<0.000000e+00> : vector<128x128xf32>
    %dot_general3A_459 = tpu.matmul %get3A_457, %concatenate3A_452, %dot_general3A_458 {dimension_numbers = #tpu.dot_dimension_numbers<[1], [0], [0], [1], [0, 0, 1, 1], [], []>, transpose_lhs_hint = false} : vector<128x512xf32>, vector<512x128xf32>, vector<128x128xf32> -> vector<128x128xf32>
    %slice3A_460 = vector.extract_strided_slice %dot_general3A_366 {offsets = [768, 0], sizes = [128, 128], strides = [1, 1]} : vector<4096x128xf32> to vector<128x128xf32>
    %slice3A_461 = vector.extract_strided_slice %dot_general3A_373 {offsets = [768, 0], sizes = [128, 128], strides = [1, 1]} : vector<4096x128xf32> to vector<128x128xf32>
    %slice3A_462 = vector.extract_strided_slice %dot_general3A_380 {offsets = [768, 0], sizes = [128, 128], strides = [1, 1]} : vector<4096x128xf32> to vector<128x128xf32>
    %slice3A_463 = vector.extract_strided_slice %dot_general3A_387 {offsets = [768, 0], sizes = [128, 128], strides = [1, 1]} : vector<4096x128xf32> to vector<128x128xf32>
    %concatenate3A_464 = tpu.concatenate %slice3A_460, %slice3A_461, %slice3A_462, %slice3A_463 in 0 : vector<128x128xf32>, vector<128x128xf32>, vector<128x128xf32>, vector<128x128xf32> -> vector<512x128xf32>
    %get3A_465 = arith.constant 6 : index
    %get3A_466 = arith.constant 0 : index
    %get3A_467 = arith.constant 0 : index
    %get3A_468 = vector.load %arg2[%get3A_465, %get3A_466, %get3A_467] : memref<32x128x512xf32, #tpu.memory_space<vmem>>, vector<1x128x512xf32>
    %get3A_469 = vector.shape_cast %get3A_468 : vector<1x128x512xf32> to vector<128x512xf32>
    %dot_general3A_470 = arith.constant dense<0.000000e+00> : vector<128x128xf32>
    %dot_general3A_471 = tpu.matmul %get3A_469, %concatenate3A_464, %dot_general3A_470 {dimension_numbers = #tpu.dot_dimension_numbers<[1], [0], [0], [1], [0, 0, 1, 1], [], []>, transpose_lhs_hint = false} : vector<128x512xf32>, vector<512x128xf32>, vector<128x128xf32> -> vector<128x128xf32>
    %slice3A_472 = vector.extract_strided_slice %dot_general3A_366 {offsets = [896, 0], sizes = [128, 128], strides = [1, 1]} : vector<4096x128xf32> to vector<128x128xf32>
    %slice3A_473 = vector.extract_strided_slice %dot_general3A_373 {offsets = [896, 0], sizes = [128, 128], strides = [1, 1]} : vector<4096x128xf32> to vector<128x128xf32>
    %slice3A_474 = vector.extract_strided_slice %dot_general3A_380 {offsets = [896, 0], sizes = [128, 128], strides = [1, 1]} : vector<4096x128xf32> to vector<128x128xf32>
    %slice3A_475 = vector.extract_strided_slice %dot_general3A_387 {offsets = [896, 0], sizes = [128, 128], strides = [1, 1]} : vector<4096x128xf32> to vector<128x128xf32>
    %concatenate3A_476 = tpu.concatenate %slice3A_472, %slice3A_473, %slice3A_474, %slice3A_475 in 0 : vector<128x128xf32>, vector<128x128xf32>, vector<128x128xf32>, vector<128x128xf32> -> vector<512x128xf32>
    %get3A_477 = arith.constant 7 : index
    %get3A_478 = arith.constant 0 : index
    %get3A_479 = arith.constant 0 : index
    %get3A_480 = vector.load %arg2[%get3A_477, %get3A_478, %get3A_479] : memref<32x128x512xf32, #tpu.memory_space<vmem>>, vector<1x128x512xf32>
    %get3A_481 = vector.shape_cast %get3A_480 : vector<1x128x512xf32> to vector<128x512xf32>
    %dot_general3A_482 = arith.constant dense<0.000000e+00> : vector<128x128xf32>
    %dot_general3A_483 = tpu.matmul %get3A_481, %concatenate3A_476, %dot_general3A_482 {dimension_numbers = #tpu.dot_dimension_numbers<[1], [0], [0], [1], [0, 0, 1, 1], [], []>, transpose_lhs_hint = false} : vector<128x512xf32>, vector<512x128xf32>, vector<128x128xf32> -> vector<128x128xf32>
    %slice3A_484 = vector.extract_strided_slice %dot_general3A_366 {offsets = [1024, 0], sizes = [128, 128], strides = [1, 1]} : vector<4096x128xf32> to vector<128x128xf32>
    %slice3A_485 = vector.extract_strided_slice %dot_general3A_373 {offsets = [1024, 0], sizes = [128, 128], strides = [1, 1]} : vector<4096x128xf32> to vector<128x128xf32>
    %slice3A_486 = vector.extract_strided_slice %dot_general3A_380 {offsets = [1024, 0], sizes = [128, 128], strides = [1, 1]} : vector<4096x128xf32> to vector<128x128xf32>
    %slice3A_487 = vector.extract_strided_slice %dot_general3A_387 {offsets = [1024, 0], sizes = [128, 128], strides = [1, 1]} : vector<4096x128xf32> to vector<128x128xf32>
    %concatenate3A_488 = tpu.concatenate %slice3A_484, %slice3A_485, %slice3A_486, %slice3A_487 in 0 : vector<128x128xf32>, vector<128x128xf32>, vector<128x128xf32>, vector<128x128xf32> -> vector<512x128xf32>
    %get3A_489 = arith.constant 8 : index
    %get3A_490 = arith.constant 0 : index
    %get3A_491 = arith.constant 0 : index
    %get3A_492 = vector.load %arg2[%get3A_489, %get3A_490, %get3A_491] : memref<32x128x512xf32, #tpu.memory_space<vmem>>, vector<1x128x512xf32>
    %get3A_493 = vector.shape_cast %get3A_492 : vector<1x128x512xf32> to vector<128x512xf32>
    %dot_general3A_494 = arith.constant dense<0.000000e+00> : vector<128x128xf32>
    %dot_general3A_495 = tpu.matmul %get3A_493, %concatenate3A_488, %dot_general3A_494 {dimension_numbers = #tpu.dot_dimension_numbers<[1], [0], [0], [1], [0, 0, 1, 1], [], []>, transpose_lhs_hint = false} : vector<128x512xf32>, vector<512x128xf32>, vector<128x128xf32> -> vector<128x128xf32>
    %slice3A_496 = vector.extract_strided_slice %dot_general3A_366 {offsets = [1152, 0], sizes = [128, 128], strides = [1, 1]} : vector<4096x128xf32> to vector<128x128xf32>
    %slice3A_497 = vector.extract_strided_slice %dot_general3A_373 {offsets = [1152, 0], sizes = [128, 128], strides = [1, 1]} : vector<4096x128xf32> to vector<128x128xf32>
    %slice3A_498 = vector.extract_strided_slice %dot_general3A_380 {offsets = [1152, 0], sizes = [128, 128], strides = [1, 1]} : vector<4096x128xf32> to vector<128x128xf32>
    %slice3A_499 = vector.extract_strided_slice %dot_general3A_387 {offsets = [1152, 0], sizes = [128, 128], strides = [1, 1]} : vector<4096x128xf32> to vector<128x128xf32>
    %concatenate3A_500 = tpu.concatenate %slice3A_496, %slice3A_497, %slice3A_498, %slice3A_499 in 0 : vector<128x128xf32>, vector<128x128xf32>, vector<128x128xf32>, vector<128x128xf32> -> vector<512x128xf32>
    %get3A_501 = arith.constant 9 : index
    %get3A_502 = arith.constant 0 : index
    %get3A_503 = arith.constant 0 : index
    %get3A_504 = vector.load %arg2[%get3A_501, %get3A_502, %get3A_503] : memref<32x128x512xf32, #tpu.memory_space<vmem>>, vector<1x128x512xf32>
    %get3A_505 = vector.shape_cast %get3A_504 : vector<1x128x512xf32> to vector<128x512xf32>
    %dot_general3A_506 = arith.constant dense<0.000000e+00> : vector<128x128xf32>
    %dot_general3A_507 = tpu.matmul %get3A_505, %concatenate3A_500, %dot_general3A_506 {dimension_numbers = #tpu.dot_dimension_numbers<[1], [0], [0], [1], [0, 0, 1, 1], [], []>, transpose_lhs_hint = false} : vector<128x512xf32>, vector<512x128xf32>, vector<128x128xf32> -> vector<128x128xf32>
    %slice3A_508 = vector.extract_strided_slice %dot_general3A_366 {offsets = [1280, 0], sizes = [128, 128], strides = [1, 1]} : vector<4096x128xf32> to vector<128x128xf32>
    %slice3A_509 = vector.extract_strided_slice %dot_general3A_373 {offsets = [1280, 0], sizes = [128, 128], strides = [1, 1]} : vector<4096x128xf32> to vector<128x128xf32>
    %slice3A_510 = vector.extract_strided_slice %dot_general3A_380 {offsets = [1280, 0], sizes = [128, 128], strides = [1, 1]} : vector<4096x128xf32> to vector<128x128xf32>
    %slice3A_511 = vector.extract_strided_slice %dot_general3A_387 {offsets = [1280, 0], sizes = [128, 128], strides = [1, 1]} : vector<4096x128xf32> to vector<128x128xf32>
    %concatenate3A_512 = tpu.concatenate %slice3A_508, %slice3A_509, %slice3A_510, %slice3A_511 in 0 : vector<128x128xf32>, vector<128x128xf32>, vector<128x128xf32>, vector<128x128xf32> -> vector<512x128xf32>
    %get3A_513 = arith.constant 10 : index
    %get3A_514 = arith.constant 0 : index
    %get3A_515 = arith.constant 0 : index
    %get3A_516 = vector.load %arg2[%get3A_513, %get3A_514, %get3A_515] : memref<32x128x512xf32, #tpu.memory_space<vmem>>, vector<1x128x512xf32>
    %get3A_517 = vector.shape_cast %get3A_516 : vector<1x128x512xf32> to vector<128x512xf32>
    %dot_general3A_518 = arith.constant dense<0.000000e+00> : vector<128x128xf32>
    %dot_general3A_519 = tpu.matmul %get3A_517, %concatenate3A_512, %dot_general3A_518 {dimension_numbers = #tpu.dot_dimension_numbers<[1], [0], [0], [1], [0, 0, 1, 1], [], []>, transpose_lhs_hint = false} : vector<128x512xf32>, vector<512x128xf32>, vector<128x128xf32> -> vector<128x128xf32>
    %slice3A_520 = vector.extract_strided_slice %dot_general3A_366 {offsets = [1408, 0], sizes = [128, 128], strides = [1, 1]} : vector<4096x128xf32> to vector<128x128xf32>
    %slice3A_521 = vector.extract_strided_slice %dot_general3A_373 {offsets = [1408, 0], sizes = [128, 128], strides = [1, 1]} : vector<4096x128xf32> to vector<128x128xf32>
    %slice3A_522 = vector.extract_strided_slice %dot_general3A_380 {offsets = [1408, 0], sizes = [128, 128], strides = [1, 1]} : vector<4096x128xf32> to vector<128x128xf32>
    %slice3A_523 = vector.extract_strided_slice %dot_general3A_387 {offsets = [1408, 0], sizes = [128, 128], strides = [1, 1]} : vector<4096x128xf32> to vector<128x128xf32>
    %concatenate3A_524 = tpu.concatenate %slice3A_520, %slice3A_521, %slice3A_522, %slice3A_523 in 0 : vector<128x128xf32>, vector<128x128xf32>, vector<128x128xf32>, vector<128x128xf32> -> vector<512x128xf32>
    %get3A_525 = arith.constant 11 : index
    %get3A_526 = arith.constant 0 : index
    %get3A_527 = arith.constant 0 : index
    %get3A_528 = vector.load %arg2[%get3A_525, %get3A_526, %get3A_527] : memref<32x128x512xf32, #tpu.memory_space<vmem>>, vector<1x128x512xf32>
    %get3A_529 = vector.shape_cast %get3A_528 : vector<1x128x512xf32> to vector<128x512xf32>
    %dot_general3A_530 = arith.constant dense<0.000000e+00> : vector<128x128xf32>
    %dot_general3A_531 = tpu.matmul %get3A_529, %concatenate3A_524, %dot_general3A_530 {dimension_numbers = #tpu.dot_dimension_numbers<[1], [0], [0], [1], [0, 0, 1, 1], [], []>, transpose_lhs_hint = false} : vector<128x512xf32>, vector<512x128xf32>, vector<128x128xf32> -> vector<128x128xf32>
    %slice3A_532 = vector.extract_strided_slice %dot_general3A_366 {offsets = [1536, 0], sizes = [128, 128], strides = [1, 1]} : vector<4096x128xf32> to vector<128x128xf32>
    %slice3A_533 = vector.extract_strided_slice %dot_general3A_373 {offsets = [1536, 0], sizes = [128, 128], strides = [1, 1]} : vector<4096x128xf32> to vector<128x128xf32>
    %slice3A_534 = vector.extract_strided_slice %dot_general3A_380 {offsets = [1536, 0], sizes = [128, 128], strides = [1, 1]} : vector<4096x128xf32> to vector<128x128xf32>
    %slice3A_535 = vector.extract_strided_slice %dot_general3A_387 {offsets = [1536, 0], sizes = [128, 128], strides = [1, 1]} : vector<4096x128xf32> to vector<128x128xf32>
    %concatenate3A_536 = tpu.concatenate %slice3A_532, %slice3A_533, %slice3A_534, %slice3A_535 in 0 : vector<128x128xf32>, vector<128x128xf32>, vector<128x128xf32>, vector<128x128xf32> -> vector<512x128xf32>
    %get3A_537 = arith.constant 12 : index
    %get3A_538 = arith.constant 0 : index
    %get3A_539 = arith.constant 0 : index
    %get3A_540 = vector.load %arg2[%get3A_537, %get3A_538, %get3A_539] : memref<32x128x512xf32, #tpu.memory_space<vmem>>, vector<1x128x512xf32>
    %get3A_541 = vector.shape_cast %get3A_540 : vector<1x128x512xf32> to vector<128x512xf32>
    %dot_general3A_542 = arith.constant dense<0.000000e+00> : vector<128x128xf32>
    %dot_general3A_543 = tpu.matmul %get3A_541, %concatenate3A_536, %dot_general3A_542 {dimension_numbers = #tpu.dot_dimension_numbers<[1], [0], [0], [1], [0, 0, 1, 1], [], []>, transpose_lhs_hint = false} : vector<128x512xf32>, vector<512x128xf32>, vector<128x128xf32> -> vector<128x128xf32>
    %slice3A_544 = vector.extract_strided_slice %dot_general3A_366 {offsets = [1664, 0], sizes = [128, 128], strides = [1, 1]} : vector<4096x128xf32> to vector<128x128xf32>
    %slice3A_545 = vector.extract_strided_slice %dot_general3A_373 {offsets = [1664, 0], sizes = [128, 128], strides = [1, 1]} : vector<4096x128xf32> to vector<128x128xf32>
    %slice3A_546 = vector.extract_strided_slice %dot_general3A_380 {offsets = [1664, 0], sizes = [128, 128], strides = [1, 1]} : vector<4096x128xf32> to vector<128x128xf32>
    %slice3A_547 = vector.extract_strided_slice %dot_general3A_387 {offsets = [1664, 0], sizes = [128, 128], strides = [1, 1]} : vector<4096x128xf32> to vector<128x128xf32>
    %concatenate3A_548 = tpu.concatenate %slice3A_544, %slice3A_545, %slice3A_546, %slice3A_547 in 0 : vector<128x128xf32>, vector<128x128xf32>, vector<128x128xf32>, vector<128x128xf32> -> vector<512x128xf32>
    %get3A_549 = arith.constant 13 : index
    %get3A_550 = arith.constant 0 : index
    %get3A_551 = arith.constant 0 : index
    %get3A_552 = vector.load %arg2[%get3A_549, %get3A_550, %get3A_551] : memref<32x128x512xf32, #tpu.memory_space<vmem>>, vector<1x128x512xf32>
    %get3A_553 = vector.shape_cast %get3A_552 : vector<1x128x512xf32> to vector<128x512xf32>
    %dot_general3A_554 = arith.constant dense<0.000000e+00> : vector<128x128xf32>
    %dot_general3A_555 = tpu.matmul %get3A_553, %concatenate3A_548, %dot_general3A_554 {dimension_numbers = #tpu.dot_dimension_numbers<[1], [0], [0], [1], [0, 0, 1, 1], [], []>, transpose_lhs_hint = false} : vector<128x512xf32>, vector<512x128xf32>, vector<128x128xf32> -> vector<128x128xf32>
    %slice3A_556 = vector.extract_strided_slice %dot_general3A_366 {offsets = [1792, 0], sizes = [128, 128], strides = [1, 1]} : vector<4096x128xf32> to vector<128x128xf32>
    %slice3A_557 = vector.extract_strided_slice %dot_general3A_373 {offsets = [1792, 0], sizes = [128, 128], strides = [1, 1]} : vector<4096x128xf32> to vector<128x128xf32>
    %slice3A_558 = vector.extract_strided_slice %dot_general3A_380 {offsets = [1792, 0], sizes = [128, 128], strides = [1, 1]} : vector<4096x128xf32> to vector<128x128xf32>
    %slice3A_559 = vector.extract_strided_slice %dot_general3A_387 {offsets = [1792, 0], sizes = [128, 128], strides = [1, 1]} : vector<4096x128xf32> to vector<128x128xf32>
    %concatenate3A_560 = tpu.concatenate %slice3A_556, %slice3A_557, %slice3A_558, %slice3A_559 in 0 : vector<128x128xf32>, vector<128x128xf32>, vector<128x128xf32>, vector<128x128xf32> -> vector<512x128xf32>
    %get3A_561 = arith.constant 14 : index
    %get3A_562 = arith.constant 0 : index
    %get3A_563 = arith.constant 0 : index
    %get3A_564 = vector.load %arg2[%get3A_561, %get3A_562, %get3A_563] : memref<32x128x512xf32, #tpu.memory_space<vmem>>, vector<1x128x512xf32>
    %get3A_565 = vector.shape_cast %get3A_564 : vector<1x128x512xf32> to vector<128x512xf32>
    %dot_general3A_566 = arith.constant dense<0.000000e+00> : vector<128x128xf32>
    %dot_general3A_567 = tpu.matmul %get3A_565, %concatenate3A_560, %dot_general3A_566 {dimension_numbers = #tpu.dot_dimension_numbers<[1], [0], [0], [1], [0, 0, 1, 1], [], []>, transpose_lhs_hint = false} : vector<128x512xf32>, vector<512x128xf32>, vector<128x128xf32> -> vector<128x128xf32>
    %slice3A_568 = vector.extract_strided_slice %dot_general3A_366 {offsets = [1920, 0], sizes = [128, 128], strides = [1, 1]} : vector<4096x128xf32> to vector<128x128xf32>
    %slice3A_569 = vector.extract_strided_slice %dot_general3A_373 {offsets = [1920, 0], sizes = [128, 128], strides = [1, 1]} : vector<4096x128xf32> to vector<128x128xf32>
    %slice3A_570 = vector.extract_strided_slice %dot_general3A_380 {offsets = [1920, 0], sizes = [128, 128], strides = [1, 1]} : vector<4096x128xf32> to vector<128x128xf32>
    %slice3A_571 = vector.extract_strided_slice %dot_general3A_387 {offsets = [1920, 0], sizes = [128, 128], strides = [1, 1]} : vector<4096x128xf32> to vector<128x128xf32>
    %concatenate3A_572 = tpu.concatenate %slice3A_568, %slice3A_569, %slice3A_570, %slice3A_571 in 0 : vector<128x128xf32>, vector<128x128xf32>, vector<128x128xf32>, vector<128x128xf32> -> vector<512x128xf32>
    %get3A_573 = arith.constant 15 : index
    %get3A_574 = arith.constant 0 : index
    %get3A_575 = arith.constant 0 : index
    %get3A_576 = vector.load %arg2[%get3A_573, %get3A_574, %get3A_575] : memref<32x128x512xf32, #tpu.memory_space<vmem>>, vector<1x128x512xf32>
    %get3A_577 = vector.shape_cast %get3A_576 : vector<1x128x512xf32> to vector<128x512xf32>
    %dot_general3A_578 = arith.constant dense<0.000000e+00> : vector<128x128xf32>
    %dot_general3A_579 = tpu.matmul %get3A_577, %concatenate3A_572, %dot_general3A_578 {dimension_numbers = #tpu.dot_dimension_numbers<[1], [0], [0], [1], [0, 0, 1, 1], [], []>, transpose_lhs_hint = false} : vector<128x512xf32>, vector<512x128xf32>, vector<128x128xf32> -> vector<128x128xf32>
    %slice3A_580 = vector.extract_strided_slice %dot_general3A_366 {offsets = [2048, 0], sizes = [128, 128], strides = [1, 1]} : vector<4096x128xf32> to vector<128x128xf32>
    %slice3A_581 = vector.extract_strided_slice %dot_general3A_373 {offsets = [2048, 0], sizes = [128, 128], strides = [1, 1]} : vector<4096x128xf32> to vector<128x128xf32>
    %slice3A_582 = vector.extract_strided_slice %dot_general3A_380 {offsets = [2048, 0], sizes = [128, 128], strides = [1, 1]} : vector<4096x128xf32> to vector<128x128xf32>
    %slice3A_583 = vector.extract_strided_slice %dot_general3A_387 {offsets = [2048, 0], sizes = [128, 128], strides = [1, 1]} : vector<4096x128xf32> to vector<128x128xf32>
    %concatenate3A_584 = tpu.concatenate %slice3A_580, %slice3A_581, %slice3A_582, %slice3A_583 in 0 : vector<128x128xf32>, vector<128x128xf32>, vector<128x128xf32>, vector<128x128xf32> -> vector<512x128xf32>
    %get3A_585 = arith.constant 16 : index
    %get3A_586 = arith.constant 0 : index
    %get3A_587 = arith.constant 0 : index
    %get3A_588 = vector.load %arg2[%get3A_585, %get3A_586, %get3A_587] : memref<32x128x512xf32, #tpu.memory_space<vmem>>, vector<1x128x512xf32>
    %get3A_589 = vector.shape_cast %get3A_588 : vector<1x128x512xf32> to vector<128x512xf32>
    %dot_general3A_590 = arith.constant dense<0.000000e+00> : vector<128x128xf32>
    %dot_general3A_591 = tpu.matmul %get3A_589, %concatenate3A_584, %dot_general3A_590 {dimension_numbers = #tpu.dot_dimension_numbers<[1], [0], [0], [1], [0, 0, 1, 1], [], []>, transpose_lhs_hint = false} : vector<128x512xf32>, vector<512x128xf32>, vector<128x128xf32> -> vector<128x128xf32>
    %slice3A_592 = vector.extract_strided_slice %dot_general3A_366 {offsets = [2176, 0], sizes = [128, 128], strides = [1, 1]} : vector<4096x128xf32> to vector<128x128xf32>
    %slice3A_593 = vector.extract_strided_slice %dot_general3A_373 {offsets = [2176, 0], sizes = [128, 128], strides = [1, 1]} : vector<4096x128xf32> to vector<128x128xf32>
    %slice3A_594 = vector.extract_strided_slice %dot_general3A_380 {offsets = [2176, 0], sizes = [128, 128], strides = [1, 1]} : vector<4096x128xf32> to vector<128x128xf32>
    %slice3A_595 = vector.extract_strided_slice %dot_general3A_387 {offsets = [2176, 0], sizes = [128, 128], strides = [1, 1]} : vector<4096x128xf32> to vector<128x128xf32>
    %concatenate3A_596 = tpu.concatenate %slice3A_592, %slice3A_593, %slice3A_594, %slice3A_595 in 0 : vector<128x128xf32>, vector<128x128xf32>, vector<128x128xf32>, vector<128x128xf32> -> vector<512x128xf32>
    %get3A_597 = arith.constant 17 : index
    %get3A_598 = arith.constant 0 : index
    %get3A_599 = arith.constant 0 : index
    %get3A_600 = vector.load %arg2[%get3A_597, %get3A_598, %get3A_599] : memref<32x128x512xf32, #tpu.memory_space<vmem>>, vector<1x128x512xf32>
    %get3A_601 = vector.shape_cast %get3A_600 : vector<1x128x512xf32> to vector<128x512xf32>
    %dot_general3A_602 = arith.constant dense<0.000000e+00> : vector<128x128xf32>
    %dot_general3A_603 = tpu.matmul %get3A_601, %concatenate3A_596, %dot_general3A_602 {dimension_numbers = #tpu.dot_dimension_numbers<[1], [0], [0], [1], [0, 0, 1, 1], [], []>, transpose_lhs_hint = false} : vector<128x512xf32>, vector<512x128xf32>, vector<128x128xf32> -> vector<128x128xf32>
    %slice3A_604 = vector.extract_strided_slice %dot_general3A_366 {offsets = [2304, 0], sizes = [128, 128], strides = [1, 1]} : vector<4096x128xf32> to vector<128x128xf32>
    %slice3A_605 = vector.extract_strided_slice %dot_general3A_373 {offsets = [2304, 0], sizes = [128, 128], strides = [1, 1]} : vector<4096x128xf32> to vector<128x128xf32>
    %slice3A_606 = vector.extract_strided_slice %dot_general3A_380 {offsets = [2304, 0], sizes = [128, 128], strides = [1, 1]} : vector<4096x128xf32> to vector<128x128xf32>
    %slice3A_607 = vector.extract_strided_slice %dot_general3A_387 {offsets = [2304, 0], sizes = [128, 128], strides = [1, 1]} : vector<4096x128xf32> to vector<128x128xf32>
    %concatenate3A_608 = tpu.concatenate %slice3A_604, %slice3A_605, %slice3A_606, %slice3A_607 in 0 : vector<128x128xf32>, vector<128x128xf32>, vector<128x128xf32>, vector<128x128xf32> -> vector<512x128xf32>
    %get3A_609 = arith.constant 18 : index
    %get3A_610 = arith.constant 0 : index
    %get3A_611 = arith.constant 0 : index
    %get3A_612 = vector.load %arg2[%get3A_609, %get3A_610, %get3A_611] : memref<32x128x512xf32, #tpu.memory_space<vmem>>, vector<1x128x512xf32>
    %get3A_613 = vector.shape_cast %get3A_612 : vector<1x128x512xf32> to vector<128x512xf32>
    %dot_general3A_614 = arith.constant dense<0.000000e+00> : vector<128x128xf32>
    %dot_general3A_615 = tpu.matmul %get3A_613, %concatenate3A_608, %dot_general3A_614 {dimension_numbers = #tpu.dot_dimension_numbers<[1], [0], [0], [1], [0, 0, 1, 1], [], []>, transpose_lhs_hint = false} : vector<128x512xf32>, vector<512x128xf32>, vector<128x128xf32> -> vector<128x128xf32>
    %slice3A_616 = vector.extract_strided_slice %dot_general3A_366 {offsets = [2432, 0], sizes = [128, 128], strides = [1, 1]} : vector<4096x128xf32> to vector<128x128xf32>
    %slice3A_617 = vector.extract_strided_slice %dot_general3A_373 {offsets = [2432, 0], sizes = [128, 128], strides = [1, 1]} : vector<4096x128xf32> to vector<128x128xf32>
    %slice3A_618 = vector.extract_strided_slice %dot_general3A_380 {offsets = [2432, 0], sizes = [128, 128], strides = [1, 1]} : vector<4096x128xf32> to vector<128x128xf32>
    %slice3A_619 = vector.extract_strided_slice %dot_general3A_387 {offsets = [2432, 0], sizes = [128, 128], strides = [1, 1]} : vector<4096x128xf32> to vector<128x128xf32>
    %concatenate3A_620 = tpu.concatenate %slice3A_616, %slice3A_617, %slice3A_618, %slice3A_619 in 0 : vector<128x128xf32>, vector<128x128xf32>, vector<128x128xf32>, vector<128x128xf32> -> vector<512x128xf32>
    %get3A_621 = arith.constant 19 : index
    %get3A_622 = arith.constant 0 : index
    %get3A_623 = arith.constant 0 : index
    %get3A_624 = vector.load %arg2[%get3A_621, %get3A_622, %get3A_623] : memref<32x128x512xf32, #tpu.memory_space<vmem>>, vector<1x128x512xf32>
    %get3A_625 = vector.shape_cast %get3A_624 : vector<1x128x512xf32> to vector<128x512xf32>
    %dot_general3A_626 = arith.constant dense<0.000000e+00> : vector<128x128xf32>
    %dot_general3A_627 = tpu.matmul %get3A_625, %concatenate3A_620, %dot_general3A_626 {dimension_numbers = #tpu.dot_dimension_numbers<[1], [0], [0], [1], [0, 0, 1, 1], [], []>, transpose_lhs_hint = false} : vector<128x512xf32>, vector<512x128xf32>, vector<128x128xf32> -> vector<128x128xf32>
    %slice3A_628 = vector.extract_strided_slice %dot_general3A_366 {offsets = [2560, 0], sizes = [128, 128], strides = [1, 1]} : vector<4096x128xf32> to vector<128x128xf32>
    %slice3A_629 = vector.extract_strided_slice %dot_general3A_373 {offsets = [2560, 0], sizes = [128, 128], strides = [1, 1]} : vector<4096x128xf32> to vector<128x128xf32>
    %slice3A_630 = vector.extract_strided_slice %dot_general3A_380 {offsets = [2560, 0], sizes = [128, 128], strides = [1, 1]} : vector<4096x128xf32> to vector<128x128xf32>
    %slice3A_631 = vector.extract_strided_slice %dot_general3A_387 {offsets = [2560, 0], sizes = [128, 128], strides = [1, 1]} : vector<4096x128xf32> to vector<128x128xf32>
    %concatenate3A_632 = tpu.concatenate %slice3A_628, %slice3A_629, %slice3A_630, %slice3A_631 in 0 : vector<128x128xf32>, vector<128x128xf32>, vector<128x128xf32>, vector<128x128xf32> -> vector<512x128xf32>
    %get3A_633 = arith.constant 20 : index
    %get3A_634 = arith.constant 0 : index
    %get3A_635 = arith.constant 0 : index
    %get3A_636 = vector.load %arg2[%get3A_633, %get3A_634, %get3A_635] : memref<32x128x512xf32, #tpu.memory_space<vmem>>, vector<1x128x512xf32>
    %get3A_637 = vector.shape_cast %get3A_636 : vector<1x128x512xf32> to vector<128x512xf32>
    %dot_general3A_638 = arith.constant dense<0.000000e+00> : vector<128x128xf32>
    %dot_general3A_639 = tpu.matmul %get3A_637, %concatenate3A_632, %dot_general3A_638 {dimension_numbers = #tpu.dot_dimension_numbers<[1], [0], [0], [1], [0, 0, 1, 1], [], []>, transpose_lhs_hint = false} : vector<128x512xf32>, vector<512x128xf32>, vector<128x128xf32> -> vector<128x128xf32>
    %slice3A_640 = vector.extract_strided_slice %dot_general3A_366 {offsets = [2688, 0], sizes = [128, 128], strides = [1, 1]} : vector<4096x128xf32> to vector<128x128xf32>
    %slice3A_641 = vector.extract_strided_slice %dot_general3A_373 {offsets = [2688, 0], sizes = [128, 128], strides = [1, 1]} : vector<4096x128xf32> to vector<128x128xf32>
    %slice3A_642 = vector.extract_strided_slice %dot_general3A_380 {offsets = [2688, 0], sizes = [128, 128], strides = [1, 1]} : vector<4096x128xf32> to vector<128x128xf32>
    %slice3A_643 = vector.extract_strided_slice %dot_general3A_387 {offsets = [2688, 0], sizes = [128, 128], strides = [1, 1]} : vector<4096x128xf32> to vector<128x128xf32>
    %concatenate3A_644 = tpu.concatenate %slice3A_640, %slice3A_641, %slice3A_642, %slice3A_643 in 0 : vector<128x128xf32>, vector<128x128xf32>, vector<128x128xf32>, vector<128x128xf32> -> vector<512x128xf32>
    %get3A_645 = arith.constant 21 : index
    %get3A_646 = arith.constant 0 : index
    %get3A_647 = arith.constant 0 : index
    %get3A_648 = vector.load %arg2[%get3A_645, %get3A_646, %get3A_647] : memref<32x128x512xf32, #tpu.memory_space<vmem>>, vector<1x128x512xf32>
    %get3A_649 = vector.shape_cast %get3A_648 : vector<1x128x512xf32> to vector<128x512xf32>
    %dot_general3A_650 = arith.constant dense<0.000000e+00> : vector<128x128xf32>
    %dot_general3A_651 = tpu.matmul %get3A_649, %concatenate3A_644, %dot_general3A_650 {dimension_numbers = #tpu.dot_dimension_numbers<[1], [0], [0], [1], [0, 0, 1, 1], [], []>, transpose_lhs_hint = false} : vector<128x512xf32>, vector<512x128xf32>, vector<128x128xf32> -> vector<128x128xf32>
    %slice3A_652 = vector.extract_strided_slice %dot_general3A_366 {offsets = [2816, 0], sizes = [128, 128], strides = [1, 1]} : vector<4096x128xf32> to vector<128x128xf32>
    %slice3A_653 = vector.extract_strided_slice %dot_general3A_373 {offsets = [2816, 0], sizes = [128, 128], strides = [1, 1]} : vector<4096x128xf32> to vector<128x128xf32>
    %slice3A_654 = vector.extract_strided_slice %dot_general3A_380 {offsets = [2816, 0], sizes = [128, 128], strides = [1, 1]} : vector<4096x128xf32> to vector<128x128xf32>
    %slice3A_655 = vector.extract_strided_slice %dot_general3A_387 {offsets = [2816, 0], sizes = [128, 128], strides = [1, 1]} : vector<4096x128xf32> to vector<128x128xf32>
    %concatenate3A_656 = tpu.concatenate %slice3A_652, %slice3A_653, %slice3A_654, %slice3A_655 in 0 : vector<128x128xf32>, vector<128x128xf32>, vector<128x128xf32>, vector<128x128xf32> -> vector<512x128xf32>
    %get3A_657 = arith.constant 22 : index
    %get3A_658 = arith.constant 0 : index
    %get3A_659 = arith.constant 0 : index
    %get3A_660 = vector.load %arg2[%get3A_657, %get3A_658, %get3A_659] : memref<32x128x512xf32, #tpu.memory_space<vmem>>, vector<1x128x512xf32>
    %get3A_661 = vector.shape_cast %get3A_660 : vector<1x128x512xf32> to vector<128x512xf32>
    %dot_general3A_662 = arith.constant dense<0.000000e+00> : vector<128x128xf32>
    %dot_general3A_663 = tpu.matmul %get3A_661, %concatenate3A_656, %dot_general3A_662 {dimension_numbers = #tpu.dot_dimension_numbers<[1], [0], [0], [1], [0, 0, 1, 1], [], []>, transpose_lhs_hint = false} : vector<128x512xf32>, vector<512x128xf32>, vector<128x128xf32> -> vector<128x128xf32>
    %slice3A_664 = vector.extract_strided_slice %dot_general3A_366 {offsets = [2944, 0], sizes = [128, 128], strides = [1, 1]} : vector<4096x128xf32> to vector<128x128xf32>
    %slice3A_665 = vector.extract_strided_slice %dot_general3A_373 {offsets = [2944, 0], sizes = [128, 128], strides = [1, 1]} : vector<4096x128xf32> to vector<128x128xf32>
    %slice3A_666 = vector.extract_strided_slice %dot_general3A_380 {offsets = [2944, 0], sizes = [128, 128], strides = [1, 1]} : vector<4096x128xf32> to vector<128x128xf32>
    %slice3A_667 = vector.extract_strided_slice %dot_general3A_387 {offsets = [2944, 0], sizes = [128, 128], strides = [1, 1]} : vector<4096x128xf32> to vector<128x128xf32>
    %concatenate3A_668 = tpu.concatenate %slice3A_664, %slice3A_665, %slice3A_666, %slice3A_667 in 0 : vector<128x128xf32>, vector<128x128xf32>, vector<128x128xf32>, vector<128x128xf32> -> vector<512x128xf32>
    %get3A_669 = arith.constant 23 : index
    %get3A_670 = arith.constant 0 : index
    %get3A_671 = arith.constant 0 : index
    %get3A_672 = vector.load %arg2[%get3A_669, %get3A_670, %get3A_671] : memref<32x128x512xf32, #tpu.memory_space<vmem>>, vector<1x128x512xf32>
    %get3A_673 = vector.shape_cast %get3A_672 : vector<1x128x512xf32> to vector<128x512xf32>
    %dot_general3A_674 = arith.constant dense<0.000000e+00> : vector<128x128xf32>
    %dot_general3A_675 = tpu.matmul %get3A_673, %concatenate3A_668, %dot_general3A_674 {dimension_numbers = #tpu.dot_dimension_numbers<[1], [0], [0], [1], [0, 0, 1, 1], [], []>, transpose_lhs_hint = false} : vector<128x512xf32>, vector<512x128xf32>, vector<128x128xf32> -> vector<128x128xf32>
    %slice3A_676 = vector.extract_strided_slice %dot_general3A_366 {offsets = [3072, 0], sizes = [128, 128], strides = [1, 1]} : vector<4096x128xf32> to vector<128x128xf32>
    %slice3A_677 = vector.extract_strided_slice %dot_general3A_373 {offsets = [3072, 0], sizes = [128, 128], strides = [1, 1]} : vector<4096x128xf32> to vector<128x128xf32>
    %slice3A_678 = vector.extract_strided_slice %dot_general3A_380 {offsets = [3072, 0], sizes = [128, 128], strides = [1, 1]} : vector<4096x128xf32> to vector<128x128xf32>
    %slice3A_679 = vector.extract_strided_slice %dot_general3A_387 {offsets = [3072, 0], sizes = [128, 128], strides = [1, 1]} : vector<4096x128xf32> to vector<128x128xf32>
    %concatenate3A_680 = tpu.concatenate %slice3A_676, %slice3A_677, %slice3A_678, %slice3A_679 in 0 : vector<128x128xf32>, vector<128x128xf32>, vector<128x128xf32>, vector<128x128xf32> -> vector<512x128xf32>
    %get3A_681 = arith.constant 24 : index
    %get3A_682 = arith.constant 0 : index
    %get3A_683 = arith.constant 0 : index
    %get3A_684 = vector.load %arg2[%get3A_681, %get3A_682, %get3A_683] : memref<32x128x512xf32, #tpu.memory_space<vmem>>, vector<1x128x512xf32>
    %get3A_685 = vector.shape_cast %get3A_684 : vector<1x128x512xf32> to vector<128x512xf32>
    %dot_general3A_686 = arith.constant dense<0.000000e+00> : vector<128x128xf32>
    %dot_general3A_687 = tpu.matmul %get3A_685, %concatenate3A_680, %dot_general3A_686 {dimension_numbers = #tpu.dot_dimension_numbers<[1], [0], [0], [1], [0, 0, 1, 1], [], []>, transpose_lhs_hint = false} : vector<128x512xf32>, vector<512x128xf32>, vector<128x128xf32> -> vector<128x128xf32>
    %slice3A_688 = vector.extract_strided_slice %dot_general3A_366 {offsets = [3200, 0], sizes = [128, 128], strides = [1, 1]} : vector<4096x128xf32> to vector<128x128xf32>
    %slice3A_689 = vector.extract_strided_slice %dot_general3A_373 {offsets = [3200, 0], sizes = [128, 128], strides = [1, 1]} : vector<4096x128xf32> to vector<128x128xf32>
    %slice3A_690 = vector.extract_strided_slice %dot_general3A_380 {offsets = [3200, 0], sizes = [128, 128], strides = [1, 1]} : vector<4096x128xf32> to vector<128x128xf32>
    %slice3A_691 = vector.extract_strided_slice %dot_general3A_387 {offsets = [3200, 0], sizes = [128, 128], strides = [1, 1]} : vector<4096x128xf32> to vector<128x128xf32>
    %concatenate3A_692 = tpu.concatenate %slice3A_688, %slice3A_689, %slice3A_690, %slice3A_691 in 0 : vector<128x128xf32>, vector<128x128xf32>, vector<128x128xf32>, vector<128x128xf32> -> vector<512x128xf32>
    %get3A_693 = arith.constant 25 : index
    %get3A_694 = arith.constant 0 : index
    %get3A_695 = arith.constant 0 : index
    %get3A_696 = vector.load %arg2[%get3A_693, %get3A_694, %get3A_695] : memref<32x128x512xf32, #tpu.memory_space<vmem>>, vector<1x128x512xf32>
    %get3A_697 = vector.shape_cast %get3A_696 : vector<1x128x512xf32> to vector<128x512xf32>
    %dot_general3A_698 = arith.constant dense<0.000000e+00> : vector<128x128xf32>
    %dot_general3A_699 = tpu.matmul %get3A_697, %concatenate3A_692, %dot_general3A_698 {dimension_numbers = #tpu.dot_dimension_numbers<[1], [0], [0], [1], [0, 0, 1, 1], [], []>, transpose_lhs_hint = false} : vector<128x512xf32>, vector<512x128xf32>, vector<128x128xf32> -> vector<128x128xf32>
    %slice3A_700 = vector.extract_strided_slice %dot_general3A_366 {offsets = [3328, 0], sizes = [128, 128], strides = [1, 1]} : vector<4096x128xf32> to vector<128x128xf32>
    %slice3A_701 = vector.extract_strided_slice %dot_general3A_373 {offsets = [3328, 0], sizes = [128, 128], strides = [1, 1]} : vector<4096x128xf32> to vector<128x128xf32>
    %slice3A_702 = vector.extract_strided_slice %dot_general3A_380 {offsets = [3328, 0], sizes = [128, 128], strides = [1, 1]} : vector<4096x128xf32> to vector<128x128xf32>
    %slice3A_703 = vector.extract_strided_slice %dot_general3A_387 {offsets = [3328, 0], sizes = [128, 128], strides = [1, 1]} : vector<4096x128xf32> to vector<128x128xf32>
    %concatenate3A_704 = tpu.concatenate %slice3A_700, %slice3A_701, %slice3A_702, %slice3A_703 in 0 : vector<128x128xf32>, vector<128x128xf32>, vector<128x128xf32>, vector<128x128xf32> -> vector<512x128xf32>
    %get3A_705 = arith.constant 26 : index
    %get3A_706 = arith.constant 0 : index
    %get3A_707 = arith.constant 0 : index
    %get3A_708 = vector.load %arg2[%get3A_705, %get3A_706, %get3A_707] : memref<32x128x512xf32, #tpu.memory_space<vmem>>, vector<1x128x512xf32>
    %get3A_709 = vector.shape_cast %get3A_708 : vector<1x128x512xf32> to vector<128x512xf32>
    %dot_general3A_710 = arith.constant dense<0.000000e+00> : vector<128x128xf32>
    %dot_general3A_711 = tpu.matmul %get3A_709, %concatenate3A_704, %dot_general3A_710 {dimension_numbers = #tpu.dot_dimension_numbers<[1], [0], [0], [1], [0, 0, 1, 1], [], []>, transpose_lhs_hint = false} : vector<128x512xf32>, vector<512x128xf32>, vector<128x128xf32> -> vector<128x128xf32>
    %slice3A_712 = vector.extract_strided_slice %dot_general3A_366 {offsets = [3456, 0], sizes = [128, 128], strides = [1, 1]} : vector<4096x128xf32> to vector<128x128xf32>
    %slice3A_713 = vector.extract_strided_slice %dot_general3A_373 {offsets = [3456, 0], sizes = [128, 128], strides = [1, 1]} : vector<4096x128xf32> to vector<128x128xf32>
    %slice3A_714 = vector.extract_strided_slice %dot_general3A_380 {offsets = [3456, 0], sizes = [128, 128], strides = [1, 1]} : vector<4096x128xf32> to vector<128x128xf32>
    %slice3A_715 = vector.extract_strided_slice %dot_general3A_387 {offsets = [3456, 0], sizes = [128, 128], strides = [1, 1]} : vector<4096x128xf32> to vector<128x128xf32>
    %concatenate3A_716 = tpu.concatenate %slice3A_712, %slice3A_713, %slice3A_714, %slice3A_715 in 0 : vector<128x128xf32>, vector<128x128xf32>, vector<128x128xf32>, vector<128x128xf32> -> vector<512x128xf32>
    %get3A_717 = arith.constant 27 : index
    %get3A_718 = arith.constant 0 : index
    %get3A_719 = arith.constant 0 : index
    %get3A_720 = vector.load %arg2[%get3A_717, %get3A_718, %get3A_719] : memref<32x128x512xf32, #tpu.memory_space<vmem>>, vector<1x128x512xf32>
    %get3A_721 = vector.shape_cast %get3A_720 : vector<1x128x512xf32> to vector<128x512xf32>
    %dot_general3A_722 = arith.constant dense<0.000000e+00> : vector<128x128xf32>
    %dot_general3A_723 = tpu.matmul %get3A_721, %concatenate3A_716, %dot_general3A_722 {dimension_numbers = #tpu.dot_dimension_numbers<[1], [0], [0], [1], [0, 0, 1, 1], [], []>, transpose_lhs_hint = false} : vector<128x512xf32>, vector<512x128xf32>, vector<128x128xf32> -> vector<128x128xf32>
    %slice3A_724 = vector.extract_strided_slice %dot_general3A_366 {offsets = [3584, 0], sizes = [128, 128], strides = [1, 1]} : vector<4096x128xf32> to vector<128x128xf32>
    %slice3A_725 = vector.extract_strided_slice %dot_general3A_373 {offsets = [3584, 0], sizes = [128, 128], strides = [1, 1]} : vector<4096x128xf32> to vector<128x128xf32>
    %slice3A_726 = vector.extract_strided_slice %dot_general3A_380 {offsets = [3584, 0], sizes = [128, 128], strides = [1, 1]} : vector<4096x128xf32> to vector<128x128xf32>
    %slice3A_727 = vector.extract_strided_slice %dot_general3A_387 {offsets = [3584, 0], sizes = [128, 128], strides = [1, 1]} : vector<4096x128xf32> to vector<128x128xf32>
    %concatenate3A_728 = tpu.concatenate %slice3A_724, %slice3A_725, %slice3A_726, %slice3A_727 in 0 : vector<128x128xf32>, vector<128x128xf32>, vector<128x128xf32>, vector<128x128xf32> -> vector<512x128xf32>
    %get3A_729 = arith.constant 28 : index
    %get3A_730 = arith.constant 0 : index
    %get3A_731 = arith.constant 0 : index
    %get3A_732 = vector.load %arg2[%get3A_729, %get3A_730, %get3A_731] : memref<32x128x512xf32, #tpu.memory_space<vmem>>, vector<1x128x512xf32>
    %get3A_733 = vector.shape_cast %get3A_732 : vector<1x128x512xf32> to vector<128x512xf32>
    %dot_general3A_734 = arith.constant dense<0.000000e+00> : vector<128x128xf32>
    %dot_general3A_735 = tpu.matmul %get3A_733, %concatenate3A_728, %dot_general3A_734 {dimension_numbers = #tpu.dot_dimension_numbers<[1], [0], [0], [1], [0, 0, 1, 1], [], []>, transpose_lhs_hint = false} : vector<128x512xf32>, vector<512x128xf32>, vector<128x128xf32> -> vector<128x128xf32>
    %slice3A_736 = vector.extract_strided_slice %dot_general3A_366 {offsets = [3712, 0], sizes = [128, 128], strides = [1, 1]} : vector<4096x128xf32> to vector<128x128xf32>
    %slice3A_737 = vector.extract_strided_slice %dot_general3A_373 {offsets = [3712, 0], sizes = [128, 128], strides = [1, 1]} : vector<4096x128xf32> to vector<128x128xf32>
    %slice3A_738 = vector.extract_strided_slice %dot_general3A_380 {offsets = [3712, 0], sizes = [128, 128], strides = [1, 1]} : vector<4096x128xf32> to vector<128x128xf32>
    %slice3A_739 = vector.extract_strided_slice %dot_general3A_387 {offsets = [3712, 0], sizes = [128, 128], strides = [1, 1]} : vector<4096x128xf32> to vector<128x128xf32>
    %concatenate3A_740 = tpu.concatenate %slice3A_736, %slice3A_737, %slice3A_738, %slice3A_739 in 0 : vector<128x128xf32>, vector<128x128xf32>, vector<128x128xf32>, vector<128x128xf32> -> vector<512x128xf32>
    %get3A_741 = arith.constant 29 : index
    %get3A_742 = arith.constant 0 : index
    %get3A_743 = arith.constant 0 : index
    %get3A_744 = vector.load %arg2[%get3A_741, %get3A_742, %get3A_743] : memref<32x128x512xf32, #tpu.memory_space<vmem>>, vector<1x128x512xf32>
    %get3A_745 = vector.shape_cast %get3A_744 : vector<1x128x512xf32> to vector<128x512xf32>
    %dot_general3A_746 = arith.constant dense<0.000000e+00> : vector<128x128xf32>
    %dot_general3A_747 = tpu.matmul %get3A_745, %concatenate3A_740, %dot_general3A_746 {dimension_numbers = #tpu.dot_dimension_numbers<[1], [0], [0], [1], [0, 0, 1, 1], [], []>, transpose_lhs_hint = false} : vector<128x512xf32>, vector<512x128xf32>, vector<128x128xf32> -> vector<128x128xf32>
    %slice3A_748 = vector.extract_strided_slice %dot_general3A_366 {offsets = [3840, 0], sizes = [128, 128], strides = [1, 1]} : vector<4096x128xf32> to vector<128x128xf32>
    %slice3A_749 = vector.extract_strided_slice %dot_general3A_373 {offsets = [3840, 0], sizes = [128, 128], strides = [1, 1]} : vector<4096x128xf32> to vector<128x128xf32>
    %slice3A_750 = vector.extract_strided_slice %dot_general3A_380 {offsets = [3840, 0], sizes = [128, 128], strides = [1, 1]} : vector<4096x128xf32> to vector<128x128xf32>
    %slice3A_751 = vector.extract_strided_slice %dot_general3A_387 {offsets = [3840, 0], sizes = [128, 128], strides = [1, 1]} : vector<4096x128xf32> to vector<128x128xf32>
    %concatenate3A_752 = tpu.concatenate %slice3A_748, %slice3A_749, %slice3A_750, %slice3A_751 in 0 : vector<128x128xf32>, vector<128x128xf32>, vector<128x128xf32>, vector<128x128xf32> -> vector<512x128xf32>
    %get3A_753 = arith.constant 30 : index
    %get3A_754 = arith.constant 0 : index
    %get3A_755 = arith.constant 0 : index
    %get3A_756 = vector.load %arg2[%get3A_753, %get3A_754, %get3A_755] : memref<32x128x512xf32, #tpu.memory_space<vmem>>, vector<1x128x512xf32>
    %get3A_757 = vector.shape_cast %get3A_756 : vector<1x128x512xf32> to vector<128x512xf32>
    %dot_general3A_758 = arith.constant dense<0.000000e+00> : vector<128x128xf32>
    %dot_general3A_759 = tpu.matmul %get3A_757, %concatenate3A_752, %dot_general3A_758 {dimension_numbers = #tpu.dot_dimension_numbers<[1], [0], [0], [1], [0, 0, 1, 1], [], []>, transpose_lhs_hint = false} : vector<128x512xf32>, vector<512x128xf32>, vector<128x128xf32> -> vector<128x128xf32>
    %slice3A_760 = vector.extract_strided_slice %dot_general3A_366 {offsets = [3968, 0], sizes = [128, 128], strides = [1, 1]} : vector<4096x128xf32> to vector<128x128xf32>
    %slice3A_761 = vector.extract_strided_slice %dot_general3A_373 {offsets = [3968, 0], sizes = [128, 128], strides = [1, 1]} : vector<4096x128xf32> to vector<128x128xf32>
    %slice3A_762 = vector.extract_strided_slice %dot_general3A_380 {offsets = [3968, 0], sizes = [128, 128], strides = [1, 1]} : vector<4096x128xf32> to vector<128x128xf32>
    %slice3A_763 = vector.extract_strided_slice %dot_general3A_387 {offsets = [3968, 0], sizes = [128, 128], strides = [1, 1]} : vector<4096x128xf32> to vector<128x128xf32>
    %concatenate3A_764 = tpu.concatenate %slice3A_760, %slice3A_761, %slice3A_762, %slice3A_763 in 0 : vector<128x128xf32>, vector<128x128xf32>, vector<128x128xf32>, vector<128x128xf32> -> vector<512x128xf32>
    %get3A_765 = arith.constant 31 : index
    %get3A_766 = arith.constant 0 : index
    %get3A_767 = arith.constant 0 : index
    %get3A_768 = vector.load %arg2[%get3A_765, %get3A_766, %get3A_767] : memref<32x128x512xf32, #tpu.memory_space<vmem>>, vector<1x128x512xf32>
    %get3A_769 = vector.shape_cast %get3A_768 : vector<1x128x512xf32> to vector<128x512xf32>
    %dot_general3A_770 = arith.constant dense<0.000000e+00> : vector<128x128xf32>
    %dot_general3A_771 = tpu.matmul %get3A_769, %concatenate3A_764, %dot_general3A_770 {dimension_numbers = #tpu.dot_dimension_numbers<[1], [0], [0], [1], [0, 0, 1, 1], [], []>, transpose_lhs_hint = false} : vector<128x512xf32>, vector<512x128xf32>, vector<128x128xf32> -> vector<128x128xf32>
    %concatenate3A_772 = tpu.concatenate %dot_general3A_399, %dot_general3A_411, %dot_general3A_423, %dot_general3A_435, %dot_general3A_447, %dot_general3A_459, %dot_general3A_471, %dot_general3A_483, %dot_general3A_495, %dot_general3A_507, %dot_general3A_519, %dot_general3A_531, %dot_general3A_543, %dot_general3A_555, %dot_general3A_567, %dot_general3A_579, %dot_general3A_591, %dot_general3A_603, %dot_general3A_615, %dot_general3A_627, %dot_general3A_639, %dot_general3A_651, %dot_general3A_663, %dot_general3A_675, %dot_general3A_687, %dot_general3A_699, %dot_general3A_711, %dot_general3A_723, %dot_general3A_735, %dot_general3A_747, %dot_general3A_759, %dot_general3A_771 in 0 : vector<128x128xf32>, vector<128x128xf32>, vector<128x128xf32>, vector<128x128xf32>, vector<128x128xf32>, vector<128x128xf32>, vector<128x128xf32>, vector<128x128xf32>, vector<128x128xf32>, vector<128x128xf32>, vector<128x128xf32>, vector<128x128xf32>, vector<128x128xf32>, vector<128x128xf32>, vector<128x128xf32>, vector<128x128xf32>, vector<128x128xf32>, vector<128x128xf32>, vector<128x128xf32>, vector<128x128xf32>, vector<128x128xf32>, vector<128x128xf32>, vector<128x128xf32>, vector<128x128xf32>, vector<128x128xf32>, vector<128x128xf32>, vector<128x128xf32>, vector<128x128xf32>, vector<128x128xf32>, vector<128x128xf32>, vector<128x128xf32>, vector<128x128xf32> -> vector<4096x128xf32>
    %add3A = arith.addf %concatenate3A, %concatenate3A_772 : vector<4096x128xf32>
    %max3A_773 = arith.constant 0.000000e+00 : f32
    %max3A_774 = vector.broadcast %max3A_773 : f32 to vector<4096x128xf32>
    %max3A_775 = arith.maximumf %add3A, %max3A_774 : vector<4096x128xf32>
    %get3A_776 = arith.constant 4 : index
    %get3A_777 = arith.constant 0 : index
    %get3A_778 = arith.constant 0 : index
    %get3A_779 = vector.load %arg6[%get3A_776, %get3A_777, %get3A_778] : memref<8x128x128xf32, #tpu.memory_space<vmem>>, vector<1x128x128xf32>
    %get3A_780 = vector.shape_cast %get3A_779 : vector<1x128x128xf32> to vector<128x128xf32>
    %dot_general3A_781 = arith.constant dense<0.000000e+00> : vector<4096x128xf32>
    %dot_general3A_782 = tpu.matmul %max3A_775, %get3A_780, %dot_general3A_781 {dimension_numbers = #tpu.dot_dimension_numbers<[1], [0], [0], [1], [0, 0, 1, 1], [], []>, transpose_lhs_hint = false} : vector<4096x128xf32>, vector<128x128xf32>, vector<4096x128xf32> -> vector<4096x128xf32>
    %get3A_783 = arith.constant 5 : index
    %get3A_784 = arith.constant 0 : index
    %get3A_785 = arith.constant 0 : index
    %get3A_786 = vector.load %arg6[%get3A_783, %get3A_784, %get3A_785] : memref<8x128x128xf32, #tpu.memory_space<vmem>>, vector<1x128x128xf32>
    %get3A_787 = vector.shape_cast %get3A_786 : vector<1x128x128xf32> to vector<128x128xf32>
    %dot_general3A_788 = arith.constant dense<0.000000e+00> : vector<4096x128xf32>
    %dot_general3A_789 = tpu.matmul %max3A_775, %get3A_787, %dot_general3A_788 {dimension_numbers = #tpu.dot_dimension_numbers<[1], [0], [0], [1], [0, 0, 1, 1], [], []>, transpose_lhs_hint = false} : vector<4096x128xf32>, vector<128x128xf32>, vector<4096x128xf32> -> vector<4096x128xf32>
    %get3A_790 = arith.constant 6 : index
    %get3A_791 = arith.constant 0 : index
    %get3A_792 = arith.constant 0 : index
    %get3A_793 = vector.load %arg6[%get3A_790, %get3A_791, %get3A_792] : memref<8x128x128xf32, #tpu.memory_space<vmem>>, vector<1x128x128xf32>
    %get3A_794 = vector.shape_cast %get3A_793 : vector<1x128x128xf32> to vector<128x128xf32>
    %dot_general3A_795 = arith.constant dense<0.000000e+00> : vector<4096x128xf32>
    %dot_general3A_796 = tpu.matmul %max3A_775, %get3A_794, %dot_general3A_795 {dimension_numbers = #tpu.dot_dimension_numbers<[1], [0], [0], [1], [0, 0, 1, 1], [], []>, transpose_lhs_hint = false} : vector<4096x128xf32>, vector<128x128xf32>, vector<4096x128xf32> -> vector<4096x128xf32>
    %get3A_797 = arith.constant 7 : index
    %get3A_798 = arith.constant 0 : index
    %get3A_799 = arith.constant 0 : index
    %get3A_800 = vector.load %arg6[%get3A_797, %get3A_798, %get3A_799] : memref<8x128x128xf32, #tpu.memory_space<vmem>>, vector<1x128x128xf32>
    %get3A_801 = vector.shape_cast %get3A_800 : vector<1x128x128xf32> to vector<128x128xf32>
    %dot_general3A_802 = arith.constant dense<0.000000e+00> : vector<4096x128xf32>
    %dot_general3A_803 = tpu.matmul %max3A_775, %get3A_801, %dot_general3A_802 {dimension_numbers = #tpu.dot_dimension_numbers<[1], [0], [0], [1], [0, 0, 1, 1], [], []>, transpose_lhs_hint = false} : vector<4096x128xf32>, vector<128x128xf32>, vector<4096x128xf32> -> vector<4096x128xf32>
    %slice3A_804 = vector.extract_strided_slice %dot_general3A_782 {offsets = [0, 0], sizes = [128, 128], strides = [1, 1]} : vector<4096x128xf32> to vector<128x128xf32>
    %slice3A_805 = vector.extract_strided_slice %dot_general3A_789 {offsets = [0, 0], sizes = [128, 128], strides = [1, 1]} : vector<4096x128xf32> to vector<128x128xf32>
    %slice3A_806 = vector.extract_strided_slice %dot_general3A_796 {offsets = [0, 0], sizes = [128, 128], strides = [1, 1]} : vector<4096x128xf32> to vector<128x128xf32>
    %slice3A_807 = vector.extract_strided_slice %dot_general3A_803 {offsets = [0, 0], sizes = [128, 128], strides = [1, 1]} : vector<4096x128xf32> to vector<128x128xf32>
    %concatenate3A_808 = tpu.concatenate %slice3A_804, %slice3A_805, %slice3A_806, %slice3A_807 in 0 : vector<128x128xf32>, vector<128x128xf32>, vector<128x128xf32>, vector<128x128xf32> -> vector<512x128xf32>
    %get3A_809 = arith.constant 0 : index
    %get3A_810 = arith.constant 0 : index
    %get3A_811 = arith.constant 0 : index
    %get3A_812 = vector.load %arg2[%get3A_809, %get3A_810, %get3A_811] : memref<32x128x512xf32, #tpu.memory_space<vmem>>, vector<1x128x512xf32>
    %get3A_813 = vector.shape_cast %get3A_812 : vector<1x128x512xf32> to vector<128x512xf32>
    %dot_general3A_814 = arith.constant dense<0.000000e+00> : vector<128x128xf32>
    %dot_general3A_815 = tpu.matmul %get3A_813, %concatenate3A_808, %dot_general3A_814 {dimension_numbers = #tpu.dot_dimension_numbers<[1], [0], [0], [1], [0, 0, 1, 1], [], []>, transpose_lhs_hint = false} : vector<128x512xf32>, vector<512x128xf32>, vector<128x128xf32> -> vector<128x128xf32>
    %slice3A_816 = vector.extract_strided_slice %dot_general3A_782 {offsets = [128, 0], sizes = [128, 128], strides = [1, 1]} : vector<4096x128xf32> to vector<128x128xf32>
    %slice3A_817 = vector.extract_strided_slice %dot_general3A_789 {offsets = [128, 0], sizes = [128, 128], strides = [1, 1]} : vector<4096x128xf32> to vector<128x128xf32>
    %slice3A_818 = vector.extract_strided_slice %dot_general3A_796 {offsets = [128, 0], sizes = [128, 128], strides = [1, 1]} : vector<4096x128xf32> to vector<128x128xf32>
    %slice3A_819 = vector.extract_strided_slice %dot_general3A_803 {offsets = [128, 0], sizes = [128, 128], strides = [1, 1]} : vector<4096x128xf32> to vector<128x128xf32>
    %concatenate3A_820 = tpu.concatenate %slice3A_816, %slice3A_817, %slice3A_818, %slice3A_819 in 0 : vector<128x128xf32>, vector<128x128xf32>, vector<128x128xf32>, vector<128x128xf32> -> vector<512x128xf32>
    %get3A_821 = arith.constant 1 : index
    %get3A_822 = arith.constant 0 : index
    %get3A_823 = arith.constant 0 : index
    %get3A_824 = vector.load %arg2[%get3A_821, %get3A_822, %get3A_823] : memref<32x128x512xf32, #tpu.memory_space<vmem>>, vector<1x128x512xf32>
    %get3A_825 = vector.shape_cast %get3A_824 : vector<1x128x512xf32> to vector<128x512xf32>
    %dot_general3A_826 = arith.constant dense<0.000000e+00> : vector<128x128xf32>
    %dot_general3A_827 = tpu.matmul %get3A_825, %concatenate3A_820, %dot_general3A_826 {dimension_numbers = #tpu.dot_dimension_numbers<[1], [0], [0], [1], [0, 0, 1, 1], [], []>, transpose_lhs_hint = false} : vector<128x512xf32>, vector<512x128xf32>, vector<128x128xf32> -> vector<128x128xf32>
    %slice3A_828 = vector.extract_strided_slice %dot_general3A_782 {offsets = [256, 0], sizes = [128, 128], strides = [1, 1]} : vector<4096x128xf32> to vector<128x128xf32>
    %slice3A_829 = vector.extract_strided_slice %dot_general3A_789 {offsets = [256, 0], sizes = [128, 128], strides = [1, 1]} : vector<4096x128xf32> to vector<128x128xf32>
    %slice3A_830 = vector.extract_strided_slice %dot_general3A_796 {offsets = [256, 0], sizes = [128, 128], strides = [1, 1]} : vector<4096x128xf32> to vector<128x128xf32>
    %slice3A_831 = vector.extract_strided_slice %dot_general3A_803 {offsets = [256, 0], sizes = [128, 128], strides = [1, 1]} : vector<4096x128xf32> to vector<128x128xf32>
    %concatenate3A_832 = tpu.concatenate %slice3A_828, %slice3A_829, %slice3A_830, %slice3A_831 in 0 : vector<128x128xf32>, vector<128x128xf32>, vector<128x128xf32>, vector<128x128xf32> -> vector<512x128xf32>
    %get3A_833 = arith.constant 2 : index
    %get3A_834 = arith.constant 0 : index
    %get3A_835 = arith.constant 0 : index
    %get3A_836 = vector.load %arg2[%get3A_833, %get3A_834, %get3A_835] : memref<32x128x512xf32, #tpu.memory_space<vmem>>, vector<1x128x512xf32>
    %get3A_837 = vector.shape_cast %get3A_836 : vector<1x128x512xf32> to vector<128x512xf32>
    %dot_general3A_838 = arith.constant dense<0.000000e+00> : vector<128x128xf32>
    %dot_general3A_839 = tpu.matmul %get3A_837, %concatenate3A_832, %dot_general3A_838 {dimension_numbers = #tpu.dot_dimension_numbers<[1], [0], [0], [1], [0, 0, 1, 1], [], []>, transpose_lhs_hint = false} : vector<128x512xf32>, vector<512x128xf32>, vector<128x128xf32> -> vector<128x128xf32>
    %slice3A_840 = vector.extract_strided_slice %dot_general3A_782 {offsets = [384, 0], sizes = [128, 128], strides = [1, 1]} : vector<4096x128xf32> to vector<128x128xf32>
    %slice3A_841 = vector.extract_strided_slice %dot_general3A_789 {offsets = [384, 0], sizes = [128, 128], strides = [1, 1]} : vector<4096x128xf32> to vector<128x128xf32>
    %slice3A_842 = vector.extract_strided_slice %dot_general3A_796 {offsets = [384, 0], sizes = [128, 128], strides = [1, 1]} : vector<4096x128xf32> to vector<128x128xf32>
    %slice3A_843 = vector.extract_strided_slice %dot_general3A_803 {offsets = [384, 0], sizes = [128, 128], strides = [1, 1]} : vector<4096x128xf32> to vector<128x128xf32>
    %concatenate3A_844 = tpu.concatenate %slice3A_840, %slice3A_841, %slice3A_842, %slice3A_843 in 0 : vector<128x128xf32>, vector<128x128xf32>, vector<128x128xf32>, vector<128x128xf32> -> vector<512x128xf32>
    %get3A_845 = arith.constant 3 : index
    %get3A_846 = arith.constant 0 : index
    %get3A_847 = arith.constant 0 : index
    %get3A_848 = vector.load %arg2[%get3A_845, %get3A_846, %get3A_847] : memref<32x128x512xf32, #tpu.memory_space<vmem>>, vector<1x128x512xf32>
    %get3A_849 = vector.shape_cast %get3A_848 : vector<1x128x512xf32> to vector<128x512xf32>
    %dot_general3A_850 = arith.constant dense<0.000000e+00> : vector<128x128xf32>
    %dot_general3A_851 = tpu.matmul %get3A_849, %concatenate3A_844, %dot_general3A_850 {dimension_numbers = #tpu.dot_dimension_numbers<[1], [0], [0], [1], [0, 0, 1, 1], [], []>, transpose_lhs_hint = false} : vector<128x512xf32>, vector<512x128xf32>, vector<128x128xf32> -> vector<128x128xf32>
    %slice3A_852 = vector.extract_strided_slice %dot_general3A_782 {offsets = [512, 0], sizes = [128, 128], strides = [1, 1]} : vector<4096x128xf32> to vector<128x128xf32>
    %slice3A_853 = vector.extract_strided_slice %dot_general3A_789 {offsets = [512, 0], sizes = [128, 128], strides = [1, 1]} : vector<4096x128xf32> to vector<128x128xf32>
    %slice3A_854 = vector.extract_strided_slice %dot_general3A_796 {offsets = [512, 0], sizes = [128, 128], strides = [1, 1]} : vector<4096x128xf32> to vector<128x128xf32>
    %slice3A_855 = vector.extract_strided_slice %dot_general3A_803 {offsets = [512, 0], sizes = [128, 128], strides = [1, 1]} : vector<4096x128xf32> to vector<128x128xf32>
    %concatenate3A_856 = tpu.concatenate %slice3A_852, %slice3A_853, %slice3A_854, %slice3A_855 in 0 : vector<128x128xf32>, vector<128x128xf32>, vector<128x128xf32>, vector<128x128xf32> -> vector<512x128xf32>
    %get3A_857 = arith.constant 4 : index
    %get3A_858 = arith.constant 0 : index
    %get3A_859 = arith.constant 0 : index
    %get3A_860 = vector.load %arg2[%get3A_857, %get3A_858, %get3A_859] : memref<32x128x512xf32, #tpu.memory_space<vmem>>, vector<1x128x512xf32>
    %get3A_861 = vector.shape_cast %get3A_860 : vector<1x128x512xf32> to vector<128x512xf32>
    %dot_general3A_862 = arith.constant dense<0.000000e+00> : vector<128x128xf32>
    %dot_general3A_863 = tpu.matmul %get3A_861, %concatenate3A_856, %dot_general3A_862 {dimension_numbers = #tpu.dot_dimension_numbers<[1], [0], [0], [1], [0, 0, 1, 1], [], []>, transpose_lhs_hint = false} : vector<128x512xf32>, vector<512x128xf32>, vector<128x128xf32> -> vector<128x128xf32>
    %slice3A_864 = vector.extract_strided_slice %dot_general3A_782 {offsets = [640, 0], sizes = [128, 128], strides = [1, 1]} : vector<4096x128xf32> to vector<128x128xf32>
    %slice3A_865 = vector.extract_strided_slice %dot_general3A_789 {offsets = [640, 0], sizes = [128, 128], strides = [1, 1]} : vector<4096x128xf32> to vector<128x128xf32>
    %slice3A_866 = vector.extract_strided_slice %dot_general3A_796 {offsets = [640, 0], sizes = [128, 128], strides = [1, 1]} : vector<4096x128xf32> to vector<128x128xf32>
    %slice3A_867 = vector.extract_strided_slice %dot_general3A_803 {offsets = [640, 0], sizes = [128, 128], strides = [1, 1]} : vector<4096x128xf32> to vector<128x128xf32>
    %concatenate3A_868 = tpu.concatenate %slice3A_864, %slice3A_865, %slice3A_866, %slice3A_867 in 0 : vector<128x128xf32>, vector<128x128xf32>, vector<128x128xf32>, vector<128x128xf32> -> vector<512x128xf32>
    %get3A_869 = arith.constant 5 : index
    %get3A_870 = arith.constant 0 : index
    %get3A_871 = arith.constant 0 : index
    %get3A_872 = vector.load %arg2[%get3A_869, %get3A_870, %get3A_871] : memref<32x128x512xf32, #tpu.memory_space<vmem>>, vector<1x128x512xf32>
    %get3A_873 = vector.shape_cast %get3A_872 : vector<1x128x512xf32> to vector<128x512xf32>
    %dot_general3A_874 = arith.constant dense<0.000000e+00> : vector<128x128xf32>
    %dot_general3A_875 = tpu.matmul %get3A_873, %concatenate3A_868, %dot_general3A_874 {dimension_numbers = #tpu.dot_dimension_numbers<[1], [0], [0], [1], [0, 0, 1, 1], [], []>, transpose_lhs_hint = false} : vector<128x512xf32>, vector<512x128xf32>, vector<128x128xf32> -> vector<128x128xf32>
    %slice3A_876 = vector.extract_strided_slice %dot_general3A_782 {offsets = [768, 0], sizes = [128, 128], strides = [1, 1]} : vector<4096x128xf32> to vector<128x128xf32>
    %slice3A_877 = vector.extract_strided_slice %dot_general3A_789 {offsets = [768, 0], sizes = [128, 128], strides = [1, 1]} : vector<4096x128xf32> to vector<128x128xf32>
    %slice3A_878 = vector.extract_strided_slice %dot_general3A_796 {offsets = [768, 0], sizes = [128, 128], strides = [1, 1]} : vector<4096x128xf32> to vector<128x128xf32>
    %slice3A_879 = vector.extract_strided_slice %dot_general3A_803 {offsets = [768, 0], sizes = [128, 128], strides = [1, 1]} : vector<4096x128xf32> to vector<128x128xf32>
    %concatenate3A_880 = tpu.concatenate %slice3A_876, %slice3A_877, %slice3A_878, %slice3A_879 in 0 : vector<128x128xf32>, vector<128x128xf32>, vector<128x128xf32>, vector<128x128xf32> -> vector<512x128xf32>
    %get3A_881 = arith.constant 6 : index
    %get3A_882 = arith.constant 0 : index
    %get3A_883 = arith.constant 0 : index
    %get3A_884 = vector.load %arg2[%get3A_881, %get3A_882, %get3A_883] : memref<32x128x512xf32, #tpu.memory_space<vmem>>, vector<1x128x512xf32>
    %get3A_885 = vector.shape_cast %get3A_884 : vector<1x128x512xf32> to vector<128x512xf32>
    %dot_general3A_886 = arith.constant dense<0.000000e+00> : vector<128x128xf32>
    %dot_general3A_887 = tpu.matmul %get3A_885, %concatenate3A_880, %dot_general3A_886 {dimension_numbers = #tpu.dot_dimension_numbers<[1], [0], [0], [1], [0, 0, 1, 1], [], []>, transpose_lhs_hint = false} : vector<128x512xf32>, vector<512x128xf32>, vector<128x128xf32> -> vector<128x128xf32>
    %slice3A_888 = vector.extract_strided_slice %dot_general3A_782 {offsets = [896, 0], sizes = [128, 128], strides = [1, 1]} : vector<4096x128xf32> to vector<128x128xf32>
    %slice3A_889 = vector.extract_strided_slice %dot_general3A_789 {offsets = [896, 0], sizes = [128, 128], strides = [1, 1]} : vector<4096x128xf32> to vector<128x128xf32>
    %slice3A_890 = vector.extract_strided_slice %dot_general3A_796 {offsets = [896, 0], sizes = [128, 128], strides = [1, 1]} : vector<4096x128xf32> to vector<128x128xf32>
    %slice3A_891 = vector.extract_strided_slice %dot_general3A_803 {offsets = [896, 0], sizes = [128, 128], strides = [1, 1]} : vector<4096x128xf32> to vector<128x128xf32>
    %concatenate3A_892 = tpu.concatenate %slice3A_888, %slice3A_889, %slice3A_890, %slice3A_891 in 0 : vector<128x128xf32>, vector<128x128xf32>, vector<128x128xf32>, vector<128x128xf32> -> vector<512x128xf32>
    %get3A_893 = arith.constant 7 : index
    %get3A_894 = arith.constant 0 : index
    %get3A_895 = arith.constant 0 : index
    %get3A_896 = vector.load %arg2[%get3A_893, %get3A_894, %get3A_895] : memref<32x128x512xf32, #tpu.memory_space<vmem>>, vector<1x128x512xf32>
    %get3A_897 = vector.shape_cast %get3A_896 : vector<1x128x512xf32> to vector<128x512xf32>
    %dot_general3A_898 = arith.constant dense<0.000000e+00> : vector<128x128xf32>
    %dot_general3A_899 = tpu.matmul %get3A_897, %concatenate3A_892, %dot_general3A_898 {dimension_numbers = #tpu.dot_dimension_numbers<[1], [0], [0], [1], [0, 0, 1, 1], [], []>, transpose_lhs_hint = false} : vector<128x512xf32>, vector<512x128xf32>, vector<128x128xf32> -> vector<128x128xf32>
    %slice3A_900 = vector.extract_strided_slice %dot_general3A_782 {offsets = [1024, 0], sizes = [128, 128], strides = [1, 1]} : vector<4096x128xf32> to vector<128x128xf32>
    %slice3A_901 = vector.extract_strided_slice %dot_general3A_789 {offsets = [1024, 0], sizes = [128, 128], strides = [1, 1]} : vector<4096x128xf32> to vector<128x128xf32>
    %slice3A_902 = vector.extract_strided_slice %dot_general3A_796 {offsets = [1024, 0], sizes = [128, 128], strides = [1, 1]} : vector<4096x128xf32> to vector<128x128xf32>
    %slice3A_903 = vector.extract_strided_slice %dot_general3A_803 {offsets = [1024, 0], sizes = [128, 128], strides = [1, 1]} : vector<4096x128xf32> to vector<128x128xf32>
    %concatenate3A_904 = tpu.concatenate %slice3A_900, %slice3A_901, %slice3A_902, %slice3A_903 in 0 : vector<128x128xf32>, vector<128x128xf32>, vector<128x128xf32>, vector<128x128xf32> -> vector<512x128xf32>
    %get3A_905 = arith.constant 8 : index
    %get3A_906 = arith.constant 0 : index
    %get3A_907 = arith.constant 0 : index
    %get3A_908 = vector.load %arg2[%get3A_905, %get3A_906, %get3A_907] : memref<32x128x512xf32, #tpu.memory_space<vmem>>, vector<1x128x512xf32>
    %get3A_909 = vector.shape_cast %get3A_908 : vector<1x128x512xf32> to vector<128x512xf32>
    %dot_general3A_910 = arith.constant dense<0.000000e+00> : vector<128x128xf32>
    %dot_general3A_911 = tpu.matmul %get3A_909, %concatenate3A_904, %dot_general3A_910 {dimension_numbers = #tpu.dot_dimension_numbers<[1], [0], [0], [1], [0, 0, 1, 1], [], []>, transpose_lhs_hint = false} : vector<128x512xf32>, vector<512x128xf32>, vector<128x128xf32> -> vector<128x128xf32>
    %slice3A_912 = vector.extract_strided_slice %dot_general3A_782 {offsets = [1152, 0], sizes = [128, 128], strides = [1, 1]} : vector<4096x128xf32> to vector<128x128xf32>
    %slice3A_913 = vector.extract_strided_slice %dot_general3A_789 {offsets = [1152, 0], sizes = [128, 128], strides = [1, 1]} : vector<4096x128xf32> to vector<128x128xf32>
    %slice3A_914 = vector.extract_strided_slice %dot_general3A_796 {offsets = [1152, 0], sizes = [128, 128], strides = [1, 1]} : vector<4096x128xf32> to vector<128x128xf32>
    %slice3A_915 = vector.extract_strided_slice %dot_general3A_803 {offsets = [1152, 0], sizes = [128, 128], strides = [1, 1]} : vector<4096x128xf32> to vector<128x128xf32>
    %concatenate3A_916 = tpu.concatenate %slice3A_912, %slice3A_913, %slice3A_914, %slice3A_915 in 0 : vector<128x128xf32>, vector<128x128xf32>, vector<128x128xf32>, vector<128x128xf32> -> vector<512x128xf32>
    %get3A_917 = arith.constant 9 : index
    %get3A_918 = arith.constant 0 : index
    %get3A_919 = arith.constant 0 : index
    %get3A_920 = vector.load %arg2[%get3A_917, %get3A_918, %get3A_919] : memref<32x128x512xf32, #tpu.memory_space<vmem>>, vector<1x128x512xf32>
    %get3A_921 = vector.shape_cast %get3A_920 : vector<1x128x512xf32> to vector<128x512xf32>
    %dot_general3A_922 = arith.constant dense<0.000000e+00> : vector<128x128xf32>
    %dot_general3A_923 = tpu.matmul %get3A_921, %concatenate3A_916, %dot_general3A_922 {dimension_numbers = #tpu.dot_dimension_numbers<[1], [0], [0], [1], [0, 0, 1, 1], [], []>, transpose_lhs_hint = false} : vector<128x512xf32>, vector<512x128xf32>, vector<128x128xf32> -> vector<128x128xf32>
    %slice3A_924 = vector.extract_strided_slice %dot_general3A_782 {offsets = [1280, 0], sizes = [128, 128], strides = [1, 1]} : vector<4096x128xf32> to vector<128x128xf32>
    %slice3A_925 = vector.extract_strided_slice %dot_general3A_789 {offsets = [1280, 0], sizes = [128, 128], strides = [1, 1]} : vector<4096x128xf32> to vector<128x128xf32>
    %slice3A_926 = vector.extract_strided_slice %dot_general3A_796 {offsets = [1280, 0], sizes = [128, 128], strides = [1, 1]} : vector<4096x128xf32> to vector<128x128xf32>
    %slice3A_927 = vector.extract_strided_slice %dot_general3A_803 {offsets = [1280, 0], sizes = [128, 128], strides = [1, 1]} : vector<4096x128xf32> to vector<128x128xf32>
    %concatenate3A_928 = tpu.concatenate %slice3A_924, %slice3A_925, %slice3A_926, %slice3A_927 in 0 : vector<128x128xf32>, vector<128x128xf32>, vector<128x128xf32>, vector<128x128xf32> -> vector<512x128xf32>
    %get3A_929 = arith.constant 10 : index
    %get3A_930 = arith.constant 0 : index
    %get3A_931 = arith.constant 0 : index
    %get3A_932 = vector.load %arg2[%get3A_929, %get3A_930, %get3A_931] : memref<32x128x512xf32, #tpu.memory_space<vmem>>, vector<1x128x512xf32>
    %get3A_933 = vector.shape_cast %get3A_932 : vector<1x128x512xf32> to vector<128x512xf32>
    %dot_general3A_934 = arith.constant dense<0.000000e+00> : vector<128x128xf32>
    %dot_general3A_935 = tpu.matmul %get3A_933, %concatenate3A_928, %dot_general3A_934 {dimension_numbers = #tpu.dot_dimension_numbers<[1], [0], [0], [1], [0, 0, 1, 1], [], []>, transpose_lhs_hint = false} : vector<128x512xf32>, vector<512x128xf32>, vector<128x128xf32> -> vector<128x128xf32>
    %slice3A_936 = vector.extract_strided_slice %dot_general3A_782 {offsets = [1408, 0], sizes = [128, 128], strides = [1, 1]} : vector<4096x128xf32> to vector<128x128xf32>
    %slice3A_937 = vector.extract_strided_slice %dot_general3A_789 {offsets = [1408, 0], sizes = [128, 128], strides = [1, 1]} : vector<4096x128xf32> to vector<128x128xf32>
    %slice3A_938 = vector.extract_strided_slice %dot_general3A_796 {offsets = [1408, 0], sizes = [128, 128], strides = [1, 1]} : vector<4096x128xf32> to vector<128x128xf32>
    %slice3A_939 = vector.extract_strided_slice %dot_general3A_803 {offsets = [1408, 0], sizes = [128, 128], strides = [1, 1]} : vector<4096x128xf32> to vector<128x128xf32>
    %concatenate3A_940 = tpu.concatenate %slice3A_936, %slice3A_937, %slice3A_938, %slice3A_939 in 0 : vector<128x128xf32>, vector<128x128xf32>, vector<128x128xf32>, vector<128x128xf32> -> vector<512x128xf32>
    %get3A_941 = arith.constant 11 : index
    %get3A_942 = arith.constant 0 : index
    %get3A_943 = arith.constant 0 : index
    %get3A_944 = vector.load %arg2[%get3A_941, %get3A_942, %get3A_943] : memref<32x128x512xf32, #tpu.memory_space<vmem>>, vector<1x128x512xf32>
    %get3A_945 = vector.shape_cast %get3A_944 : vector<1x128x512xf32> to vector<128x512xf32>
    %dot_general3A_946 = arith.constant dense<0.000000e+00> : vector<128x128xf32>
    %dot_general3A_947 = tpu.matmul %get3A_945, %concatenate3A_940, %dot_general3A_946 {dimension_numbers = #tpu.dot_dimension_numbers<[1], [0], [0], [1], [0, 0, 1, 1], [], []>, transpose_lhs_hint = false} : vector<128x512xf32>, vector<512x128xf32>, vector<128x128xf32> -> vector<128x128xf32>
    %slice3A_948 = vector.extract_strided_slice %dot_general3A_782 {offsets = [1536, 0], sizes = [128, 128], strides = [1, 1]} : vector<4096x128xf32> to vector<128x128xf32>
    %slice3A_949 = vector.extract_strided_slice %dot_general3A_789 {offsets = [1536, 0], sizes = [128, 128], strides = [1, 1]} : vector<4096x128xf32> to vector<128x128xf32>
    %slice3A_950 = vector.extract_strided_slice %dot_general3A_796 {offsets = [1536, 0], sizes = [128, 128], strides = [1, 1]} : vector<4096x128xf32> to vector<128x128xf32>
    %slice3A_951 = vector.extract_strided_slice %dot_general3A_803 {offsets = [1536, 0], sizes = [128, 128], strides = [1, 1]} : vector<4096x128xf32> to vector<128x128xf32>
    %concatenate3A_952 = tpu.concatenate %slice3A_948, %slice3A_949, %slice3A_950, %slice3A_951 in 0 : vector<128x128xf32>, vector<128x128xf32>, vector<128x128xf32>, vector<128x128xf32> -> vector<512x128xf32>
    %get3A_953 = arith.constant 12 : index
    %get3A_954 = arith.constant 0 : index
    %get3A_955 = arith.constant 0 : index
    %get3A_956 = vector.load %arg2[%get3A_953, %get3A_954, %get3A_955] : memref<32x128x512xf32, #tpu.memory_space<vmem>>, vector<1x128x512xf32>
    %get3A_957 = vector.shape_cast %get3A_956 : vector<1x128x512xf32> to vector<128x512xf32>
    %dot_general3A_958 = arith.constant dense<0.000000e+00> : vector<128x128xf32>
    %dot_general3A_959 = tpu.matmul %get3A_957, %concatenate3A_952, %dot_general3A_958 {dimension_numbers = #tpu.dot_dimension_numbers<[1], [0], [0], [1], [0, 0, 1, 1], [], []>, transpose_lhs_hint = false} : vector<128x512xf32>, vector<512x128xf32>, vector<128x128xf32> -> vector<128x128xf32>
    %slice3A_960 = vector.extract_strided_slice %dot_general3A_782 {offsets = [1664, 0], sizes = [128, 128], strides = [1, 1]} : vector<4096x128xf32> to vector<128x128xf32>
    %slice3A_961 = vector.extract_strided_slice %dot_general3A_789 {offsets = [1664, 0], sizes = [128, 128], strides = [1, 1]} : vector<4096x128xf32> to vector<128x128xf32>
    %slice3A_962 = vector.extract_strided_slice %dot_general3A_796 {offsets = [1664, 0], sizes = [128, 128], strides = [1, 1]} : vector<4096x128xf32> to vector<128x128xf32>
    %slice3A_963 = vector.extract_strided_slice %dot_general3A_803 {offsets = [1664, 0], sizes = [128, 128], strides = [1, 1]} : vector<4096x128xf32> to vector<128x128xf32>
    %concatenate3A_964 = tpu.concatenate %slice3A_960, %slice3A_961, %slice3A_962, %slice3A_963 in 0 : vector<128x128xf32>, vector<128x128xf32>, vector<128x128xf32>, vector<128x128xf32> -> vector<512x128xf32>
    %get3A_965 = arith.constant 13 : index
    %get3A_966 = arith.constant 0 : index
    %get3A_967 = arith.constant 0 : index
    %get3A_968 = vector.load %arg2[%get3A_965, %get3A_966, %get3A_967] : memref<32x128x512xf32, #tpu.memory_space<vmem>>, vector<1x128x512xf32>
    %get3A_969 = vector.shape_cast %get3A_968 : vector<1x128x512xf32> to vector<128x512xf32>
    %dot_general3A_970 = arith.constant dense<0.000000e+00> : vector<128x128xf32>
    %dot_general3A_971 = tpu.matmul %get3A_969, %concatenate3A_964, %dot_general3A_970 {dimension_numbers = #tpu.dot_dimension_numbers<[1], [0], [0], [1], [0, 0, 1, 1], [], []>, transpose_lhs_hint = false} : vector<128x512xf32>, vector<512x128xf32>, vector<128x128xf32> -> vector<128x128xf32>
    %slice3A_972 = vector.extract_strided_slice %dot_general3A_782 {offsets = [1792, 0], sizes = [128, 128], strides = [1, 1]} : vector<4096x128xf32> to vector<128x128xf32>
    %slice3A_973 = vector.extract_strided_slice %dot_general3A_789 {offsets = [1792, 0], sizes = [128, 128], strides = [1, 1]} : vector<4096x128xf32> to vector<128x128xf32>
    %slice3A_974 = vector.extract_strided_slice %dot_general3A_796 {offsets = [1792, 0], sizes = [128, 128], strides = [1, 1]} : vector<4096x128xf32> to vector<128x128xf32>
    %slice3A_975 = vector.extract_strided_slice %dot_general3A_803 {offsets = [1792, 0], sizes = [128, 128], strides = [1, 1]} : vector<4096x128xf32> to vector<128x128xf32>
    %concatenate3A_976 = tpu.concatenate %slice3A_972, %slice3A_973, %slice3A_974, %slice3A_975 in 0 : vector<128x128xf32>, vector<128x128xf32>, vector<128x128xf32>, vector<128x128xf32> -> vector<512x128xf32>
    %get3A_977 = arith.constant 14 : index
    %get3A_978 = arith.constant 0 : index
    %get3A_979 = arith.constant 0 : index
    %get3A_980 = vector.load %arg2[%get3A_977, %get3A_978, %get3A_979] : memref<32x128x512xf32, #tpu.memory_space<vmem>>, vector<1x128x512xf32>
    %get3A_981 = vector.shape_cast %get3A_980 : vector<1x128x512xf32> to vector<128x512xf32>
    %dot_general3A_982 = arith.constant dense<0.000000e+00> : vector<128x128xf32>
    %dot_general3A_983 = tpu.matmul %get3A_981, %concatenate3A_976, %dot_general3A_982 {dimension_numbers = #tpu.dot_dimension_numbers<[1], [0], [0], [1], [0, 0, 1, 1], [], []>, transpose_lhs_hint = false} : vector<128x512xf32>, vector<512x128xf32>, vector<128x128xf32> -> vector<128x128xf32>
    %slice3A_984 = vector.extract_strided_slice %dot_general3A_782 {offsets = [1920, 0], sizes = [128, 128], strides = [1, 1]} : vector<4096x128xf32> to vector<128x128xf32>
    %slice3A_985 = vector.extract_strided_slice %dot_general3A_789 {offsets = [1920, 0], sizes = [128, 128], strides = [1, 1]} : vector<4096x128xf32> to vector<128x128xf32>
    %slice3A_986 = vector.extract_strided_slice %dot_general3A_796 {offsets = [1920, 0], sizes = [128, 128], strides = [1, 1]} : vector<4096x128xf32> to vector<128x128xf32>
    %slice3A_987 = vector.extract_strided_slice %dot_general3A_803 {offsets = [1920, 0], sizes = [128, 128], strides = [1, 1]} : vector<4096x128xf32> to vector<128x128xf32>
    %concatenate3A_988 = tpu.concatenate %slice3A_984, %slice3A_985, %slice3A_986, %slice3A_987 in 0 : vector<128x128xf32>, vector<128x128xf32>, vector<128x128xf32>, vector<128x128xf32> -> vector<512x128xf32>
    %get3A_989 = arith.constant 15 : index
    %get3A_990 = arith.constant 0 : index
    %get3A_991 = arith.constant 0 : index
    %get3A_992 = vector.load %arg2[%get3A_989, %get3A_990, %get3A_991] : memref<32x128x512xf32, #tpu.memory_space<vmem>>, vector<1x128x512xf32>
    %get3A_993 = vector.shape_cast %get3A_992 : vector<1x128x512xf32> to vector<128x512xf32>
    %dot_general3A_994 = arith.constant dense<0.000000e+00> : vector<128x128xf32>
    %dot_general3A_995 = tpu.matmul %get3A_993, %concatenate3A_988, %dot_general3A_994 {dimension_numbers = #tpu.dot_dimension_numbers<[1], [0], [0], [1], [0, 0, 1, 1], [], []>, transpose_lhs_hint = false} : vector<128x512xf32>, vector<512x128xf32>, vector<128x128xf32> -> vector<128x128xf32>
    %slice3A_996 = vector.extract_strided_slice %dot_general3A_782 {offsets = [2048, 0], sizes = [128, 128], strides = [1, 1]} : vector<4096x128xf32> to vector<128x128xf32>
    %slice3A_997 = vector.extract_strided_slice %dot_general3A_789 {offsets = [2048, 0], sizes = [128, 128], strides = [1, 1]} : vector<4096x128xf32> to vector<128x128xf32>
    %slice3A_998 = vector.extract_strided_slice %dot_general3A_796 {offsets = [2048, 0], sizes = [128, 128], strides = [1, 1]} : vector<4096x128xf32> to vector<128x128xf32>
    %slice3A_999 = vector.extract_strided_slice %dot_general3A_803 {offsets = [2048, 0], sizes = [128, 128], strides = [1, 1]} : vector<4096x128xf32> to vector<128x128xf32>
    %concatenate3A_1000 = tpu.concatenate %slice3A_996, %slice3A_997, %slice3A_998, %slice3A_999 in 0 : vector<128x128xf32>, vector<128x128xf32>, vector<128x128xf32>, vector<128x128xf32> -> vector<512x128xf32>
    %get3A_1001 = arith.constant 16 : index
    %get3A_1002 = arith.constant 0 : index
    %get3A_1003 = arith.constant 0 : index
    %get3A_1004 = vector.load %arg2[%get3A_1001, %get3A_1002, %get3A_1003] : memref<32x128x512xf32, #tpu.memory_space<vmem>>, vector<1x128x512xf32>
    %get3A_1005 = vector.shape_cast %get3A_1004 : vector<1x128x512xf32> to vector<128x512xf32>
    %dot_general3A_1006 = arith.constant dense<0.000000e+00> : vector<128x128xf32>
    %dot_general3A_1007 = tpu.matmul %get3A_1005, %concatenate3A_1000, %dot_general3A_1006 {dimension_numbers = #tpu.dot_dimension_numbers<[1], [0], [0], [1], [0, 0, 1, 1], [], []>, transpose_lhs_hint = false} : vector<128x512xf32>, vector<512x128xf32>, vector<128x128xf32> -> vector<128x128xf32>
    %slice3A_1008 = vector.extract_strided_slice %dot_general3A_782 {offsets = [2176, 0], sizes = [128, 128], strides = [1, 1]} : vector<4096x128xf32> to vector<128x128xf32>
    %slice3A_1009 = vector.extract_strided_slice %dot_general3A_789 {offsets = [2176, 0], sizes = [128, 128], strides = [1, 1]} : vector<4096x128xf32> to vector<128x128xf32>
    %slice3A_1010 = vector.extract_strided_slice %dot_general3A_796 {offsets = [2176, 0], sizes = [128, 128], strides = [1, 1]} : vector<4096x128xf32> to vector<128x128xf32>
    %slice3A_1011 = vector.extract_strided_slice %dot_general3A_803 {offsets = [2176, 0], sizes = [128, 128], strides = [1, 1]} : vector<4096x128xf32> to vector<128x128xf32>
    %concatenate3A_1012 = tpu.concatenate %slice3A_1008, %slice3A_1009, %slice3A_1010, %slice3A_1011 in 0 : vector<128x128xf32>, vector<128x128xf32>, vector<128x128xf32>, vector<128x128xf32> -> vector<512x128xf32>
    %get3A_1013 = arith.constant 17 : index
    %get3A_1014 = arith.constant 0 : index
    %get3A_1015 = arith.constant 0 : index
    %get3A_1016 = vector.load %arg2[%get3A_1013, %get3A_1014, %get3A_1015] : memref<32x128x512xf32, #tpu.memory_space<vmem>>, vector<1x128x512xf32>
    %get3A_1017 = vector.shape_cast %get3A_1016 : vector<1x128x512xf32> to vector<128x512xf32>
    %dot_general3A_1018 = arith.constant dense<0.000000e+00> : vector<128x128xf32>
    %dot_general3A_1019 = tpu.matmul %get3A_1017, %concatenate3A_1012, %dot_general3A_1018 {dimension_numbers = #tpu.dot_dimension_numbers<[1], [0], [0], [1], [0, 0, 1, 1], [], []>, transpose_lhs_hint = false} : vector<128x512xf32>, vector<512x128xf32>, vector<128x128xf32> -> vector<128x128xf32>
    %slice3A_1020 = vector.extract_strided_slice %dot_general3A_782 {offsets = [2304, 0], sizes = [128, 128], strides = [1, 1]} : vector<4096x128xf32> to vector<128x128xf32>
    %slice3A_1021 = vector.extract_strided_slice %dot_general3A_789 {offsets = [2304, 0], sizes = [128, 128], strides = [1, 1]} : vector<4096x128xf32> to vector<128x128xf32>
    %slice3A_1022 = vector.extract_strided_slice %dot_general3A_796 {offsets = [2304, 0], sizes = [128, 128], strides = [1, 1]} : vector<4096x128xf32> to vector<128x128xf32>
    %slice3A_1023 = vector.extract_strided_slice %dot_general3A_803 {offsets = [2304, 0], sizes = [128, 128], strides = [1, 1]} : vector<4096x128xf32> to vector<128x128xf32>
    %concatenate3A_1024 = tpu.concatenate %slice3A_1020, %slice3A_1021, %slice3A_1022, %slice3A_1023 in 0 : vector<128x128xf32>, vector<128x128xf32>, vector<128x128xf32>, vector<128x128xf32> -> vector<512x128xf32>
    %get3A_1025 = arith.constant 18 : index
    %get3A_1026 = arith.constant 0 : index
    %get3A_1027 = arith.constant 0 : index
    %get3A_1028 = vector.load %arg2[%get3A_1025, %get3A_1026, %get3A_1027] : memref<32x128x512xf32, #tpu.memory_space<vmem>>, vector<1x128x512xf32>
    %get3A_1029 = vector.shape_cast %get3A_1028 : vector<1x128x512xf32> to vector<128x512xf32>
    %dot_general3A_1030 = arith.constant dense<0.000000e+00> : vector<128x128xf32>
    %dot_general3A_1031 = tpu.matmul %get3A_1029, %concatenate3A_1024, %dot_general3A_1030 {dimension_numbers = #tpu.dot_dimension_numbers<[1], [0], [0], [1], [0, 0, 1, 1], [], []>, transpose_lhs_hint = false} : vector<128x512xf32>, vector<512x128xf32>, vector<128x128xf32> -> vector<128x128xf32>
    %slice3A_1032 = vector.extract_strided_slice %dot_general3A_782 {offsets = [2432, 0], sizes = [128, 128], strides = [1, 1]} : vector<4096x128xf32> to vector<128x128xf32>
    %slice3A_1033 = vector.extract_strided_slice %dot_general3A_789 {offsets = [2432, 0], sizes = [128, 128], strides = [1, 1]} : vector<4096x128xf32> to vector<128x128xf32>
    %slice3A_1034 = vector.extract_strided_slice %dot_general3A_796 {offsets = [2432, 0], sizes = [128, 128], strides = [1, 1]} : vector<4096x128xf32> to vector<128x128xf32>
    %slice3A_1035 = vector.extract_strided_slice %dot_general3A_803 {offsets = [2432, 0], sizes = [128, 128], strides = [1, 1]} : vector<4096x128xf32> to vector<128x128xf32>
    %concatenate3A_1036 = tpu.concatenate %slice3A_1032, %slice3A_1033, %slice3A_1034, %slice3A_1035 in 0 : vector<128x128xf32>, vector<128x128xf32>, vector<128x128xf32>, vector<128x128xf32> -> vector<512x128xf32>
    %get3A_1037 = arith.constant 19 : index
    %get3A_1038 = arith.constant 0 : index
    %get3A_1039 = arith.constant 0 : index
    %get3A_1040 = vector.load %arg2[%get3A_1037, %get3A_1038, %get3A_1039] : memref<32x128x512xf32, #tpu.memory_space<vmem>>, vector<1x128x512xf32>
    %get3A_1041 = vector.shape_cast %get3A_1040 : vector<1x128x512xf32> to vector<128x512xf32>
    %dot_general3A_1042 = arith.constant dense<0.000000e+00> : vector<128x128xf32>
    %dot_general3A_1043 = tpu.matmul %get3A_1041, %concatenate3A_1036, %dot_general3A_1042 {dimension_numbers = #tpu.dot_dimension_numbers<[1], [0], [0], [1], [0, 0, 1, 1], [], []>, transpose_lhs_hint = false} : vector<128x512xf32>, vector<512x128xf32>, vector<128x128xf32> -> vector<128x128xf32>
    %slice3A_1044 = vector.extract_strided_slice %dot_general3A_782 {offsets = [2560, 0], sizes = [128, 128], strides = [1, 1]} : vector<4096x128xf32> to vector<128x128xf32>
    %slice3A_1045 = vector.extract_strided_slice %dot_general3A_789 {offsets = [2560, 0], sizes = [128, 128], strides = [1, 1]} : vector<4096x128xf32> to vector<128x128xf32>
    %slice3A_1046 = vector.extract_strided_slice %dot_general3A_796 {offsets = [2560, 0], sizes = [128, 128], strides = [1, 1]} : vector<4096x128xf32> to vector<128x128xf32>
    %slice3A_1047 = vector.extract_strided_slice %dot_general3A_803 {offsets = [2560, 0], sizes = [128, 128], strides = [1, 1]} : vector<4096x128xf32> to vector<128x128xf32>
    %concatenate3A_1048 = tpu.concatenate %slice3A_1044, %slice3A_1045, %slice3A_1046, %slice3A_1047 in 0 : vector<128x128xf32>, vector<128x128xf32>, vector<128x128xf32>, vector<128x128xf32> -> vector<512x128xf32>
    %get3A_1049 = arith.constant 20 : index
    %get3A_1050 = arith.constant 0 : index
    %get3A_1051 = arith.constant 0 : index
    %get3A_1052 = vector.load %arg2[%get3A_1049, %get3A_1050, %get3A_1051] : memref<32x128x512xf32, #tpu.memory_space<vmem>>, vector<1x128x512xf32>
    %get3A_1053 = vector.shape_cast %get3A_1052 : vector<1x128x512xf32> to vector<128x512xf32>
    %dot_general3A_1054 = arith.constant dense<0.000000e+00> : vector<128x128xf32>
    %dot_general3A_1055 = tpu.matmul %get3A_1053, %concatenate3A_1048, %dot_general3A_1054 {dimension_numbers = #tpu.dot_dimension_numbers<[1], [0], [0], [1], [0, 0, 1, 1], [], []>, transpose_lhs_hint = false} : vector<128x512xf32>, vector<512x128xf32>, vector<128x128xf32> -> vector<128x128xf32>
    %slice3A_1056 = vector.extract_strided_slice %dot_general3A_782 {offsets = [2688, 0], sizes = [128, 128], strides = [1, 1]} : vector<4096x128xf32> to vector<128x128xf32>
    %slice3A_1057 = vector.extract_strided_slice %dot_general3A_789 {offsets = [2688, 0], sizes = [128, 128], strides = [1, 1]} : vector<4096x128xf32> to vector<128x128xf32>
    %slice3A_1058 = vector.extract_strided_slice %dot_general3A_796 {offsets = [2688, 0], sizes = [128, 128], strides = [1, 1]} : vector<4096x128xf32> to vector<128x128xf32>
    %slice3A_1059 = vector.extract_strided_slice %dot_general3A_803 {offsets = [2688, 0], sizes = [128, 128], strides = [1, 1]} : vector<4096x128xf32> to vector<128x128xf32>
    %concatenate3A_1060 = tpu.concatenate %slice3A_1056, %slice3A_1057, %slice3A_1058, %slice3A_1059 in 0 : vector<128x128xf32>, vector<128x128xf32>, vector<128x128xf32>, vector<128x128xf32> -> vector<512x128xf32>
    %get3A_1061 = arith.constant 21 : index
    %get3A_1062 = arith.constant 0 : index
    %get3A_1063 = arith.constant 0 : index
    %get3A_1064 = vector.load %arg2[%get3A_1061, %get3A_1062, %get3A_1063] : memref<32x128x512xf32, #tpu.memory_space<vmem>>, vector<1x128x512xf32>
    %get3A_1065 = vector.shape_cast %get3A_1064 : vector<1x128x512xf32> to vector<128x512xf32>
    %dot_general3A_1066 = arith.constant dense<0.000000e+00> : vector<128x128xf32>
    %dot_general3A_1067 = tpu.matmul %get3A_1065, %concatenate3A_1060, %dot_general3A_1066 {dimension_numbers = #tpu.dot_dimension_numbers<[1], [0], [0], [1], [0, 0, 1, 1], [], []>, transpose_lhs_hint = false} : vector<128x512xf32>, vector<512x128xf32>, vector<128x128xf32> -> vector<128x128xf32>
    %slice3A_1068 = vector.extract_strided_slice %dot_general3A_782 {offsets = [2816, 0], sizes = [128, 128], strides = [1, 1]} : vector<4096x128xf32> to vector<128x128xf32>
    %slice3A_1069 = vector.extract_strided_slice %dot_general3A_789 {offsets = [2816, 0], sizes = [128, 128], strides = [1, 1]} : vector<4096x128xf32> to vector<128x128xf32>
    %slice3A_1070 = vector.extract_strided_slice %dot_general3A_796 {offsets = [2816, 0], sizes = [128, 128], strides = [1, 1]} : vector<4096x128xf32> to vector<128x128xf32>
    %slice3A_1071 = vector.extract_strided_slice %dot_general3A_803 {offsets = [2816, 0], sizes = [128, 128], strides = [1, 1]} : vector<4096x128xf32> to vector<128x128xf32>
    %concatenate3A_1072 = tpu.concatenate %slice3A_1068, %slice3A_1069, %slice3A_1070, %slice3A_1071 in 0 : vector<128x128xf32>, vector<128x128xf32>, vector<128x128xf32>, vector<128x128xf32> -> vector<512x128xf32>
    %get3A_1073 = arith.constant 22 : index
    %get3A_1074 = arith.constant 0 : index
    %get3A_1075 = arith.constant 0 : index
    %get3A_1076 = vector.load %arg2[%get3A_1073, %get3A_1074, %get3A_1075] : memref<32x128x512xf32, #tpu.memory_space<vmem>>, vector<1x128x512xf32>
    %get3A_1077 = vector.shape_cast %get3A_1076 : vector<1x128x512xf32> to vector<128x512xf32>
    %dot_general3A_1078 = arith.constant dense<0.000000e+00> : vector<128x128xf32>
    %dot_general3A_1079 = tpu.matmul %get3A_1077, %concatenate3A_1072, %dot_general3A_1078 {dimension_numbers = #tpu.dot_dimension_numbers<[1], [0], [0], [1], [0, 0, 1, 1], [], []>, transpose_lhs_hint = false} : vector<128x512xf32>, vector<512x128xf32>, vector<128x128xf32> -> vector<128x128xf32>
    %slice3A_1080 = vector.extract_strided_slice %dot_general3A_782 {offsets = [2944, 0], sizes = [128, 128], strides = [1, 1]} : vector<4096x128xf32> to vector<128x128xf32>
    %slice3A_1081 = vector.extract_strided_slice %dot_general3A_789 {offsets = [2944, 0], sizes = [128, 128], strides = [1, 1]} : vector<4096x128xf32> to vector<128x128xf32>
    %slice3A_1082 = vector.extract_strided_slice %dot_general3A_796 {offsets = [2944, 0], sizes = [128, 128], strides = [1, 1]} : vector<4096x128xf32> to vector<128x128xf32>
    %slice3A_1083 = vector.extract_strided_slice %dot_general3A_803 {offsets = [2944, 0], sizes = [128, 128], strides = [1, 1]} : vector<4096x128xf32> to vector<128x128xf32>
    %concatenate3A_1084 = tpu.concatenate %slice3A_1080, %slice3A_1081, %slice3A_1082, %slice3A_1083 in 0 : vector<128x128xf32>, vector<128x128xf32>, vector<128x128xf32>, vector<128x128xf32> -> vector<512x128xf32>
    %get3A_1085 = arith.constant 23 : index
    %get3A_1086 = arith.constant 0 : index
    %get3A_1087 = arith.constant 0 : index
    %get3A_1088 = vector.load %arg2[%get3A_1085, %get3A_1086, %get3A_1087] : memref<32x128x512xf32, #tpu.memory_space<vmem>>, vector<1x128x512xf32>
    %get3A_1089 = vector.shape_cast %get3A_1088 : vector<1x128x512xf32> to vector<128x512xf32>
    %dot_general3A_1090 = arith.constant dense<0.000000e+00> : vector<128x128xf32>
    %dot_general3A_1091 = tpu.matmul %get3A_1089, %concatenate3A_1084, %dot_general3A_1090 {dimension_numbers = #tpu.dot_dimension_numbers<[1], [0], [0], [1], [0, 0, 1, 1], [], []>, transpose_lhs_hint = false} : vector<128x512xf32>, vector<512x128xf32>, vector<128x128xf32> -> vector<128x128xf32>
    %slice3A_1092 = vector.extract_strided_slice %dot_general3A_782 {offsets = [3072, 0], sizes = [128, 128], strides = [1, 1]} : vector<4096x128xf32> to vector<128x128xf32>
    %slice3A_1093 = vector.extract_strided_slice %dot_general3A_789 {offsets = [3072, 0], sizes = [128, 128], strides = [1, 1]} : vector<4096x128xf32> to vector<128x128xf32>
    %slice3A_1094 = vector.extract_strided_slice %dot_general3A_796 {offsets = [3072, 0], sizes = [128, 128], strides = [1, 1]} : vector<4096x128xf32> to vector<128x128xf32>
    %slice3A_1095 = vector.extract_strided_slice %dot_general3A_803 {offsets = [3072, 0], sizes = [128, 128], strides = [1, 1]} : vector<4096x128xf32> to vector<128x128xf32>
    %concatenate3A_1096 = tpu.concatenate %slice3A_1092, %slice3A_1093, %slice3A_1094, %slice3A_1095 in 0 : vector<128x128xf32>, vector<128x128xf32>, vector<128x128xf32>, vector<128x128xf32> -> vector<512x128xf32>
    %get3A_1097 = arith.constant 24 : index
    %get3A_1098 = arith.constant 0 : index
    %get3A_1099 = arith.constant 0 : index
    %get3A_1100 = vector.load %arg2[%get3A_1097, %get3A_1098, %get3A_1099] : memref<32x128x512xf32, #tpu.memory_space<vmem>>, vector<1x128x512xf32>
    %get3A_1101 = vector.shape_cast %get3A_1100 : vector<1x128x512xf32> to vector<128x512xf32>
    %dot_general3A_1102 = arith.constant dense<0.000000e+00> : vector<128x128xf32>
    %dot_general3A_1103 = tpu.matmul %get3A_1101, %concatenate3A_1096, %dot_general3A_1102 {dimension_numbers = #tpu.dot_dimension_numbers<[1], [0], [0], [1], [0, 0, 1, 1], [], []>, transpose_lhs_hint = false} : vector<128x512xf32>, vector<512x128xf32>, vector<128x128xf32> -> vector<128x128xf32>
    %slice3A_1104 = vector.extract_strided_slice %dot_general3A_782 {offsets = [3200, 0], sizes = [128, 128], strides = [1, 1]} : vector<4096x128xf32> to vector<128x128xf32>
    %slice3A_1105 = vector.extract_strided_slice %dot_general3A_789 {offsets = [3200, 0], sizes = [128, 128], strides = [1, 1]} : vector<4096x128xf32> to vector<128x128xf32>
    %slice3A_1106 = vector.extract_strided_slice %dot_general3A_796 {offsets = [3200, 0], sizes = [128, 128], strides = [1, 1]} : vector<4096x128xf32> to vector<128x128xf32>
    %slice3A_1107 = vector.extract_strided_slice %dot_general3A_803 {offsets = [3200, 0], sizes = [128, 128], strides = [1, 1]} : vector<4096x128xf32> to vector<128x128xf32>
    %concatenate3A_1108 = tpu.concatenate %slice3A_1104, %slice3A_1105, %slice3A_1106, %slice3A_1107 in 0 : vector<128x128xf32>, vector<128x128xf32>, vector<128x128xf32>, vector<128x128xf32> -> vector<512x128xf32>
    %get3A_1109 = arith.constant 25 : index
    %get3A_1110 = arith.constant 0 : index
    %get3A_1111 = arith.constant 0 : index
    %get3A_1112 = vector.load %arg2[%get3A_1109, %get3A_1110, %get3A_1111] : memref<32x128x512xf32, #tpu.memory_space<vmem>>, vector<1x128x512xf32>
    %get3A_1113 = vector.shape_cast %get3A_1112 : vector<1x128x512xf32> to vector<128x512xf32>
    %dot_general3A_1114 = arith.constant dense<0.000000e+00> : vector<128x128xf32>
    %dot_general3A_1115 = tpu.matmul %get3A_1113, %concatenate3A_1108, %dot_general3A_1114 {dimension_numbers = #tpu.dot_dimension_numbers<[1], [0], [0], [1], [0, 0, 1, 1], [], []>, transpose_lhs_hint = false} : vector<128x512xf32>, vector<512x128xf32>, vector<128x128xf32> -> vector<128x128xf32>
    %slice3A_1116 = vector.extract_strided_slice %dot_general3A_782 {offsets = [3328, 0], sizes = [128, 128], strides = [1, 1]} : vector<4096x128xf32> to vector<128x128xf32>
    %slice3A_1117 = vector.extract_strided_slice %dot_general3A_789 {offsets = [3328, 0], sizes = [128, 128], strides = [1, 1]} : vector<4096x128xf32> to vector<128x128xf32>
    %slice3A_1118 = vector.extract_strided_slice %dot_general3A_796 {offsets = [3328, 0], sizes = [128, 128], strides = [1, 1]} : vector<4096x128xf32> to vector<128x128xf32>
    %slice3A_1119 = vector.extract_strided_slice %dot_general3A_803 {offsets = [3328, 0], sizes = [128, 128], strides = [1, 1]} : vector<4096x128xf32> to vector<128x128xf32>
    %concatenate3A_1120 = tpu.concatenate %slice3A_1116, %slice3A_1117, %slice3A_1118, %slice3A_1119 in 0 : vector<128x128xf32>, vector<128x128xf32>, vector<128x128xf32>, vector<128x128xf32> -> vector<512x128xf32>
    %get3A_1121 = arith.constant 26 : index
    %get3A_1122 = arith.constant 0 : index
    %get3A_1123 = arith.constant 0 : index
    %get3A_1124 = vector.load %arg2[%get3A_1121, %get3A_1122, %get3A_1123] : memref<32x128x512xf32, #tpu.memory_space<vmem>>, vector<1x128x512xf32>
    %get3A_1125 = vector.shape_cast %get3A_1124 : vector<1x128x512xf32> to vector<128x512xf32>
    %dot_general3A_1126 = arith.constant dense<0.000000e+00> : vector<128x128xf32>
    %dot_general3A_1127 = tpu.matmul %get3A_1125, %concatenate3A_1120, %dot_general3A_1126 {dimension_numbers = #tpu.dot_dimension_numbers<[1], [0], [0], [1], [0, 0, 1, 1], [], []>, transpose_lhs_hint = false} : vector<128x512xf32>, vector<512x128xf32>, vector<128x128xf32> -> vector<128x128xf32>
    %slice3A_1128 = vector.extract_strided_slice %dot_general3A_782 {offsets = [3456, 0], sizes = [128, 128], strides = [1, 1]} : vector<4096x128xf32> to vector<128x128xf32>
    %slice3A_1129 = vector.extract_strided_slice %dot_general3A_789 {offsets = [3456, 0], sizes = [128, 128], strides = [1, 1]} : vector<4096x128xf32> to vector<128x128xf32>
    %slice3A_1130 = vector.extract_strided_slice %dot_general3A_796 {offsets = [3456, 0], sizes = [128, 128], strides = [1, 1]} : vector<4096x128xf32> to vector<128x128xf32>
    %slice3A_1131 = vector.extract_strided_slice %dot_general3A_803 {offsets = [3456, 0], sizes = [128, 128], strides = [1, 1]} : vector<4096x128xf32> to vector<128x128xf32>
    %concatenate3A_1132 = tpu.concatenate %slice3A_1128, %slice3A_1129, %slice3A_1130, %slice3A_1131 in 0 : vector<128x128xf32>, vector<128x128xf32>, vector<128x128xf32>, vector<128x128xf32> -> vector<512x128xf32>
    %get3A_1133 = arith.constant 27 : index
    %get3A_1134 = arith.constant 0 : index
    %get3A_1135 = arith.constant 0 : index
    %get3A_1136 = vector.load %arg2[%get3A_1133, %get3A_1134, %get3A_1135] : memref<32x128x512xf32, #tpu.memory_space<vmem>>, vector<1x128x512xf32>
    %get3A_1137 = vector.shape_cast %get3A_1136 : vector<1x128x512xf32> to vector<128x512xf32>
    %dot_general3A_1138 = arith.constant dense<0.000000e+00> : vector<128x128xf32>
    %dot_general3A_1139 = tpu.matmul %get3A_1137, %concatenate3A_1132, %dot_general3A_1138 {dimension_numbers = #tpu.dot_dimension_numbers<[1], [0], [0], [1], [0, 0, 1, 1], [], []>, transpose_lhs_hint = false} : vector<128x512xf32>, vector<512x128xf32>, vector<128x128xf32> -> vector<128x128xf32>
    %slice3A_1140 = vector.extract_strided_slice %dot_general3A_782 {offsets = [3584, 0], sizes = [128, 128], strides = [1, 1]} : vector<4096x128xf32> to vector<128x128xf32>
    %slice3A_1141 = vector.extract_strided_slice %dot_general3A_789 {offsets = [3584, 0], sizes = [128, 128], strides = [1, 1]} : vector<4096x128xf32> to vector<128x128xf32>
    %slice3A_1142 = vector.extract_strided_slice %dot_general3A_796 {offsets = [3584, 0], sizes = [128, 128], strides = [1, 1]} : vector<4096x128xf32> to vector<128x128xf32>
    %slice3A_1143 = vector.extract_strided_slice %dot_general3A_803 {offsets = [3584, 0], sizes = [128, 128], strides = [1, 1]} : vector<4096x128xf32> to vector<128x128xf32>
    %concatenate3A_1144 = tpu.concatenate %slice3A_1140, %slice3A_1141, %slice3A_1142, %slice3A_1143 in 0 : vector<128x128xf32>, vector<128x128xf32>, vector<128x128xf32>, vector<128x128xf32> -> vector<512x128xf32>
    %get3A_1145 = arith.constant 28 : index
    %get3A_1146 = arith.constant 0 : index
    %get3A_1147 = arith.constant 0 : index
    %get3A_1148 = vector.load %arg2[%get3A_1145, %get3A_1146, %get3A_1147] : memref<32x128x512xf32, #tpu.memory_space<vmem>>, vector<1x128x512xf32>
    %get3A_1149 = vector.shape_cast %get3A_1148 : vector<1x128x512xf32> to vector<128x512xf32>
    %dot_general3A_1150 = arith.constant dense<0.000000e+00> : vector<128x128xf32>
    %dot_general3A_1151 = tpu.matmul %get3A_1149, %concatenate3A_1144, %dot_general3A_1150 {dimension_numbers = #tpu.dot_dimension_numbers<[1], [0], [0], [1], [0, 0, 1, 1], [], []>, transpose_lhs_hint = false} : vector<128x512xf32>, vector<512x128xf32>, vector<128x128xf32> -> vector<128x128xf32>
    %slice3A_1152 = vector.extract_strided_slice %dot_general3A_782 {offsets = [3712, 0], sizes = [128, 128], strides = [1, 1]} : vector<4096x128xf32> to vector<128x128xf32>
    %slice3A_1153 = vector.extract_strided_slice %dot_general3A_789 {offsets = [3712, 0], sizes = [128, 128], strides = [1, 1]} : vector<4096x128xf32> to vector<128x128xf32>
    %slice3A_1154 = vector.extract_strided_slice %dot_general3A_796 {offsets = [3712, 0], sizes = [128, 128], strides = [1, 1]} : vector<4096x128xf32> to vector<128x128xf32>
    %slice3A_1155 = vector.extract_strided_slice %dot_general3A_803 {offsets = [3712, 0], sizes = [128, 128], strides = [1, 1]} : vector<4096x128xf32> to vector<128x128xf32>
    %concatenate3A_1156 = tpu.concatenate %slice3A_1152, %slice3A_1153, %slice3A_1154, %slice3A_1155 in 0 : vector<128x128xf32>, vector<128x128xf32>, vector<128x128xf32>, vector<128x128xf32> -> vector<512x128xf32>
    %get3A_1157 = arith.constant 29 : index
    %get3A_1158 = arith.constant 0 : index
    %get3A_1159 = arith.constant 0 : index
    %get3A_1160 = vector.load %arg2[%get3A_1157, %get3A_1158, %get3A_1159] : memref<32x128x512xf32, #tpu.memory_space<vmem>>, vector<1x128x512xf32>
    %get3A_1161 = vector.shape_cast %get3A_1160 : vector<1x128x512xf32> to vector<128x512xf32>
    %dot_general3A_1162 = arith.constant dense<0.000000e+00> : vector<128x128xf32>
    %dot_general3A_1163 = tpu.matmul %get3A_1161, %concatenate3A_1156, %dot_general3A_1162 {dimension_numbers = #tpu.dot_dimension_numbers<[1], [0], [0], [1], [0, 0, 1, 1], [], []>, transpose_lhs_hint = false} : vector<128x512xf32>, vector<512x128xf32>, vector<128x128xf32> -> vector<128x128xf32>
    %slice3A_1164 = vector.extract_strided_slice %dot_general3A_782 {offsets = [3840, 0], sizes = [128, 128], strides = [1, 1]} : vector<4096x128xf32> to vector<128x128xf32>
    %slice3A_1165 = vector.extract_strided_slice %dot_general3A_789 {offsets = [3840, 0], sizes = [128, 128], strides = [1, 1]} : vector<4096x128xf32> to vector<128x128xf32>
    %slice3A_1166 = vector.extract_strided_slice %dot_general3A_796 {offsets = [3840, 0], sizes = [128, 128], strides = [1, 1]} : vector<4096x128xf32> to vector<128x128xf32>
    %slice3A_1167 = vector.extract_strided_slice %dot_general3A_803 {offsets = [3840, 0], sizes = [128, 128], strides = [1, 1]} : vector<4096x128xf32> to vector<128x128xf32>
    %concatenate3A_1168 = tpu.concatenate %slice3A_1164, %slice3A_1165, %slice3A_1166, %slice3A_1167 in 0 : vector<128x128xf32>, vector<128x128xf32>, vector<128x128xf32>, vector<128x128xf32> -> vector<512x128xf32>
    %get3A_1169 = arith.constant 30 : index
    %get3A_1170 = arith.constant 0 : index
    %get3A_1171 = arith.constant 0 : index
    %get3A_1172 = vector.load %arg2[%get3A_1169, %get3A_1170, %get3A_1171] : memref<32x128x512xf32, #tpu.memory_space<vmem>>, vector<1x128x512xf32>
    %get3A_1173 = vector.shape_cast %get3A_1172 : vector<1x128x512xf32> to vector<128x512xf32>
    %dot_general3A_1174 = arith.constant dense<0.000000e+00> : vector<128x128xf32>
    %dot_general3A_1175 = tpu.matmul %get3A_1173, %concatenate3A_1168, %dot_general3A_1174 {dimension_numbers = #tpu.dot_dimension_numbers<[1], [0], [0], [1], [0, 0, 1, 1], [], []>, transpose_lhs_hint = false} : vector<128x512xf32>, vector<512x128xf32>, vector<128x128xf32> -> vector<128x128xf32>
    %slice3A_1176 = vector.extract_strided_slice %dot_general3A_782 {offsets = [3968, 0], sizes = [128, 128], strides = [1, 1]} : vector<4096x128xf32> to vector<128x128xf32>
    %slice3A_1177 = vector.extract_strided_slice %dot_general3A_789 {offsets = [3968, 0], sizes = [128, 128], strides = [1, 1]} : vector<4096x128xf32> to vector<128x128xf32>
    %slice3A_1178 = vector.extract_strided_slice %dot_general3A_796 {offsets = [3968, 0], sizes = [128, 128], strides = [1, 1]} : vector<4096x128xf32> to vector<128x128xf32>
    %slice3A_1179 = vector.extract_strided_slice %dot_general3A_803 {offsets = [3968, 0], sizes = [128, 128], strides = [1, 1]} : vector<4096x128xf32> to vector<128x128xf32>
    %concatenate3A_1180 = tpu.concatenate %slice3A_1176, %slice3A_1177, %slice3A_1178, %slice3A_1179 in 0 : vector<128x128xf32>, vector<128x128xf32>, vector<128x128xf32>, vector<128x128xf32> -> vector<512x128xf32>
    %get3A_1181 = arith.constant 31 : index
    %get3A_1182 = arith.constant 0 : index
    %get3A_1183 = arith.constant 0 : index
    %get3A_1184 = vector.load %arg2[%get3A_1181, %get3A_1182, %get3A_1183] : memref<32x128x512xf32, #tpu.memory_space<vmem>>, vector<1x128x512xf32>
    %get3A_1185 = vector.shape_cast %get3A_1184 : vector<1x128x512xf32> to vector<128x512xf32>
    %dot_general3A_1186 = arith.constant dense<0.000000e+00> : vector<128x128xf32>
    %dot_general3A_1187 = tpu.matmul %get3A_1185, %concatenate3A_1180, %dot_general3A_1186 {dimension_numbers = #tpu.dot_dimension_numbers<[1], [0], [0], [1], [0, 0, 1, 1], [], []>, transpose_lhs_hint = false} : vector<128x512xf32>, vector<512x128xf32>, vector<128x128xf32> -> vector<128x128xf32>
    %concatenate3A_1188 = tpu.concatenate %dot_general3A_815, %dot_general3A_827, %dot_general3A_839, %dot_general3A_851, %dot_general3A_863, %dot_general3A_875, %dot_general3A_887, %dot_general3A_899, %dot_general3A_911, %dot_general3A_923, %dot_general3A_935, %dot_general3A_947, %dot_general3A_959, %dot_general3A_971, %dot_general3A_983, %dot_general3A_995, %dot_general3A_1007, %dot_general3A_1019, %dot_general3A_1031, %dot_general3A_1043, %dot_general3A_1055, %dot_general3A_1067, %dot_general3A_1079, %dot_general3A_1091, %dot_general3A_1103, %dot_general3A_1115, %dot_general3A_1127, %dot_general3A_1139, %dot_general3A_1151, %dot_general3A_1163, %dot_general3A_1175, %dot_general3A_1187 in 0 : vector<128x128xf32>, vector<128x128xf32>, vector<128x128xf32>, vector<128x128xf32>, vector<128x128xf32>, vector<128x128xf32>, vector<128x128xf32>, vector<128x128xf32>, vector<128x128xf32>, vector<128x128xf32>, vector<128x128xf32>, vector<128x128xf32>, vector<128x128xf32>, vector<128x128xf32>, vector<128x128xf32>, vector<128x128xf32>, vector<128x128xf32>, vector<128x128xf32>, vector<128x128xf32>, vector<128x128xf32>, vector<128x128xf32>, vector<128x128xf32>, vector<128x128xf32>, vector<128x128xf32>, vector<128x128xf32>, vector<128x128xf32>, vector<128x128xf32>, vector<128x128xf32>, vector<128x128xf32>, vector<128x128xf32>, vector<128x128xf32>, vector<128x128xf32> -> vector<4096x128xf32>
    %add3A_1189 = arith.addf %max3A_775, %concatenate3A_1188 : vector<4096x128xf32>
    %max3A_1190 = arith.constant 0.000000e+00 : f32
    %max3A_1191 = vector.broadcast %max3A_1190 : f32 to vector<4096x128xf32>
    %max3A_1192 = arith.maximumf %add3A_1189, %max3A_1191 : vector<4096x128xf32>
    %get3A_1193 = arith.constant 0 : index
    %get3A_1194 = arith.constant 0 : index
    %get3A_1195 = vector.load %arg4[%get3A_1193, %get3A_1194] : memref<32x128xi32, #tpu.memory_space<vmem>>, vector<1x128xi32>
    %slice3A_1196 = vector.extract_strided_slice %max3A_1192 {offsets = [0, 0], sizes = [128, 128], strides = [1, 1]} : vector<4096x128xf32> to vector<128x128xf32>
    %broadcast_in_dim3A_1197 = vector.shape_cast %get3A_1195 : vector<1x128xi32> to vector<1x128xi32>
    %broadcast_in_dim3A_1198 = vector.broadcast %broadcast_in_dim3A_1197 : vector<1x128xi32> to vector<128x128xi32>
    %eq3A_1199 = arith.cmpi eq, %broadcast_in_dim3A_1198, %iota3A : vector<128x128xi32>
    %convert_element_type3A_1200 = arith.extui %eq3A_1199 : vector<128x128xi1> to vector<128x128xi32>
    %convert_element_type3A_1201 = arith.sitofp %convert_element_type3A_1200 : vector<128x128xi32> to vector<128x128xf32>
    %dot_general3A_1202 = arith.constant dense<0.000000e+00> : vector<128x128xf32>
    %dot_general3A_1203 = tpu.matmul %convert_element_type3A_1201, %slice3A_1196, %dot_general3A_1202 {dimension_numbers = #tpu.dot_dimension_numbers<[0], [0], [1], [1], [0, 1, 1, 1], [], []>, transpose_lhs_hint = false} : vector<128x128xf32>, vector<128x128xf32>, vector<128x128xf32> -> vector<128x128xf32>
    %get3A_1204 = arith.constant 1 : index
    %get3A_1205 = arith.constant 0 : index
    %get3A_1206 = vector.load %arg4[%get3A_1204, %get3A_1205] : memref<32x128xi32, #tpu.memory_space<vmem>>, vector<1x128xi32>
    %slice3A_1207 = vector.extract_strided_slice %max3A_1192 {offsets = [128, 0], sizes = [128, 128], strides = [1, 1]} : vector<4096x128xf32> to vector<128x128xf32>
    %broadcast_in_dim3A_1208 = vector.shape_cast %get3A_1206 : vector<1x128xi32> to vector<1x128xi32>
    %broadcast_in_dim3A_1209 = vector.broadcast %broadcast_in_dim3A_1208 : vector<1x128xi32> to vector<128x128xi32>
    %eq3A_1210 = arith.cmpi eq, %broadcast_in_dim3A_1209, %iota3A : vector<128x128xi32>
    %convert_element_type3A_1211 = arith.extui %eq3A_1210 : vector<128x128xi1> to vector<128x128xi32>
    %convert_element_type3A_1212 = arith.sitofp %convert_element_type3A_1211 : vector<128x128xi32> to vector<128x128xf32>
    %dot_general3A_1213 = arith.constant dense<0.000000e+00> : vector<128x128xf32>
    %dot_general3A_1214 = tpu.matmul %convert_element_type3A_1212, %slice3A_1207, %dot_general3A_1213 {dimension_numbers = #tpu.dot_dimension_numbers<[0], [0], [1], [1], [0, 1, 1, 1], [], []>, transpose_lhs_hint = false} : vector<128x128xf32>, vector<128x128xf32>, vector<128x128xf32> -> vector<128x128xf32>
    %get3A_1215 = arith.constant 2 : index
    %get3A_1216 = arith.constant 0 : index
    %get3A_1217 = vector.load %arg4[%get3A_1215, %get3A_1216] : memref<32x128xi32, #tpu.memory_space<vmem>>, vector<1x128xi32>
    %slice3A_1218 = vector.extract_strided_slice %max3A_1192 {offsets = [256, 0], sizes = [128, 128], strides = [1, 1]} : vector<4096x128xf32> to vector<128x128xf32>
    %broadcast_in_dim3A_1219 = vector.shape_cast %get3A_1217 : vector<1x128xi32> to vector<1x128xi32>
    %broadcast_in_dim3A_1220 = vector.broadcast %broadcast_in_dim3A_1219 : vector<1x128xi32> to vector<128x128xi32>
    %eq3A_1221 = arith.cmpi eq, %broadcast_in_dim3A_1220, %iota3A : vector<128x128xi32>
    %convert_element_type3A_1222 = arith.extui %eq3A_1221 : vector<128x128xi1> to vector<128x128xi32>
    %convert_element_type3A_1223 = arith.sitofp %convert_element_type3A_1222 : vector<128x128xi32> to vector<128x128xf32>
    %dot_general3A_1224 = arith.constant dense<0.000000e+00> : vector<128x128xf32>
    %dot_general3A_1225 = tpu.matmul %convert_element_type3A_1223, %slice3A_1218, %dot_general3A_1224 {dimension_numbers = #tpu.dot_dimension_numbers<[0], [0], [1], [1], [0, 1, 1, 1], [], []>, transpose_lhs_hint = false} : vector<128x128xf32>, vector<128x128xf32>, vector<128x128xf32> -> vector<128x128xf32>
    %get3A_1226 = arith.constant 3 : index
    %get3A_1227 = arith.constant 0 : index
    %get3A_1228 = vector.load %arg4[%get3A_1226, %get3A_1227] : memref<32x128xi32, #tpu.memory_space<vmem>>, vector<1x128xi32>
    %slice3A_1229 = vector.extract_strided_slice %max3A_1192 {offsets = [384, 0], sizes = [128, 128], strides = [1, 1]} : vector<4096x128xf32> to vector<128x128xf32>
    %broadcast_in_dim3A_1230 = vector.shape_cast %get3A_1228 : vector<1x128xi32> to vector<1x128xi32>
    %broadcast_in_dim3A_1231 = vector.broadcast %broadcast_in_dim3A_1230 : vector<1x128xi32> to vector<128x128xi32>
    %eq3A_1232 = arith.cmpi eq, %broadcast_in_dim3A_1231, %iota3A : vector<128x128xi32>
    %convert_element_type3A_1233 = arith.extui %eq3A_1232 : vector<128x128xi1> to vector<128x128xi32>
    %convert_element_type3A_1234 = arith.sitofp %convert_element_type3A_1233 : vector<128x128xi32> to vector<128x128xf32>
    %dot_general3A_1235 = arith.constant dense<0.000000e+00> : vector<128x128xf32>
    %dot_general3A_1236 = tpu.matmul %convert_element_type3A_1234, %slice3A_1229, %dot_general3A_1235 {dimension_numbers = #tpu.dot_dimension_numbers<[0], [0], [1], [1], [0, 1, 1, 1], [], []>, transpose_lhs_hint = false} : vector<128x128xf32>, vector<128x128xf32>, vector<128x128xf32> -> vector<128x128xf32>
    %get3A_1237 = arith.constant 4 : index
    %get3A_1238 = arith.constant 0 : index
    %get3A_1239 = vector.load %arg4[%get3A_1237, %get3A_1238] : memref<32x128xi32, #tpu.memory_space<vmem>>, vector<1x128xi32>
    %slice3A_1240 = vector.extract_strided_slice %max3A_1192 {offsets = [512, 0], sizes = [128, 128], strides = [1, 1]} : vector<4096x128xf32> to vector<128x128xf32>
    %broadcast_in_dim3A_1241 = vector.shape_cast %get3A_1239 : vector<1x128xi32> to vector<1x128xi32>
    %broadcast_in_dim3A_1242 = vector.broadcast %broadcast_in_dim3A_1241 : vector<1x128xi32> to vector<128x128xi32>
    %eq3A_1243 = arith.cmpi eq, %broadcast_in_dim3A_1242, %iota3A : vector<128x128xi32>
    %convert_element_type3A_1244 = arith.extui %eq3A_1243 : vector<128x128xi1> to vector<128x128xi32>
    %convert_element_type3A_1245 = arith.sitofp %convert_element_type3A_1244 : vector<128x128xi32> to vector<128x128xf32>
    %dot_general3A_1246 = arith.constant dense<0.000000e+00> : vector<128x128xf32>
    %dot_general3A_1247 = tpu.matmul %convert_element_type3A_1245, %slice3A_1240, %dot_general3A_1246 {dimension_numbers = #tpu.dot_dimension_numbers<[0], [0], [1], [1], [0, 1, 1, 1], [], []>, transpose_lhs_hint = false} : vector<128x128xf32>, vector<128x128xf32>, vector<128x128xf32> -> vector<128x128xf32>
    %get3A_1248 = arith.constant 5 : index
    %get3A_1249 = arith.constant 0 : index
    %get3A_1250 = vector.load %arg4[%get3A_1248, %get3A_1249] : memref<32x128xi32, #tpu.memory_space<vmem>>, vector<1x128xi32>
    %slice3A_1251 = vector.extract_strided_slice %max3A_1192 {offsets = [640, 0], sizes = [128, 128], strides = [1, 1]} : vector<4096x128xf32> to vector<128x128xf32>
    %broadcast_in_dim3A_1252 = vector.shape_cast %get3A_1250 : vector<1x128xi32> to vector<1x128xi32>
    %broadcast_in_dim3A_1253 = vector.broadcast %broadcast_in_dim3A_1252 : vector<1x128xi32> to vector<128x128xi32>
    %eq3A_1254 = arith.cmpi eq, %broadcast_in_dim3A_1253, %iota3A : vector<128x128xi32>
    %convert_element_type3A_1255 = arith.extui %eq3A_1254 : vector<128x128xi1> to vector<128x128xi32>
    %convert_element_type3A_1256 = arith.sitofp %convert_element_type3A_1255 : vector<128x128xi32> to vector<128x128xf32>
    %dot_general3A_1257 = arith.constant dense<0.000000e+00> : vector<128x128xf32>
    %dot_general3A_1258 = tpu.matmul %convert_element_type3A_1256, %slice3A_1251, %dot_general3A_1257 {dimension_numbers = #tpu.dot_dimension_numbers<[0], [0], [1], [1], [0, 1, 1, 1], [], []>, transpose_lhs_hint = false} : vector<128x128xf32>, vector<128x128xf32>, vector<128x128xf32> -> vector<128x128xf32>
    %get3A_1259 = arith.constant 6 : index
    %get3A_1260 = arith.constant 0 : index
    %get3A_1261 = vector.load %arg4[%get3A_1259, %get3A_1260] : memref<32x128xi32, #tpu.memory_space<vmem>>, vector<1x128xi32>
    %slice3A_1262 = vector.extract_strided_slice %max3A_1192 {offsets = [768, 0], sizes = [128, 128], strides = [1, 1]} : vector<4096x128xf32> to vector<128x128xf32>
    %broadcast_in_dim3A_1263 = vector.shape_cast %get3A_1261 : vector<1x128xi32> to vector<1x128xi32>
    %broadcast_in_dim3A_1264 = vector.broadcast %broadcast_in_dim3A_1263 : vector<1x128xi32> to vector<128x128xi32>
    %eq3A_1265 = arith.cmpi eq, %broadcast_in_dim3A_1264, %iota3A : vector<128x128xi32>
    %convert_element_type3A_1266 = arith.extui %eq3A_1265 : vector<128x128xi1> to vector<128x128xi32>
    %convert_element_type3A_1267 = arith.sitofp %convert_element_type3A_1266 : vector<128x128xi32> to vector<128x128xf32>
    %dot_general3A_1268 = arith.constant dense<0.000000e+00> : vector<128x128xf32>
    %dot_general3A_1269 = tpu.matmul %convert_element_type3A_1267, %slice3A_1262, %dot_general3A_1268 {dimension_numbers = #tpu.dot_dimension_numbers<[0], [0], [1], [1], [0, 1, 1, 1], [], []>, transpose_lhs_hint = false} : vector<128x128xf32>, vector<128x128xf32>, vector<128x128xf32> -> vector<128x128xf32>
    %get3A_1270 = arith.constant 7 : index
    %get3A_1271 = arith.constant 0 : index
    %get3A_1272 = vector.load %arg4[%get3A_1270, %get3A_1271] : memref<32x128xi32, #tpu.memory_space<vmem>>, vector<1x128xi32>
    %slice3A_1273 = vector.extract_strided_slice %max3A_1192 {offsets = [896, 0], sizes = [128, 128], strides = [1, 1]} : vector<4096x128xf32> to vector<128x128xf32>
    %broadcast_in_dim3A_1274 = vector.shape_cast %get3A_1272 : vector<1x128xi32> to vector<1x128xi32>
    %broadcast_in_dim3A_1275 = vector.broadcast %broadcast_in_dim3A_1274 : vector<1x128xi32> to vector<128x128xi32>
    %eq3A_1276 = arith.cmpi eq, %broadcast_in_dim3A_1275, %iota3A : vector<128x128xi32>
    %convert_element_type3A_1277 = arith.extui %eq3A_1276 : vector<128x128xi1> to vector<128x128xi32>
    %convert_element_type3A_1278 = arith.sitofp %convert_element_type3A_1277 : vector<128x128xi32> to vector<128x128xf32>
    %dot_general3A_1279 = arith.constant dense<0.000000e+00> : vector<128x128xf32>
    %dot_general3A_1280 = tpu.matmul %convert_element_type3A_1278, %slice3A_1273, %dot_general3A_1279 {dimension_numbers = #tpu.dot_dimension_numbers<[0], [0], [1], [1], [0, 1, 1, 1], [], []>, transpose_lhs_hint = false} : vector<128x128xf32>, vector<128x128xf32>, vector<128x128xf32> -> vector<128x128xf32>
    %get3A_1281 = arith.constant 8 : index
    %get3A_1282 = arith.constant 0 : index
    %get3A_1283 = vector.load %arg4[%get3A_1281, %get3A_1282] : memref<32x128xi32, #tpu.memory_space<vmem>>, vector<1x128xi32>
    %slice3A_1284 = vector.extract_strided_slice %max3A_1192 {offsets = [1024, 0], sizes = [128, 128], strides = [1, 1]} : vector<4096x128xf32> to vector<128x128xf32>
    %broadcast_in_dim3A_1285 = vector.shape_cast %get3A_1283 : vector<1x128xi32> to vector<1x128xi32>
    %broadcast_in_dim3A_1286 = vector.broadcast %broadcast_in_dim3A_1285 : vector<1x128xi32> to vector<128x128xi32>
    %eq3A_1287 = arith.cmpi eq, %broadcast_in_dim3A_1286, %iota3A : vector<128x128xi32>
    %convert_element_type3A_1288 = arith.extui %eq3A_1287 : vector<128x128xi1> to vector<128x128xi32>
    %convert_element_type3A_1289 = arith.sitofp %convert_element_type3A_1288 : vector<128x128xi32> to vector<128x128xf32>
    %dot_general3A_1290 = arith.constant dense<0.000000e+00> : vector<128x128xf32>
    %dot_general3A_1291 = tpu.matmul %convert_element_type3A_1289, %slice3A_1284, %dot_general3A_1290 {dimension_numbers = #tpu.dot_dimension_numbers<[0], [0], [1], [1], [0, 1, 1, 1], [], []>, transpose_lhs_hint = false} : vector<128x128xf32>, vector<128x128xf32>, vector<128x128xf32> -> vector<128x128xf32>
    %get3A_1292 = arith.constant 9 : index
    %get3A_1293 = arith.constant 0 : index
    %get3A_1294 = vector.load %arg4[%get3A_1292, %get3A_1293] : memref<32x128xi32, #tpu.memory_space<vmem>>, vector<1x128xi32>
    %slice3A_1295 = vector.extract_strided_slice %max3A_1192 {offsets = [1152, 0], sizes = [128, 128], strides = [1, 1]} : vector<4096x128xf32> to vector<128x128xf32>
    %broadcast_in_dim3A_1296 = vector.shape_cast %get3A_1294 : vector<1x128xi32> to vector<1x128xi32>
    %broadcast_in_dim3A_1297 = vector.broadcast %broadcast_in_dim3A_1296 : vector<1x128xi32> to vector<128x128xi32>
    %eq3A_1298 = arith.cmpi eq, %broadcast_in_dim3A_1297, %iota3A : vector<128x128xi32>
    %convert_element_type3A_1299 = arith.extui %eq3A_1298 : vector<128x128xi1> to vector<128x128xi32>
    %convert_element_type3A_1300 = arith.sitofp %convert_element_type3A_1299 : vector<128x128xi32> to vector<128x128xf32>
    %dot_general3A_1301 = arith.constant dense<0.000000e+00> : vector<128x128xf32>
    %dot_general3A_1302 = tpu.matmul %convert_element_type3A_1300, %slice3A_1295, %dot_general3A_1301 {dimension_numbers = #tpu.dot_dimension_numbers<[0], [0], [1], [1], [0, 1, 1, 1], [], []>, transpose_lhs_hint = false} : vector<128x128xf32>, vector<128x128xf32>, vector<128x128xf32> -> vector<128x128xf32>
    %get3A_1303 = arith.constant 10 : index
    %get3A_1304 = arith.constant 0 : index
    %get3A_1305 = vector.load %arg4[%get3A_1303, %get3A_1304] : memref<32x128xi32, #tpu.memory_space<vmem>>, vector<1x128xi32>
    %slice3A_1306 = vector.extract_strided_slice %max3A_1192 {offsets = [1280, 0], sizes = [128, 128], strides = [1, 1]} : vector<4096x128xf32> to vector<128x128xf32>
    %broadcast_in_dim3A_1307 = vector.shape_cast %get3A_1305 : vector<1x128xi32> to vector<1x128xi32>
    %broadcast_in_dim3A_1308 = vector.broadcast %broadcast_in_dim3A_1307 : vector<1x128xi32> to vector<128x128xi32>
    %eq3A_1309 = arith.cmpi eq, %broadcast_in_dim3A_1308, %iota3A : vector<128x128xi32>
    %convert_element_type3A_1310 = arith.extui %eq3A_1309 : vector<128x128xi1> to vector<128x128xi32>
    %convert_element_type3A_1311 = arith.sitofp %convert_element_type3A_1310 : vector<128x128xi32> to vector<128x128xf32>
    %dot_general3A_1312 = arith.constant dense<0.000000e+00> : vector<128x128xf32>
    %dot_general3A_1313 = tpu.matmul %convert_element_type3A_1311, %slice3A_1306, %dot_general3A_1312 {dimension_numbers = #tpu.dot_dimension_numbers<[0], [0], [1], [1], [0, 1, 1, 1], [], []>, transpose_lhs_hint = false} : vector<128x128xf32>, vector<128x128xf32>, vector<128x128xf32> -> vector<128x128xf32>
    %get3A_1314 = arith.constant 11 : index
    %get3A_1315 = arith.constant 0 : index
    %get3A_1316 = vector.load %arg4[%get3A_1314, %get3A_1315] : memref<32x128xi32, #tpu.memory_space<vmem>>, vector<1x128xi32>
    %slice3A_1317 = vector.extract_strided_slice %max3A_1192 {offsets = [1408, 0], sizes = [128, 128], strides = [1, 1]} : vector<4096x128xf32> to vector<128x128xf32>
    %broadcast_in_dim3A_1318 = vector.shape_cast %get3A_1316 : vector<1x128xi32> to vector<1x128xi32>
    %broadcast_in_dim3A_1319 = vector.broadcast %broadcast_in_dim3A_1318 : vector<1x128xi32> to vector<128x128xi32>
    %eq3A_1320 = arith.cmpi eq, %broadcast_in_dim3A_1319, %iota3A : vector<128x128xi32>
    %convert_element_type3A_1321 = arith.extui %eq3A_1320 : vector<128x128xi1> to vector<128x128xi32>
    %convert_element_type3A_1322 = arith.sitofp %convert_element_type3A_1321 : vector<128x128xi32> to vector<128x128xf32>
    %dot_general3A_1323 = arith.constant dense<0.000000e+00> : vector<128x128xf32>
    %dot_general3A_1324 = tpu.matmul %convert_element_type3A_1322, %slice3A_1317, %dot_general3A_1323 {dimension_numbers = #tpu.dot_dimension_numbers<[0], [0], [1], [1], [0, 1, 1, 1], [], []>, transpose_lhs_hint = false} : vector<128x128xf32>, vector<128x128xf32>, vector<128x128xf32> -> vector<128x128xf32>
    %get3A_1325 = arith.constant 12 : index
    %get3A_1326 = arith.constant 0 : index
    %get3A_1327 = vector.load %arg4[%get3A_1325, %get3A_1326] : memref<32x128xi32, #tpu.memory_space<vmem>>, vector<1x128xi32>
    %slice3A_1328 = vector.extract_strided_slice %max3A_1192 {offsets = [1536, 0], sizes = [128, 128], strides = [1, 1]} : vector<4096x128xf32> to vector<128x128xf32>
    %broadcast_in_dim3A_1329 = vector.shape_cast %get3A_1327 : vector<1x128xi32> to vector<1x128xi32>
    %broadcast_in_dim3A_1330 = vector.broadcast %broadcast_in_dim3A_1329 : vector<1x128xi32> to vector<128x128xi32>
    %eq3A_1331 = arith.cmpi eq, %broadcast_in_dim3A_1330, %iota3A : vector<128x128xi32>
    %convert_element_type3A_1332 = arith.extui %eq3A_1331 : vector<128x128xi1> to vector<128x128xi32>
    %convert_element_type3A_1333 = arith.sitofp %convert_element_type3A_1332 : vector<128x128xi32> to vector<128x128xf32>
    %dot_general3A_1334 = arith.constant dense<0.000000e+00> : vector<128x128xf32>
    %dot_general3A_1335 = tpu.matmul %convert_element_type3A_1333, %slice3A_1328, %dot_general3A_1334 {dimension_numbers = #tpu.dot_dimension_numbers<[0], [0], [1], [1], [0, 1, 1, 1], [], []>, transpose_lhs_hint = false} : vector<128x128xf32>, vector<128x128xf32>, vector<128x128xf32> -> vector<128x128xf32>
    %get3A_1336 = arith.constant 13 : index
    %get3A_1337 = arith.constant 0 : index
    %get3A_1338 = vector.load %arg4[%get3A_1336, %get3A_1337] : memref<32x128xi32, #tpu.memory_space<vmem>>, vector<1x128xi32>
    %slice3A_1339 = vector.extract_strided_slice %max3A_1192 {offsets = [1664, 0], sizes = [128, 128], strides = [1, 1]} : vector<4096x128xf32> to vector<128x128xf32>
    %broadcast_in_dim3A_1340 = vector.shape_cast %get3A_1338 : vector<1x128xi32> to vector<1x128xi32>
    %broadcast_in_dim3A_1341 = vector.broadcast %broadcast_in_dim3A_1340 : vector<1x128xi32> to vector<128x128xi32>
    %eq3A_1342 = arith.cmpi eq, %broadcast_in_dim3A_1341, %iota3A : vector<128x128xi32>
    %convert_element_type3A_1343 = arith.extui %eq3A_1342 : vector<128x128xi1> to vector<128x128xi32>
    %convert_element_type3A_1344 = arith.sitofp %convert_element_type3A_1343 : vector<128x128xi32> to vector<128x128xf32>
    %dot_general3A_1345 = arith.constant dense<0.000000e+00> : vector<128x128xf32>
    %dot_general3A_1346 = tpu.matmul %convert_element_type3A_1344, %slice3A_1339, %dot_general3A_1345 {dimension_numbers = #tpu.dot_dimension_numbers<[0], [0], [1], [1], [0, 1, 1, 1], [], []>, transpose_lhs_hint = false} : vector<128x128xf32>, vector<128x128xf32>, vector<128x128xf32> -> vector<128x128xf32>
    %get3A_1347 = arith.constant 14 : index
    %get3A_1348 = arith.constant 0 : index
    %get3A_1349 = vector.load %arg4[%get3A_1347, %get3A_1348] : memref<32x128xi32, #tpu.memory_space<vmem>>, vector<1x128xi32>
    %slice3A_1350 = vector.extract_strided_slice %max3A_1192 {offsets = [1792, 0], sizes = [128, 128], strides = [1, 1]} : vector<4096x128xf32> to vector<128x128xf32>
    %broadcast_in_dim3A_1351 = vector.shape_cast %get3A_1349 : vector<1x128xi32> to vector<1x128xi32>
    %broadcast_in_dim3A_1352 = vector.broadcast %broadcast_in_dim3A_1351 : vector<1x128xi32> to vector<128x128xi32>
    %eq3A_1353 = arith.cmpi eq, %broadcast_in_dim3A_1352, %iota3A : vector<128x128xi32>
    %convert_element_type3A_1354 = arith.extui %eq3A_1353 : vector<128x128xi1> to vector<128x128xi32>
    %convert_element_type3A_1355 = arith.sitofp %convert_element_type3A_1354 : vector<128x128xi32> to vector<128x128xf32>
    %dot_general3A_1356 = arith.constant dense<0.000000e+00> : vector<128x128xf32>
    %dot_general3A_1357 = tpu.matmul %convert_element_type3A_1355, %slice3A_1350, %dot_general3A_1356 {dimension_numbers = #tpu.dot_dimension_numbers<[0], [0], [1], [1], [0, 1, 1, 1], [], []>, transpose_lhs_hint = false} : vector<128x128xf32>, vector<128x128xf32>, vector<128x128xf32> -> vector<128x128xf32>
    %get3A_1358 = arith.constant 15 : index
    %get3A_1359 = arith.constant 0 : index
    %get3A_1360 = vector.load %arg4[%get3A_1358, %get3A_1359] : memref<32x128xi32, #tpu.memory_space<vmem>>, vector<1x128xi32>
    %slice3A_1361 = vector.extract_strided_slice %max3A_1192 {offsets = [1920, 0], sizes = [128, 128], strides = [1, 1]} : vector<4096x128xf32> to vector<128x128xf32>
    %broadcast_in_dim3A_1362 = vector.shape_cast %get3A_1360 : vector<1x128xi32> to vector<1x128xi32>
    %broadcast_in_dim3A_1363 = vector.broadcast %broadcast_in_dim3A_1362 : vector<1x128xi32> to vector<128x128xi32>
    %eq3A_1364 = arith.cmpi eq, %broadcast_in_dim3A_1363, %iota3A : vector<128x128xi32>
    %convert_element_type3A_1365 = arith.extui %eq3A_1364 : vector<128x128xi1> to vector<128x128xi32>
    %convert_element_type3A_1366 = arith.sitofp %convert_element_type3A_1365 : vector<128x128xi32> to vector<128x128xf32>
    %dot_general3A_1367 = arith.constant dense<0.000000e+00> : vector<128x128xf32>
    %dot_general3A_1368 = tpu.matmul %convert_element_type3A_1366, %slice3A_1361, %dot_general3A_1367 {dimension_numbers = #tpu.dot_dimension_numbers<[0], [0], [1], [1], [0, 1, 1, 1], [], []>, transpose_lhs_hint = false} : vector<128x128xf32>, vector<128x128xf32>, vector<128x128xf32> -> vector<128x128xf32>
    %get3A_1369 = arith.constant 16 : index
    %get3A_1370 = arith.constant 0 : index
    %get3A_1371 = vector.load %arg4[%get3A_1369, %get3A_1370] : memref<32x128xi32, #tpu.memory_space<vmem>>, vector<1x128xi32>
    %slice3A_1372 = vector.extract_strided_slice %max3A_1192 {offsets = [2048, 0], sizes = [128, 128], strides = [1, 1]} : vector<4096x128xf32> to vector<128x128xf32>
    %broadcast_in_dim3A_1373 = vector.shape_cast %get3A_1371 : vector<1x128xi32> to vector<1x128xi32>
    %broadcast_in_dim3A_1374 = vector.broadcast %broadcast_in_dim3A_1373 : vector<1x128xi32> to vector<128x128xi32>
    %eq3A_1375 = arith.cmpi eq, %broadcast_in_dim3A_1374, %iota3A : vector<128x128xi32>
    %convert_element_type3A_1376 = arith.extui %eq3A_1375 : vector<128x128xi1> to vector<128x128xi32>
    %convert_element_type3A_1377 = arith.sitofp %convert_element_type3A_1376 : vector<128x128xi32> to vector<128x128xf32>
    %dot_general3A_1378 = arith.constant dense<0.000000e+00> : vector<128x128xf32>
    %dot_general3A_1379 = tpu.matmul %convert_element_type3A_1377, %slice3A_1372, %dot_general3A_1378 {dimension_numbers = #tpu.dot_dimension_numbers<[0], [0], [1], [1], [0, 1, 1, 1], [], []>, transpose_lhs_hint = false} : vector<128x128xf32>, vector<128x128xf32>, vector<128x128xf32> -> vector<128x128xf32>
    %get3A_1380 = arith.constant 17 : index
    %get3A_1381 = arith.constant 0 : index
    %get3A_1382 = vector.load %arg4[%get3A_1380, %get3A_1381] : memref<32x128xi32, #tpu.memory_space<vmem>>, vector<1x128xi32>
    %slice3A_1383 = vector.extract_strided_slice %max3A_1192 {offsets = [2176, 0], sizes = [128, 128], strides = [1, 1]} : vector<4096x128xf32> to vector<128x128xf32>
    %broadcast_in_dim3A_1384 = vector.shape_cast %get3A_1382 : vector<1x128xi32> to vector<1x128xi32>
    %broadcast_in_dim3A_1385 = vector.broadcast %broadcast_in_dim3A_1384 : vector<1x128xi32> to vector<128x128xi32>
    %eq3A_1386 = arith.cmpi eq, %broadcast_in_dim3A_1385, %iota3A : vector<128x128xi32>
    %convert_element_type3A_1387 = arith.extui %eq3A_1386 : vector<128x128xi1> to vector<128x128xi32>
    %convert_element_type3A_1388 = arith.sitofp %convert_element_type3A_1387 : vector<128x128xi32> to vector<128x128xf32>
    %dot_general3A_1389 = arith.constant dense<0.000000e+00> : vector<128x128xf32>
    %dot_general3A_1390 = tpu.matmul %convert_element_type3A_1388, %slice3A_1383, %dot_general3A_1389 {dimension_numbers = #tpu.dot_dimension_numbers<[0], [0], [1], [1], [0, 1, 1, 1], [], []>, transpose_lhs_hint = false} : vector<128x128xf32>, vector<128x128xf32>, vector<128x128xf32> -> vector<128x128xf32>
    %get3A_1391 = arith.constant 18 : index
    %get3A_1392 = arith.constant 0 : index
    %get3A_1393 = vector.load %arg4[%get3A_1391, %get3A_1392] : memref<32x128xi32, #tpu.memory_space<vmem>>, vector<1x128xi32>
    %slice3A_1394 = vector.extract_strided_slice %max3A_1192 {offsets = [2304, 0], sizes = [128, 128], strides = [1, 1]} : vector<4096x128xf32> to vector<128x128xf32>
    %broadcast_in_dim3A_1395 = vector.shape_cast %get3A_1393 : vector<1x128xi32> to vector<1x128xi32>
    %broadcast_in_dim3A_1396 = vector.broadcast %broadcast_in_dim3A_1395 : vector<1x128xi32> to vector<128x128xi32>
    %eq3A_1397 = arith.cmpi eq, %broadcast_in_dim3A_1396, %iota3A : vector<128x128xi32>
    %convert_element_type3A_1398 = arith.extui %eq3A_1397 : vector<128x128xi1> to vector<128x128xi32>
    %convert_element_type3A_1399 = arith.sitofp %convert_element_type3A_1398 : vector<128x128xi32> to vector<128x128xf32>
    %dot_general3A_1400 = arith.constant dense<0.000000e+00> : vector<128x128xf32>
    %dot_general3A_1401 = tpu.matmul %convert_element_type3A_1399, %slice3A_1394, %dot_general3A_1400 {dimension_numbers = #tpu.dot_dimension_numbers<[0], [0], [1], [1], [0, 1, 1, 1], [], []>, transpose_lhs_hint = false} : vector<128x128xf32>, vector<128x128xf32>, vector<128x128xf32> -> vector<128x128xf32>
    %get3A_1402 = arith.constant 19 : index
    %get3A_1403 = arith.constant 0 : index
    %get3A_1404 = vector.load %arg4[%get3A_1402, %get3A_1403] : memref<32x128xi32, #tpu.memory_space<vmem>>, vector<1x128xi32>
    %slice3A_1405 = vector.extract_strided_slice %max3A_1192 {offsets = [2432, 0], sizes = [128, 128], strides = [1, 1]} : vector<4096x128xf32> to vector<128x128xf32>
    %broadcast_in_dim3A_1406 = vector.shape_cast %get3A_1404 : vector<1x128xi32> to vector<1x128xi32>
    %broadcast_in_dim3A_1407 = vector.broadcast %broadcast_in_dim3A_1406 : vector<1x128xi32> to vector<128x128xi32>
    %eq3A_1408 = arith.cmpi eq, %broadcast_in_dim3A_1407, %iota3A : vector<128x128xi32>
    %convert_element_type3A_1409 = arith.extui %eq3A_1408 : vector<128x128xi1> to vector<128x128xi32>
    %convert_element_type3A_1410 = arith.sitofp %convert_element_type3A_1409 : vector<128x128xi32> to vector<128x128xf32>
    %dot_general3A_1411 = arith.constant dense<0.000000e+00> : vector<128x128xf32>
    %dot_general3A_1412 = tpu.matmul %convert_element_type3A_1410, %slice3A_1405, %dot_general3A_1411 {dimension_numbers = #tpu.dot_dimension_numbers<[0], [0], [1], [1], [0, 1, 1, 1], [], []>, transpose_lhs_hint = false} : vector<128x128xf32>, vector<128x128xf32>, vector<128x128xf32> -> vector<128x128xf32>
    %get3A_1413 = arith.constant 20 : index
    %get3A_1414 = arith.constant 0 : index
    %get3A_1415 = vector.load %arg4[%get3A_1413, %get3A_1414] : memref<32x128xi32, #tpu.memory_space<vmem>>, vector<1x128xi32>
    %slice3A_1416 = vector.extract_strided_slice %max3A_1192 {offsets = [2560, 0], sizes = [128, 128], strides = [1, 1]} : vector<4096x128xf32> to vector<128x128xf32>
    %broadcast_in_dim3A_1417 = vector.shape_cast %get3A_1415 : vector<1x128xi32> to vector<1x128xi32>
    %broadcast_in_dim3A_1418 = vector.broadcast %broadcast_in_dim3A_1417 : vector<1x128xi32> to vector<128x128xi32>
    %eq3A_1419 = arith.cmpi eq, %broadcast_in_dim3A_1418, %iota3A : vector<128x128xi32>
    %convert_element_type3A_1420 = arith.extui %eq3A_1419 : vector<128x128xi1> to vector<128x128xi32>
    %convert_element_type3A_1421 = arith.sitofp %convert_element_type3A_1420 : vector<128x128xi32> to vector<128x128xf32>
    %dot_general3A_1422 = arith.constant dense<0.000000e+00> : vector<128x128xf32>
    %dot_general3A_1423 = tpu.matmul %convert_element_type3A_1421, %slice3A_1416, %dot_general3A_1422 {dimension_numbers = #tpu.dot_dimension_numbers<[0], [0], [1], [1], [0, 1, 1, 1], [], []>, transpose_lhs_hint = false} : vector<128x128xf32>, vector<128x128xf32>, vector<128x128xf32> -> vector<128x128xf32>
    %get3A_1424 = arith.constant 21 : index
    %get3A_1425 = arith.constant 0 : index
    %get3A_1426 = vector.load %arg4[%get3A_1424, %get3A_1425] : memref<32x128xi32, #tpu.memory_space<vmem>>, vector<1x128xi32>
    %slice3A_1427 = vector.extract_strided_slice %max3A_1192 {offsets = [2688, 0], sizes = [128, 128], strides = [1, 1]} : vector<4096x128xf32> to vector<128x128xf32>
    %broadcast_in_dim3A_1428 = vector.shape_cast %get3A_1426 : vector<1x128xi32> to vector<1x128xi32>
    %broadcast_in_dim3A_1429 = vector.broadcast %broadcast_in_dim3A_1428 : vector<1x128xi32> to vector<128x128xi32>
    %eq3A_1430 = arith.cmpi eq, %broadcast_in_dim3A_1429, %iota3A : vector<128x128xi32>
    %convert_element_type3A_1431 = arith.extui %eq3A_1430 : vector<128x128xi1> to vector<128x128xi32>
    %convert_element_type3A_1432 = arith.sitofp %convert_element_type3A_1431 : vector<128x128xi32> to vector<128x128xf32>
    %dot_general3A_1433 = arith.constant dense<0.000000e+00> : vector<128x128xf32>
    %dot_general3A_1434 = tpu.matmul %convert_element_type3A_1432, %slice3A_1427, %dot_general3A_1433 {dimension_numbers = #tpu.dot_dimension_numbers<[0], [0], [1], [1], [0, 1, 1, 1], [], []>, transpose_lhs_hint = false} : vector<128x128xf32>, vector<128x128xf32>, vector<128x128xf32> -> vector<128x128xf32>
    %get3A_1435 = arith.constant 22 : index
    %get3A_1436 = arith.constant 0 : index
    %get3A_1437 = vector.load %arg4[%get3A_1435, %get3A_1436] : memref<32x128xi32, #tpu.memory_space<vmem>>, vector<1x128xi32>
    %slice3A_1438 = vector.extract_strided_slice %max3A_1192 {offsets = [2816, 0], sizes = [128, 128], strides = [1, 1]} : vector<4096x128xf32> to vector<128x128xf32>
    %broadcast_in_dim3A_1439 = vector.shape_cast %get3A_1437 : vector<1x128xi32> to vector<1x128xi32>
    %broadcast_in_dim3A_1440 = vector.broadcast %broadcast_in_dim3A_1439 : vector<1x128xi32> to vector<128x128xi32>
    %eq3A_1441 = arith.cmpi eq, %broadcast_in_dim3A_1440, %iota3A : vector<128x128xi32>
    %convert_element_type3A_1442 = arith.extui %eq3A_1441 : vector<128x128xi1> to vector<128x128xi32>
    %convert_element_type3A_1443 = arith.sitofp %convert_element_type3A_1442 : vector<128x128xi32> to vector<128x128xf32>
    %dot_general3A_1444 = arith.constant dense<0.000000e+00> : vector<128x128xf32>
    %dot_general3A_1445 = tpu.matmul %convert_element_type3A_1443, %slice3A_1438, %dot_general3A_1444 {dimension_numbers = #tpu.dot_dimension_numbers<[0], [0], [1], [1], [0, 1, 1, 1], [], []>, transpose_lhs_hint = false} : vector<128x128xf32>, vector<128x128xf32>, vector<128x128xf32> -> vector<128x128xf32>
    %get3A_1446 = arith.constant 23 : index
    %get3A_1447 = arith.constant 0 : index
    %get3A_1448 = vector.load %arg4[%get3A_1446, %get3A_1447] : memref<32x128xi32, #tpu.memory_space<vmem>>, vector<1x128xi32>
    %slice3A_1449 = vector.extract_strided_slice %max3A_1192 {offsets = [2944, 0], sizes = [128, 128], strides = [1, 1]} : vector<4096x128xf32> to vector<128x128xf32>
    %broadcast_in_dim3A_1450 = vector.shape_cast %get3A_1448 : vector<1x128xi32> to vector<1x128xi32>
    %broadcast_in_dim3A_1451 = vector.broadcast %broadcast_in_dim3A_1450 : vector<1x128xi32> to vector<128x128xi32>
    %eq3A_1452 = arith.cmpi eq, %broadcast_in_dim3A_1451, %iota3A : vector<128x128xi32>
    %convert_element_type3A_1453 = arith.extui %eq3A_1452 : vector<128x128xi1> to vector<128x128xi32>
    %convert_element_type3A_1454 = arith.sitofp %convert_element_type3A_1453 : vector<128x128xi32> to vector<128x128xf32>
    %dot_general3A_1455 = arith.constant dense<0.000000e+00> : vector<128x128xf32>
    %dot_general3A_1456 = tpu.matmul %convert_element_type3A_1454, %slice3A_1449, %dot_general3A_1455 {dimension_numbers = #tpu.dot_dimension_numbers<[0], [0], [1], [1], [0, 1, 1, 1], [], []>, transpose_lhs_hint = false} : vector<128x128xf32>, vector<128x128xf32>, vector<128x128xf32> -> vector<128x128xf32>
    %get3A_1457 = arith.constant 24 : index
    %get3A_1458 = arith.constant 0 : index
    %get3A_1459 = vector.load %arg4[%get3A_1457, %get3A_1458] : memref<32x128xi32, #tpu.memory_space<vmem>>, vector<1x128xi32>
    %slice3A_1460 = vector.extract_strided_slice %max3A_1192 {offsets = [3072, 0], sizes = [128, 128], strides = [1, 1]} : vector<4096x128xf32> to vector<128x128xf32>
    %broadcast_in_dim3A_1461 = vector.shape_cast %get3A_1459 : vector<1x128xi32> to vector<1x128xi32>
    %broadcast_in_dim3A_1462 = vector.broadcast %broadcast_in_dim3A_1461 : vector<1x128xi32> to vector<128x128xi32>
    %eq3A_1463 = arith.cmpi eq, %broadcast_in_dim3A_1462, %iota3A : vector<128x128xi32>
    %convert_element_type3A_1464 = arith.extui %eq3A_1463 : vector<128x128xi1> to vector<128x128xi32>
    %convert_element_type3A_1465 = arith.sitofp %convert_element_type3A_1464 : vector<128x128xi32> to vector<128x128xf32>
    %dot_general3A_1466 = arith.constant dense<0.000000e+00> : vector<128x128xf32>
    %dot_general3A_1467 = tpu.matmul %convert_element_type3A_1465, %slice3A_1460, %dot_general3A_1466 {dimension_numbers = #tpu.dot_dimension_numbers<[0], [0], [1], [1], [0, 1, 1, 1], [], []>, transpose_lhs_hint = false} : vector<128x128xf32>, vector<128x128xf32>, vector<128x128xf32> -> vector<128x128xf32>
    %get3A_1468 = arith.constant 25 : index
    %get3A_1469 = arith.constant 0 : index
    %get3A_1470 = vector.load %arg4[%get3A_1468, %get3A_1469] : memref<32x128xi32, #tpu.memory_space<vmem>>, vector<1x128xi32>
    %slice3A_1471 = vector.extract_strided_slice %max3A_1192 {offsets = [3200, 0], sizes = [128, 128], strides = [1, 1]} : vector<4096x128xf32> to vector<128x128xf32>
    %broadcast_in_dim3A_1472 = vector.shape_cast %get3A_1470 : vector<1x128xi32> to vector<1x128xi32>
    %broadcast_in_dim3A_1473 = vector.broadcast %broadcast_in_dim3A_1472 : vector<1x128xi32> to vector<128x128xi32>
    %eq3A_1474 = arith.cmpi eq, %broadcast_in_dim3A_1473, %iota3A : vector<128x128xi32>
    %convert_element_type3A_1475 = arith.extui %eq3A_1474 : vector<128x128xi1> to vector<128x128xi32>
    %convert_element_type3A_1476 = arith.sitofp %convert_element_type3A_1475 : vector<128x128xi32> to vector<128x128xf32>
    %dot_general3A_1477 = arith.constant dense<0.000000e+00> : vector<128x128xf32>
    %dot_general3A_1478 = tpu.matmul %convert_element_type3A_1476, %slice3A_1471, %dot_general3A_1477 {dimension_numbers = #tpu.dot_dimension_numbers<[0], [0], [1], [1], [0, 1, 1, 1], [], []>, transpose_lhs_hint = false} : vector<128x128xf32>, vector<128x128xf32>, vector<128x128xf32> -> vector<128x128xf32>
    %get3A_1479 = arith.constant 26 : index
    %get3A_1480 = arith.constant 0 : index
    %get3A_1481 = vector.load %arg4[%get3A_1479, %get3A_1480] : memref<32x128xi32, #tpu.memory_space<vmem>>, vector<1x128xi32>
    %slice3A_1482 = vector.extract_strided_slice %max3A_1192 {offsets = [3328, 0], sizes = [128, 128], strides = [1, 1]} : vector<4096x128xf32> to vector<128x128xf32>
    %broadcast_in_dim3A_1483 = vector.shape_cast %get3A_1481 : vector<1x128xi32> to vector<1x128xi32>
    %broadcast_in_dim3A_1484 = vector.broadcast %broadcast_in_dim3A_1483 : vector<1x128xi32> to vector<128x128xi32>
    %eq3A_1485 = arith.cmpi eq, %broadcast_in_dim3A_1484, %iota3A : vector<128x128xi32>
    %convert_element_type3A_1486 = arith.extui %eq3A_1485 : vector<128x128xi1> to vector<128x128xi32>
    %convert_element_type3A_1487 = arith.sitofp %convert_element_type3A_1486 : vector<128x128xi32> to vector<128x128xf32>
    %dot_general3A_1488 = arith.constant dense<0.000000e+00> : vector<128x128xf32>
    %dot_general3A_1489 = tpu.matmul %convert_element_type3A_1487, %slice3A_1482, %dot_general3A_1488 {dimension_numbers = #tpu.dot_dimension_numbers<[0], [0], [1], [1], [0, 1, 1, 1], [], []>, transpose_lhs_hint = false} : vector<128x128xf32>, vector<128x128xf32>, vector<128x128xf32> -> vector<128x128xf32>
    %get3A_1490 = arith.constant 27 : index
    %get3A_1491 = arith.constant 0 : index
    %get3A_1492 = vector.load %arg4[%get3A_1490, %get3A_1491] : memref<32x128xi32, #tpu.memory_space<vmem>>, vector<1x128xi32>
    %slice3A_1493 = vector.extract_strided_slice %max3A_1192 {offsets = [3456, 0], sizes = [128, 128], strides = [1, 1]} : vector<4096x128xf32> to vector<128x128xf32>
    %broadcast_in_dim3A_1494 = vector.shape_cast %get3A_1492 : vector<1x128xi32> to vector<1x128xi32>
    %broadcast_in_dim3A_1495 = vector.broadcast %broadcast_in_dim3A_1494 : vector<1x128xi32> to vector<128x128xi32>
    %eq3A_1496 = arith.cmpi eq, %broadcast_in_dim3A_1495, %iota3A : vector<128x128xi32>
    %convert_element_type3A_1497 = arith.extui %eq3A_1496 : vector<128x128xi1> to vector<128x128xi32>
    %convert_element_type3A_1498 = arith.sitofp %convert_element_type3A_1497 : vector<128x128xi32> to vector<128x128xf32>
    %dot_general3A_1499 = arith.constant dense<0.000000e+00> : vector<128x128xf32>
    %dot_general3A_1500 = tpu.matmul %convert_element_type3A_1498, %slice3A_1493, %dot_general3A_1499 {dimension_numbers = #tpu.dot_dimension_numbers<[0], [0], [1], [1], [0, 1, 1, 1], [], []>, transpose_lhs_hint = false} : vector<128x128xf32>, vector<128x128xf32>, vector<128x128xf32> -> vector<128x128xf32>
    %get3A_1501 = arith.constant 28 : index
    %get3A_1502 = arith.constant 0 : index
    %get3A_1503 = vector.load %arg4[%get3A_1501, %get3A_1502] : memref<32x128xi32, #tpu.memory_space<vmem>>, vector<1x128xi32>
    %slice3A_1504 = vector.extract_strided_slice %max3A_1192 {offsets = [3584, 0], sizes = [128, 128], strides = [1, 1]} : vector<4096x128xf32> to vector<128x128xf32>
    %broadcast_in_dim3A_1505 = vector.shape_cast %get3A_1503 : vector<1x128xi32> to vector<1x128xi32>
    %broadcast_in_dim3A_1506 = vector.broadcast %broadcast_in_dim3A_1505 : vector<1x128xi32> to vector<128x128xi32>
    %eq3A_1507 = arith.cmpi eq, %broadcast_in_dim3A_1506, %iota3A : vector<128x128xi32>
    %convert_element_type3A_1508 = arith.extui %eq3A_1507 : vector<128x128xi1> to vector<128x128xi32>
    %convert_element_type3A_1509 = arith.sitofp %convert_element_type3A_1508 : vector<128x128xi32> to vector<128x128xf32>
    %dot_general3A_1510 = arith.constant dense<0.000000e+00> : vector<128x128xf32>
    %dot_general3A_1511 = tpu.matmul %convert_element_type3A_1509, %slice3A_1504, %dot_general3A_1510 {dimension_numbers = #tpu.dot_dimension_numbers<[0], [0], [1], [1], [0, 1, 1, 1], [], []>, transpose_lhs_hint = false} : vector<128x128xf32>, vector<128x128xf32>, vector<128x128xf32> -> vector<128x128xf32>
    %get3A_1512 = arith.constant 29 : index
    %get3A_1513 = arith.constant 0 : index
    %get3A_1514 = vector.load %arg4[%get3A_1512, %get3A_1513] : memref<32x128xi32, #tpu.memory_space<vmem>>, vector<1x128xi32>
    %slice3A_1515 = vector.extract_strided_slice %max3A_1192 {offsets = [3712, 0], sizes = [128, 128], strides = [1, 1]} : vector<4096x128xf32> to vector<128x128xf32>
    %broadcast_in_dim3A_1516 = vector.shape_cast %get3A_1514 : vector<1x128xi32> to vector<1x128xi32>
    %broadcast_in_dim3A_1517 = vector.broadcast %broadcast_in_dim3A_1516 : vector<1x128xi32> to vector<128x128xi32>
    %eq3A_1518 = arith.cmpi eq, %broadcast_in_dim3A_1517, %iota3A : vector<128x128xi32>
    %convert_element_type3A_1519 = arith.extui %eq3A_1518 : vector<128x128xi1> to vector<128x128xi32>
    %convert_element_type3A_1520 = arith.sitofp %convert_element_type3A_1519 : vector<128x128xi32> to vector<128x128xf32>
    %dot_general3A_1521 = arith.constant dense<0.000000e+00> : vector<128x128xf32>
    %dot_general3A_1522 = tpu.matmul %convert_element_type3A_1520, %slice3A_1515, %dot_general3A_1521 {dimension_numbers = #tpu.dot_dimension_numbers<[0], [0], [1], [1], [0, 1, 1, 1], [], []>, transpose_lhs_hint = false} : vector<128x128xf32>, vector<128x128xf32>, vector<128x128xf32> -> vector<128x128xf32>
    %get3A_1523 = arith.constant 30 : index
    %get3A_1524 = arith.constant 0 : index
    %get3A_1525 = vector.load %arg4[%get3A_1523, %get3A_1524] : memref<32x128xi32, #tpu.memory_space<vmem>>, vector<1x128xi32>
    %slice3A_1526 = vector.extract_strided_slice %max3A_1192 {offsets = [3840, 0], sizes = [128, 128], strides = [1, 1]} : vector<4096x128xf32> to vector<128x128xf32>
    %broadcast_in_dim3A_1527 = vector.shape_cast %get3A_1525 : vector<1x128xi32> to vector<1x128xi32>
    %broadcast_in_dim3A_1528 = vector.broadcast %broadcast_in_dim3A_1527 : vector<1x128xi32> to vector<128x128xi32>
    %eq3A_1529 = arith.cmpi eq, %broadcast_in_dim3A_1528, %iota3A : vector<128x128xi32>
    %convert_element_type3A_1530 = arith.extui %eq3A_1529 : vector<128x128xi1> to vector<128x128xi32>
    %convert_element_type3A_1531 = arith.sitofp %convert_element_type3A_1530 : vector<128x128xi32> to vector<128x128xf32>
    %dot_general3A_1532 = arith.constant dense<0.000000e+00> : vector<128x128xf32>
    %dot_general3A_1533 = tpu.matmul %convert_element_type3A_1531, %slice3A_1526, %dot_general3A_1532 {dimension_numbers = #tpu.dot_dimension_numbers<[0], [0], [1], [1], [0, 1, 1, 1], [], []>, transpose_lhs_hint = false} : vector<128x128xf32>, vector<128x128xf32>, vector<128x128xf32> -> vector<128x128xf32>
    %get3A_1534 = arith.constant 31 : index
    %get3A_1535 = arith.constant 0 : index
    %get3A_1536 = vector.load %arg4[%get3A_1534, %get3A_1535] : memref<32x128xi32, #tpu.memory_space<vmem>>, vector<1x128xi32>
    %slice3A_1537 = vector.extract_strided_slice %max3A_1192 {offsets = [3968, 0], sizes = [128, 128], strides = [1, 1]} : vector<4096x128xf32> to vector<128x128xf32>
    %broadcast_in_dim3A_1538 = vector.shape_cast %get3A_1536 : vector<1x128xi32> to vector<1x128xi32>
    %broadcast_in_dim3A_1539 = vector.broadcast %broadcast_in_dim3A_1538 : vector<1x128xi32> to vector<128x128xi32>
    %eq3A_1540 = arith.cmpi eq, %broadcast_in_dim3A_1539, %iota3A : vector<128x128xi32>
    %convert_element_type3A_1541 = arith.extui %eq3A_1540 : vector<128x128xi1> to vector<128x128xi32>
    %convert_element_type3A_1542 = arith.sitofp %convert_element_type3A_1541 : vector<128x128xi32> to vector<128x128xf32>
    %dot_general3A_1543 = arith.constant dense<0.000000e+00> : vector<128x128xf32>
    %dot_general3A_1544 = tpu.matmul %convert_element_type3A_1542, %slice3A_1537, %dot_general3A_1543 {dimension_numbers = #tpu.dot_dimension_numbers<[0], [0], [1], [1], [0, 1, 1, 1], [], []>, transpose_lhs_hint = false} : vector<128x128xf32>, vector<128x128xf32>, vector<128x128xf32> -> vector<128x128xf32>
    %concatenate3A_1545 = tpu.concatenate %dot_general3A_1203, %dot_general3A_1214, %dot_general3A_1225, %dot_general3A_1236, %dot_general3A_1247, %dot_general3A_1258, %dot_general3A_1269, %dot_general3A_1280, %dot_general3A_1291, %dot_general3A_1302, %dot_general3A_1313, %dot_general3A_1324, %dot_general3A_1335, %dot_general3A_1346, %dot_general3A_1357, %dot_general3A_1368, %dot_general3A_1379, %dot_general3A_1390, %dot_general3A_1401, %dot_general3A_1412, %dot_general3A_1423, %dot_general3A_1434, %dot_general3A_1445, %dot_general3A_1456, %dot_general3A_1467, %dot_general3A_1478, %dot_general3A_1489, %dot_general3A_1500, %dot_general3A_1511, %dot_general3A_1522, %dot_general3A_1533, %dot_general3A_1544 in 0 : vector<128x128xf32>, vector<128x128xf32>, vector<128x128xf32>, vector<128x128xf32>, vector<128x128xf32>, vector<128x128xf32>, vector<128x128xf32>, vector<128x128xf32>, vector<128x128xf32>, vector<128x128xf32>, vector<128x128xf32>, vector<128x128xf32>, vector<128x128xf32>, vector<128x128xf32>, vector<128x128xf32>, vector<128x128xf32>, vector<128x128xf32>, vector<128x128xf32>, vector<128x128xf32>, vector<128x128xf32>, vector<128x128xf32>, vector<128x128xf32>, vector<128x128xf32>, vector<128x128xf32>, vector<128x128xf32>, vector<128x128xf32>, vector<128x128xf32>, vector<128x128xf32>, vector<128x128xf32>, vector<128x128xf32>, vector<128x128xf32>, vector<128x128xf32> -> vector<4096x128xf32>
    %dot_general3A_1546 = arith.constant dense<0.000000e+00> : vector<128x4096xf32>
    %dot_general3A_1547 = tpu.matmul %get3A_4, %concatenate3A_1545, %dot_general3A_1546 {dimension_numbers = #tpu.dot_dimension_numbers<[0], [1], [1], [0], [0, 1, 1, 0], [], []>, transpose_lhs_hint = false} : vector<128x128xf32>, vector<4096x128xf32>, vector<128x4096xf32> -> vector<128x4096xf32>
    %slice3A_1548 = vector.extract_strided_slice %dot_general3A_1547 {offsets = [0, 0], sizes = [20, 4096], strides = [1, 1]} : vector<128x4096xf32> to vector<20x4096xf32>
    %reduce_max3A = arith.constant dense<0xFF800000> : vector<4096xf32>
    %reduce_max3A_1549 = vector.multi_reduction <maximumf>, %slice3A_1548, %reduce_max3A [0] : vector<20x4096xf32> to vector<4096xf32>
    %broadcast_in_dim3A_1550 = vector.shape_cast %reduce_max3A_1549 : vector<4096xf32> to vector<1x4096xf32>
    %sub3A = vector.broadcast %broadcast_in_dim3A_1550 : vector<1x4096xf32> to vector<20x4096xf32>
    %sub3A_1551 = arith.subf %slice3A_1548, %sub3A : vector<20x4096xf32>
    %exp3A = math.exp %sub3A_1551 : vector<20x4096xf32>
    %reduce_sum3A = arith.constant dense<0.000000e+00> : vector<4096xf32>
    %reduce_sum3A_1552 = vector.multi_reduction <add>, %exp3A, %reduce_sum3A [0] : vector<20x4096xf32> to vector<4096xf32>
    %broadcast_in_dim3A_1553 = vector.shape_cast %reduce_sum3A_1552 : vector<4096xf32> to vector<1x4096xf32>
    %log3A = math.log %broadcast_in_dim3A_1553 : vector<1x4096xf32>
    %add3A_1554 = arith.addf %broadcast_in_dim3A_1550, %log3A : vector<1x4096xf32>
    %slice3A_1555 = vector.extract_strided_slice %dot_general3A_1547 {offsets = [0, 0], sizes = [32, 4096], strides = [1, 1]} : vector<128x4096xf32> to vector<32x4096xf32>
    %sub3A_1556 = vector.broadcast %add3A_1554 : vector<1x4096xf32> to vector<32x4096xf32>
    %sub3A_1557 = arith.subf %slice3A_1555, %sub3A_1556 : vector<32x4096xf32>
    %transpose3A = tpu.transpose %sub3A_1557, [1, 0] : vector<32x4096xf32> -> vector<4096x32xf32>
    %reshape3A_1558 = vector.shape_cast %transpose3A : vector<4096x32xf32> to vector<32x128x32xf32>
    %swap3A = arith.constant 0 : index
    %swap3A_1559 = arith.constant 0 : index
    %swap3A_1560 = arith.constant 0 : index
    %swap3A_1561 = vector.load %arg8[%swap3A, %swap3A_1559, %swap3A_1560] : memref<32x128x32xf32, #tpu.memory_space<vmem>>, vector<32x128x32xf32>
    tpu.vector_store %arg8[%swap3A, %swap3A_1559, %swap3A_1560], %reshape3A_1558 {strides = array<i32>} : memref<32x128x32xf32, #tpu.memory_space<vmem>>, vector<32x128x32xf32>,
    return
  }
  func.func @transform_0(%arg0: i32) -> (i32, i32, i32) {
    %c0_i32 = arith.constant 0 : i32
    %c0_i32_0 = arith.constant 0 : i32
    %c0_i32_1 = arith.constant 0 : i32
    return %arg0, %c0_i32, %c0_i32_0 : i32, i32, i32
  }
  func.func @transform_1(%arg0: i32) -> (i32, i32, i32) {
    %c0_i32 = arith.constant 0 : i32
    %c0_i32_0 = arith.constant 0 : i32
    %c0_i32_1 = arith.constant 0 : i32
    return %arg0, %c0_i32, %c0_i32_0 : i32, i32, i32
  }
  func.func @transform_2(%arg0: i32) -> (i32, i32) {
    %c0_i32 = arith.constant 0 : i32
    %c0_i32_0 = arith.constant 0 : i32
    return %arg0, %c0_i32 : i32, i32
  }
  func.func @transform_3(%arg0: i32) -> (i32, i32) {
    %c0_i32 = arith.constant 0 : i32
    %c0_i32_0 = arith.constant 0 : i32
    return %arg0, %c0_i32 : i32, i32
  }
  func.func @transform_4(%arg0: i32) -> (i32, i32) {
    %c0_i32 = arith.constant 0 : i32
    %c0_i32_0 = arith.constant 0 : i32
    %c0_i32_1 = arith.constant 0 : i32
    return %c0_i32, %c0_i32_0 : i32, i32
  }
  func.func @transform_5(%arg0: i32) -> (i32, i32, i32) {
    %c0_i32 = arith.constant 0 : i32
    %c0_i32_0 = arith.constant 0 : i32
    %c0_i32_1 = arith.constant 0 : i32
    %c0_i32_2 = arith.constant 0 : i32
    return %c0_i32, %c0_i32_0, %c0_i32_1 : i32, i32, i32
  }
  func.func @transform_6(%arg0: i32) -> (i32, i32) {
    %c0_i32 = arith.constant 0 : i32
    %c0_i32_0 = arith.constant 0 : i32
    %c0_i32_1 = arith.constant 0 : i32
    return %c0_i32, %c0_i32_0 : i32, i32
  }
  func.func @transform_7(%arg0: i32) -> (i32, i32, i32) {
    %c0_i32 = arith.constant 0 : i32
    %c0_i32_0 = arith.constant 0 : i32
    %c0_i32_1 = arith.constant 0 : i32
    return %arg0, %c0_i32, %c0_i32_0 : i32, i32, i32
  }
}

</mosaic_0001>

<sc_bundles>
// kernel: kernel.4.cloned.1.call-start
scs
__scs_entry_jumppad:
0x0: {  	(pc) =	sbr.rel $0x88, $3  }
0x1: {  	(tag) =	ssettag $0x0;
	lr =	simm.s32 $0x1  }
0x2: {  	[smem:$0x3F99] =	sst lr;
	_ =	strace $0xD0000000  }
0x3: {  	_ = 	snop  }
0x4: {  	_ = 	snop  }
0x5: {  	_ = 	snop  }
0x6: {  	_ = 	snop  }
0x7: {  	_ = 	snop  }
__scs_overlays_trampoline_lowered:
0x8: {  	[smem:$0x3FA8] =	sst s0  }
0x9: {  	[smem:$0x3FA9] =	sst s1  }
0xa: {  	[smem:$0x3FAA] =	sst s2  }
0xb: {  	[smem:$0x3FAB] =	sst s3  }
0xc: {  	[smem:$0x3FAC] =	sst s4  }
0xd: {  	[smem:$0x3FAD] =	sst s5  }
0xe: {  	[smem:$0x3FAE] =	sst s6  }
0xf: {  	[smem:$0x3FAF] =	sst s7  }
0x10: {  	[smem:$0x3FB0] =	sst s8  }
0x11: {  	[smem:$0x3FB1] =	sst s9;
	s0 =	simm.s32 @!p0 $0x0  }
0x12: {  	s1 =	sld [smem:$0x3F97];
	s0 =	simm.s32 @p0 $0x1  }
0x13: {  	[smem:$0x3FB2] =	sst s0;
	s0 =	simm.s32 @!p1 $0x0  }
0x14: {  	s2 =	sld [smem:$0x3F96];
	s0 =	simm.s32 @p1 $0x1  }
0x15: {  	[smem:$0x3FB3] =	sst s0;
	s0 =	simm.s32 @!p2 $0x0  }
0x16: {  	s3 =	sld [smem:$0x3FDB];
	s0 =	simm.s32 @p2 $0x1  }
0x17: {  	s4 =	simm.s32 $0x1BF5;
	[smem:$0x3FB5] =	sst s0  }
0x18: {  	s0 =	sld [smem:$0x3F98];
	_ =	swait.ge [sflag:s4], $0x0  }
0x19: {  	s7 =	sld [smem:$0x3F99]  }
0x1a: {  	s8 =	sadd.s32 $0xFFFFE003, lr  }
0x1b: {  	s9 =	sadd.s32 $0xFFFFFEF7, lr;
	s5 =	simm.s32 $0xFFFFFFFF;
	p2 =	slt.u32 s8, $0xFFFFF086  }
0x1c: {  	p1 =	slt.u32 s9, $0xF7A;
	s5 =	simm.s32 @!p2 $0x0  }
0x1d: {  	s5 =	simm.s32 @p1 $0x1;
	p0 =	seq.s32 s7, s2  }
0x1e: {  	s7 =	smul.u32 @!p0 $0xF7A, s2;
	p2 =	seq.s32 @!p0 s5, $0x0  }
0x1f: {  	s9 =	smul.u32 $0xF7A, s1;
	s8 =	simm.s32 @!p0 $0x1BF5;
	p2 =	por !p2, p0  }
0x20: {  	[sflag:s8] =	ssyncset.s32 @!p0 $0xFFFFF086;
	s6 =	sadd.s32 @!p0 s3, s7;
	s7 =	simm.s32 @!p0 $0x108  }
0x21: {  	s3 =	sadd.s32 s3, s9;
	s6 =	sadd.s32 @!p0 $0x88, s6;
	s7 =	simm.s32 @p2 $0x1082  }
0x22: {  	[simem:s7], [sflag:s8] =	dma.local @!p0 [hbm:s6], $0xF7A  }
0x23: {  	s9 =	sor.u32 $0xD0000000, s2;
	s6 =	simm.s32 $0x108;
	_ =	swait.ge @!p0 [sflag:s8], $0x0  }
0x24: {  	s3 =	sadd.s32 $0x88, s3;
	s6 =	simm.s32 @!p1 $0x1082;
	[sflag:s4] =	ssyncset.s32 $0xFFFFF086  }
0x25: {  	[simem:s6], [sflag:s4] =	dma.local [hbm:s3], $0xF7A  }
0x26: {  	[smem:$0x3F99] =	sst s1;
	(tag) =	ssettag s2;
	_ =	strace s9  }
0x27: {  	s1 =	sld [smem:$0x3FA9]  }
0x28: {  	s2 =	sld [smem:$0x3FAA]  }
0x29: {  	s4 =	sld [smem:$0x3FAC]  }
0x2a: {  	p0 =	seq.s32 s5, $0x0;
	s5 =	sld [smem:$0x3FAD]  }
0x2b: {  	s6 =	sld [smem:$0x3FAE]  }
0x2c: {  	s7 =	sld [smem:$0x3FAF]  }
0x2d: {  	s3 =	simm.s32 $0x108;
	s8 =	sld [smem:$0x3FB0]  }
0x2e: {  	s3 =	simm.s32 @!p0 $0x1082;
	s9 =	sld [smem:$0x3FB1]  }
0x2f: {  	lr =	sadd.s32 s0, s3;
	s0 =	sld [smem:$0x3FA8]  }
0x30: {  	s3 =	sld [smem:$0x3FAB]  }
0x31: {  	[smem:$0x3FB4] =	sst s10  }
0x32: {  	s10 =	sld [smem:$0x3FB2];
	_ =	sdelay $0x3  }
0x33: {  	p0 =	seq.s32 s10, $0x1;
	s10 =	sld [smem:$0x3FB4];
	_ =	sdelay $0x3  }
0x34: {  	[smem:$0x3FB4] =	sst s10  }
0x35: {  	s10 =	sld [smem:$0x3FB3];
	_ =	sdelay $0x3  }
0x36: {  	p1 =	seq.s32 s10, $0x1;
	s10 =	sld [smem:$0x3FB4];
	_ =	sdelay $0x3  }
0x37: {  	[smem:$0x3FB4] =	sst s10  }
0x38: {  	s10 =	sld [smem:$0x3FB5]  }
0x39: {  	_ = 	snop;
	(pc) =	sbr.ind lr, $3  }
0x3a: {  	_ = 	snop  }
0x3b: {  	_ = 	snop  }
0x3c: {  	p2 =	seq.s32 s10, $0x1;
	s10 =	sld [smem:$0x3FB4]  }
0x3d: {  	_ =	shalt  }
0x3e: {  	_ =	shalt  }
0x3f: {  	_ =	shalt  }
0x40: {  	_ =	shalt  }
0x41: {  	_ =	shalt  }
0x42: {  	_ =	shalt  }
0x43: {  	_ =	shalt  }
0x44: {  	_ =	shalt  }
0x45: {  	_ =	shalt  }
0x46: {  	_ =	shalt  }
0x47: {  	_ =	shalt  }
0x48: {  	_ =	shalt  }
0x49: {  	_ =	shalt  }
0x4a: {  	_ =	shalt  }
0x4b: {  	_ =	shalt  }
0x4c: {  	_ =	shalt  }
0x4d: {  	_ =	shalt  }
0x4e: {  	_ =	shalt  }
0x4f: {  	_ =	shalt  }
0x50: {  	_ =	shalt  }
0x51: {  	_ =	shalt  }
0x52: {  	_ =	shalt  }
0x53: {  	_ =	shalt  }
0x54: {  	_ =	shalt  }
0x55: {  	_ =	shalt  }
0x56: {  	_ =	shalt  }
0x57: {  	_ =	shalt  }
0x58: {  	_ =	shalt  }
0x59: {  	_ =	shalt  }
0x5a: {  	_ =	shalt  }
0x5b: {  	_ =	shalt  }
0x5c: {  	_ =	shalt  }
0x5d: {  	_ =	shalt  }
0x5e: {  	_ =	shalt  }
0x5f: {  	_ =	shalt  }
0x60: {  	_ =	shalt  }
0x61: {  	_ =	shalt  }
0x62: {  	_ =	shalt  }
0x63: {  	_ =	shalt  }
0x64: {  	_ =	shalt  }
0x65: {  	_ =	shalt  }
0x66: {  	_ =	shalt  }
0x67: {  	_ =	shalt  }
0x68: {  	_ =	shalt  }
0x69: {  	_ =	shalt  }
0x6a: {  	_ =	shalt  }
0x6b: {  	_ =	shalt  }
0x6c: {  	_ =	shalt  }
0x6d: {  	_ =	shalt  }
0x6e: {  	_ =	shalt  }
0x6f: {  	_ =	shalt  }
0x70: {  	_ =	shalt  }
0x71: {  	_ =	shalt  }
0x72: {  	_ =	shalt  }
0x73: {  	_ =	shalt  }
0x74: {  	_ =	shalt  }
0x75: {  	_ =	shalt  }
0x76: {  	_ =	shalt  }
0x77: {  	_ =	shalt  }
0x78: {  	_ =	shalt  }
0x79: {  	_ =	shalt  }
0x7a: {  	_ =	shalt  }
0x7b: {  	_ =	shalt  }
0x7c: {  	_ =	shalt  }
0x7d: {  	_ =	shalt  }
0x7e: {  	_ =	shalt  }
0x7f: {  	_ =	shalt  }
0x80: {  	_ =	shalt  }
0x81: {  	_ =	shalt  }
0x82: {  	_ =	shalt  }
0x83: {  	_ =	shalt  }
0x84: {  	_ =	shalt  }
0x85: {  	_ =	shalt  }
0x86: {  	_ =	shalt  }
0x87: {  	_ =	shalt  }
.Lfunc_end0:
.L_simem_size_0:
called_computation_lowered:
.L_overlay_start_0:
0x88: {  	s2 =	sld [smem:$0x3FD9]  }
0x89: {  	s3 =	sld [smem:$0x3FFE];
	_ =	sdelay $0x1  }
0x8a: {  	s1 =	srdreg.scid  }
0x8b: {  	s0 =	sand.u32 $0x1, s1  }
0x8c: {  	s17 =	sshll.u32 s0, $0xA;
	s2 =	sadd.s32 s3, s2  }
0x8d: {  	s2 =	sadd.s32 s2, s17  }
0x8e: {  	[smem:$0x3FC0] =	sst s2  }
0x8f: {  	_ = 	snop  }
0x90: {  	s2 =	sld [smem:$0x3FC9]  }
0x91: {  	s18 =	sld [smem:$0x3FC5];
	(tm) =	ssettm $0x1  }
0x92: {  	s4 =	sld [smem:$0x3FFB];
	_ =	sdelay $0x3  }
0x93: {  	_ =	strace s4  }
0x94: {  	s4 =	sld [smem:$0x3FFC];
	_ =	sdelay $0x3  }
0x95: {  	_ =	strace s4  }
0x96: {  	s4 =	sld [smem:$0x3FFD];
	_ =	sdelay $0x3  }
0x97: {  	_ =	strace s4  }
0x98: {  	_ =	strace $0x8FFFFFFF  }
0x99: {  	s19 =	sld [smem:$0x3FDB];
	_ =	sdelay $0x1  }
0x9a: {  	s5 =	simm.s32 $_scs_section_size  }
0x9b: {  	s6 =	simm.s32 $_size__tile_overlayer_lowered;
	s7 =	simm.s32 $_tile_overlayer_lowered  }
0x9c: {  	s22 =	simm.s32 $0x1BFF;
	s21 =	sshll.u32 s7, $0x1;
	s4 =	sadd.s32 s5, s19  }
0x9d: {  	s8 =	simm.s32 $0x0;
	s20 =	sshll.u32 s6, $0x1;
	s6 =	sadd.s32 s21, s4  }
0x9e: {  	[timem:s8], [sflag:s22] =	dma.local [hbm:s6], s20  }
0x9f: {  	_ =	swait.ge [sflag:s22], s20  }
0xa0: {  	s5 =	ssub.s32 $0x0, s20;
	[sflag:s22] =	ssyncset.done $0x0  }
0xa1: {  	[sflag:s22] =	ssyncadd.s32 s5;
	_ =	sdelay $0x1  }
0xa2: {  	s23 =	simm.s32 $0x1B8B  }
0xa3: {  	_ =	swait.ge [sflag:s23], $0x1  }
0xa4: {  	[sflag:s23] =	ssyncset.done $0x0  }
0xa5: {  	s25 =	simm.s32 $0x1B8E;
	s24 =	sld [smem:$0x3FFE];
	[sflag:s23] =	ssyncadd.s32 $0xFFFFFFFF  }
0xa6: {  	s26 =	simm.s32 $execute0_lowered;
	[smem:$0x3FD2] =	sst s25  }
0xa7: {  	s6 =	sshll.u32 s26, $0x1;
	_ =	strace $0x80000046;
	[dreg:$0x1] =	wrdreg $0xFFFFFFFF  }
0xa8: {  	s28 =	simm.s32 $_size_execute0_lowered;
	s4 =	sadd.s32 s4, s6;
	[dreg:$0x0] =	wrdreg $0x0  }
0xa9: {  	s6 =	sshll.u32 s28, $0x1;
	[dreg:$0x2] =	wrdreg s4  }
0xaa: {  	[dreg:$0x3] =	wrdreg s6  }
0xab: {  	[dreg:$0x4] =	wrdreg $0xC0  }
0xac: {  	_ =	task [dreg:s8], $0x5FFFF  }
0xad: {  	[dreg:$0x1] =	wrdreg $0xFFFFFFFF  }
0xae: {  	[dreg:$0x0] =	wrdreg $0x60  }
0xaf: {  	[dreg:$0x2] =	wrdreg s2  }
0xb0: {  	[dreg:$0x3] =	wrdreg s18  }
0xb1: {  	[dreg:$0x4] =	wrdreg s24  }
0xb2: {  	[dreg:$0x5] =	wrdreg $0x9  }
0xb3: {  	_ =	task.clear_ibuf [dreg:s8], $0x6FFFF;
	_ =	strace $0x90000046  }
0xb4: {  	s29 =	simm.s32 $0x9;
	_ =	strace $0x80000048  }
0xb5: {  	_ =	swait.ge [sflag:s29], $0x1  }
0xb6: {  	[sflag:s29] =	ssyncadd.s32 $0xFFFFFFFF  }
0xb7: {  	_ =	strace $0x90000048  }
0xb8: {  	_ =	sfence  }
0xb9: {  	s30 =	sld [smem:$0x0];
	_ =	sdelay $0x2  }
0xba: {  	s31 =	sshll.u32 s1, $0xD;
	s1 =	sshrl.u32 s1, $0x2  }
0xbb: {  	s3 =	sand.u32 $0x4000, s31;
	s1 =	sadd.s32 s1, s30  }
0xbc: {  	s0 =	sor.u32 s3, s0;
	s1 =	sshll.u32 s1, $0x11  }
0xbd: {  	s0 =	sor.u32 s1, s0  }
0xbe: {  	s0 =	sadd.s32 $0x8F2B, s0  }
0xbf: {  	[sflag:s0] =	ssyncadd.remote.s32 $0x1  }
0xc0: {  	_ =	sfence.sel $0xFFFF  }
0xc1: {  	[dreg:$0x0] =	wrdreg $0xFFFFFFFF;
	(pc) =	sbr.abs _section_cstart, $3  }
0xc2: {  	[dreg:$0x1] =	wrdreg $0xFFFFFFFF  }
0xc3: {  	_ =	task.clear_ibuf [dreg:s8], $0x2FFFF;
	_ =	strace $0x9FFFFFFF  }
0xc4: {  	(tm) =	ssettm $0x7FFFFFFF  }
0xc5: {  	_ =	shalt  }
tec
execute0_lowered:
.L_overlay_start_1:
0x0: {  	(tag) =	ssettag $0x1  }
0x1: {  	s0 =	rddreg [dreg:$0x0];
	s1 =	srdreg.scid  }
0x2: {  	s3 =	rddreg [dreg:$0x1];
	s2 =	stileid.u32  }
0x3: {  	s4 =	rddreg [dreg:$0x2];
	s29 =	simm.s32 $0xD;
	s13 =	simm.s32 $0x80  }
0x4: {  	s8 =	simm.s32 $0x400;
	s7 =	simm.s32 $0x4400;
	s30 =	simm.s32 $0x100  }
0x5: {  	s31 =	simm.s32 $0x180;
	s10 =	simm.s32 $0x1;
	s28 =	simm.s32 $0x200  }
0x6: {  	s9 =	simm.s32 $0x2;
	s26 =	simm.s32 $0x280;
	s25 =	simm.s32 $0x3  }
0x7: {  	s24 =	simm.s32 $0x300;
	s23 =	simm.s32 $0x4;
	p0 =	por $0x0, $0x0  }
0x8: {  	s12 =	simm.s32 $0xB;
	s11 =	simm.s32 $0xC;
	s1 =	sand.u32 $0x1, s1  }
0x9: {  	s5 =	sshll.u32 s2, $0x4;
	s2 =	simm.s32 $0x0;
	s6 =	sshll.u32 s1, $0x3  }
0xa: {  	[smem:$0x7FF] =	sst s2;
	s1 =	ssub.s32 $0x2, s1;
	s5 =	sor.u32 s6, s5  }
0xb: {  	_ =	strace $0x80000047;
	s19 =	sshrl.u32 s1, $0x1;
	s6 =	sshll.u32 s5, $0xB  }
0xc: {  	s5 =	sshll.u32 s5, $0x4;
	s1 =	ssub.s32 s1, s19;
	s19 =	simm.s32 $0x6  }
0xd: {  	s4 =	sadd.s32 s6, s4;
	s0 =	sadd.s32 s0, s5;
	s22 =	smax.u32 s1, $0x1  }
0xe: {  	s5 =	simm.s32 $0x7;
	[dreg:$0x4] =	wrdreg s0;
	s14 =	sadd.s32 $0xE00, s4  }
0xf: {  	s6 =	simm.s32 $0x8;
	s15 =	sadd.s32 $0x1600, s4;
	[dreg:$0x5] =	wrdreg s14  }
0x10: {  	s16 =	sadd.s32 $0x1E00, s4;
	s17 =	sadd.s32 $0x2600, s4;
	[dreg:$0x6] =	wrdreg s15  }
0x11: {  	s18 =	sadd.s32 $0x2E00, s4;
	s20 =	sadd.s32 $0x3600, s4;
	[dreg:$0x7] =	wrdreg s16  }
0x12: {  	s21 =	sadd.s32 $0x3E00, s4;
	p1 =	sne.s32 s22, $0x1;
	[dreg:$0x8] =	wrdreg s17  }
.Ltmp0:
0x13: {  	s4 =	sadd.s32 $0x4600, s4;
	[dreg:$0x9] =	wrdreg s18;
	(pc) =	sbr.rel @!p1 .LBB2_3-.Ltmp0, $4  }
0x14: {  	s1 =	sadd.s32 $0xFFFFFFFF, s22;
	s22 =	simm.s32 $0x5;
	[dreg:$0xa] =	wrdreg s20  }
0x15: {  	[dreg:$0xb] =	wrdreg s21;
	s20 =	simm.s32 $0x8400;
	s18 =	simm.s32 $0xC400  }
0x16: {  	s17 =	simm.s32 $0x10400;
	s15 =	simm.s32 $0x14400;
	s21 =	simm.s32 $0x380  }
0x17: {  	s16 =	simm.s32 $0x9;
	s14 =	simm.s32 $0xA;
	s0 =	rddreg [dreg:$0x4]  }
0x18: {  	[tilespmem:s2], [sflag:$0xD] =	stream.linear.gather [hbm4b:s0+s2], $0x400, $0x38;
	[tilespmem:$0x18400] =	vst v63  }
0x19: {  	_ =	swait.ge [sflag:s29], $0x400  }
0x1a: {  	[sflag:s29] =	ssyncset.done $0x0  }
0x1b: {  	[sflag:s29] =	ssyncadd.s32 $0xFFFFFC00  }
0x1c: {  	[tilespmem:s8], [sflag:$0x1] =	stream.indirect.gather [hbm4b:s3+s13], $0x80, s2, s13, $0xb8;
	[tilespmem:$0x18400] =	vst v63  }
0x1d: {  	_ = 	snop  }
0x1e: {  	[tilespmem:s7], [sflag:$0x2] =	stream.indirect.gather [hbm4b:s3+s13], $0x80, s13, s13, $0xb8;
	[tilespmem:$0x18400] =	vst v63  }
0x1f: {  	_ = 	snop  }
0x20: {  	[tilespmem:s20], [sflag:$0x3] =	stream.indirect.gather [hbm4b:s3+s13], $0x80, s30, s13, $0xb8;
	[tilespmem:$0x18400] =	vst v63  }
0x21: {  	_ = 	snop  }
0x22: {  	[tilespmem:s18], [sflag:$0x4] =	stream.indirect.gather [hbm4b:s3+s13], $0x80, s31, s13, $0xb8;
	[tilespmem:$0x18400] =	vst v63  }
0x23: {  	_ =	swait.ge [sflag:s10], $0x4000  }
0x24: {  	[sflag:s10] =	ssyncset.done $0x0  }
0x25: {  	s0 =	rddreg [dreg:$0x5];
	[sflag:s10] =	ssyncadd.s32 $0xFFFFC000  }
0x26: {  	[hbm4b:s0+s2] =	stream.linear.scatter [tilespmem:s8], [sflag:$0x7], $0x4000, $0x38;
	[tilespmem:$0x18400] =	vst v63  }
0x27: {  	_ = 	snop  }
0x28: {  	[tilespmem:s17], [sflag:$0x5] =	stream.indirect.gather [hbm4b:s3+s13], $0x80, s28, s13, $0xb8;
	[tilespmem:$0x18400] =	vst v63  }
0x29: {  	_ =	swait.ge [sflag:s9], $0x4000  }
0x2a: {  	[sflag:s9] =	ssyncset.done $0x0  }
0x2b: {  	s0 =	rddreg [dreg:$0x6];
	[sflag:s9] =	ssyncadd.s32 $0xFFFFC000  }
0x2c: {  	[hbm4b:s0+s2] =	stream.linear.scatter [tilespmem:s7], [sflag:$0x8], $0x4000, $0x38;
	[tilespmem:$0x18400] =	vst v63  }
0x2d: {  	_ = 	snop  }
0x2e: {  	[tilespmem:s15], [sflag:$0x6] =	stream.indirect.gather [hbm4b:s3+s13], $0x80, s26, s13, $0xb8;
	[tilespmem:$0x18400] =	vst v63  }
0x2f: {  	_ =	swait.ge [sflag:s25], $0x4000  }
0x30: {  	[sflag:s25] =	ssyncset.done $0x0  }
0x31: {  	s0 =	rddreg [dreg:$0x7];
	[sflag:s25] =	ssyncadd.s32 $0xFFFFC000  }
0x32: {  	[hbm4b:s0+s2] =	stream.linear.scatter [tilespmem:s20], [sflag:$0x9], $0x4000, $0x38;
	[tilespmem:$0x18400] =	vst v63  }
0x33: {  	_ =	swait.ge [sflag:s5], $0x4000  }
0x34: {  	[sflag:s5] =	ssyncset.done $0x0  }
0x35: {  	[sflag:s5] =	ssyncadd.s32 $0xFFFFC000  }
0x36: {  	[tilespmem:s8], [sflag:$0x1] =	stream.indirect.gather [hbm4b:s3+s13], $0x80, s24, s13, $0xb8;
	[tilespmem:$0x18400] =	vst v63  }
0x37: {  	_ =	swait.ge [sflag:s23], $0x4000  }
0x38: {  	[sflag:s23] =	ssyncset.done $0x0  }
0x39: {  	s0 =	rddreg [dreg:$0x8];
	[sflag:s23] =	ssyncadd.s32 $0xFFFFC000  }
0x3a: {  	[hbm4b:s0+s2] =	stream.linear.scatter [tilespmem:s18], [sflag:$0xA], $0x4000, $0x38;
	[tilespmem:$0x18400] =	vst v63  }
0x3b: {  	_ =	swait.ge [sflag:s6], $0x4000  }
0x3c: {  	[sflag:s6] =	ssyncset.done $0x0  }
0x3d: {  	[sflag:s6] =	ssyncadd.s32 $0xFFFFC000  }
0x3e: {  	[tilespmem:s7], [sflag:$0x2] =	stream.indirect.gather [hbm4b:s3+s13], $0x80, s21, s13, $0xb8;
	[tilespmem:$0x18400] =	vst v63  }
0x3f: {  	_ =	swait.ge [sflag:s22], $0x4000  }
0x40: {  	[sflag:s22] =	ssyncset.done $0x0  }
0x41: {  	s0 =	rddreg [dreg:$0x9];
	[sflag:s22] =	ssyncadd.s32 $0xFFFFC000  }
0x42: {  	[hbm4b:s0+s2] =	stream.linear.scatter [tilespmem:s17], [sflag:$0xB], $0x4000, $0x38;
	[tilespmem:$0x18400] =	vst v63  }
0x43: {  	_ =	swait.ge [sflag:s19], $0x4000  }
0x44: {  	[sflag:s19] =	ssyncset.done $0x0  }
0x45: {  	s0 =	rddreg [dreg:$0xa];
	[sflag:s19] =	ssyncadd.s32 $0xFFFFC000  }
0x46: {  	[hbm4b:s0+s2] =	stream.linear.scatter [tilespmem:s15], [sflag:$0xC], $0x4000, $0x38;
	[tilespmem:$0x18400] =	vst v63  }
0x47: {  	_ =	swait.ge [sflag:s10], $0x4000  }
0x48: {  	[sflag:s10] =	ssyncset.done $0x0  }
0x49: {  	s0 =	rddreg [dreg:$0xb];
	[sflag:s10] =	ssyncadd.s32 $0xFFFFC000  }
0x4a: {  	[hbm4b:s0+s2] =	stream.linear.scatter [tilespmem:s8], [sflag:$0x7], $0x4000, $0x38;
	[tilespmem:$0x18400] =	vst v63  }
0x4b: {  	_ =	swait.ge [sflag:s9], $0x4000  }
0x4c: {  	[sflag:s9] =	ssyncset.done $0x0  }
0x4d: {  	[sflag:s9] =	ssyncadd.s32 $0xFFFFC000  }
0x4e: {  	[hbm4b:s4+s2] =	stream.linear.scatter [tilespmem:s7], [sflag:$0x8], $0x4000, $0x38;
	[tilespmem:$0x18400] =	vst v63  }
0x4f: {  	_ =	swait.ge [sflag:s16], $0x4000  }
0x50: {  	[sflag:s16] =	ssyncset.done $0x0  }
0x51: {  	[sflag:s16] =	ssyncadd.s32 $0xFFFFC000  }
0x52: {  	_ =	swait.ge [sflag:s14], $0x4000  }
0x53: {  	[sflag:s14] =	ssyncset.done $0x0  }
0x54: {  	[sflag:s14] =	ssyncadd.s32 $0xFFFFC000  }
0x55: {  	_ =	swait.ge [sflag:s12], $0x4000  }
0x56: {  	[sflag:s12] =	ssyncset.done $0x0  }
0x57: {  	[sflag:s12] =	ssyncadd.s32 $0xFFFFC000  }
0x58: {  	_ =	swait.ge [sflag:s11], $0x4000  }
0x59: {  	[sflag:s11] =	ssyncset.done $0x0  }
0x5a: {  	p1 =	sne.s32 s1, $0x1;
	[sflag:s11] =	ssyncadd.s32 $0xFFFFC000  }
.Ltmp1:
0x5b: {  	_ =	swait.ge [sflag:s5], $0x4000;
	(pc) =	sbr.rel @!p1 .LBB2_3-.Ltmp1, $4  }
0x5c: {  	[sflag:s5] =	ssyncset.done $0x0  }
0x5d: {  	[sflag:s5] =	ssyncadd.s32 $0xFFFFC000  }
0x5e: {  	s1 =	sadd.s32 $0xFFFFFFFF, s1;
	_ =	swait.ge [sflag:s6], $0x4000  }
0x5f: {  	p0 =	por $0x1, $0x1;
	s0 =	rddreg [dreg:$0x4];
	[sflag:s6] =	ssyncset.done $0x0  }
.LBB2_2:
0x60: {  	[sflag:s6] =	ssyncadd.s32 $0xFFFFC000  }
0x61: {  	[tilespmem:s2], [sflag:$0xD] =	stream.linear.gather [hbm4b:s0+s2], $0x400, $0x38;
	[tilespmem:$0x18400] =	vst v63  }
0x62: {  	_ =	swait.ge [sflag:s29], $0x400  }
0x63: {  	[sflag:s29] =	ssyncset.done $0x0  }
0x64: {  	[sflag:s29] =	ssyncadd.s32 $0xFFFFFC00  }
0x65: {  	[tilespmem:s8], [sflag:$0x1] =	stream.indirect.gather [hbm4b:s3+s13], $0x80, s2, s13, $0xb8;
	[tilespmem:$0x18400] =	vst v63  }
0x66: {  	_ = 	snop  }
0x67: {  	[tilespmem:s7], [sflag:$0x2] =	stream.indirect.gather [hbm4b:s3+s13], $0x80, s13, s13, $0xb8;
	[tilespmem:$0x18400] =	vst v63  }
0x68: {  	_ = 	snop  }
0x69: {  	[tilespmem:s20], [sflag:$0x3] =	stream.indirect.gather [hbm4b:s3+s13], $0x80, s30, s13, $0xb8;
	[tilespmem:$0x18400] =	vst v63  }
0x6a: {  	_ = 	snop  }
0x6b: {  	[tilespmem:s18], [sflag:$0x4] =	stream.indirect.gather [hbm4b:s3+s13], $0x80, s31, s13, $0xb8;
	[tilespmem:$0x18400] =	vst v63  }
0x6c: {  	_ =	swait.ge [sflag:s10], $0x4000  }
0x6d: {  	[sflag:s10] =	ssyncset.done $0x0  }
0x6e: {  	s0 =	rddreg [dreg:$0x5];
	[sflag:s10] =	ssyncadd.s32 $0xFFFFC000  }
0x6f: {  	[hbm4b:s0+s2] =	stream.linear.scatter [tilespmem:s8], [sflag:$0x7], $0x4000, $0x38;
	[tilespmem:$0x18400] =	vst v63  }
0x70: {  	_ = 	snop  }
0x71: {  	[tilespmem:s17], [sflag:$0x5] =	stream.indirect.gather [hbm4b:s3+s13], $0x80, s28, s13, $0xb8;
	[tilespmem:$0x18400] =	vst v63  }
0x72: {  	_ =	swait.ge [sflag:s9], $0x4000  }
0x73: {  	[sflag:s9] =	ssyncset.done $0x0  }
0x74: {  	s0 =	rddreg [dreg:$0x6];
	[sflag:s9] =	ssyncadd.s32 $0xFFFFC000  }
0x75: {  	[hbm4b:s0+s2] =	stream.linear.scatter [tilespmem:s7], [sflag:$0x8], $0x4000, $0x38;
	[tilespmem:$0x18400] =	vst v63  }
0x76: {  	_ = 	snop  }
0x77: {  	[tilespmem:s15], [sflag:$0x6] =	stream.indirect.gather [hbm4b:s3+s13], $0x80, s26, s13, $0xb8;
	[tilespmem:$0x18400] =	vst v63  }
0x78: {  	_ =	swait.ge [sflag:s25], $0x4000  }
0x79: {  	[sflag:s25] =	ssyncset.done $0x0  }
0x7a: {  	s0 =	rddreg [dreg:$0x7];
	[sflag:s25] =	ssyncadd.s32 $0xFFFFC000  }
0x7b: {  	[hbm4b:s0+s2] =	stream.linear.scatter [tilespmem:s20], [sflag:$0x9], $0x4000, $0x38;
	[tilespmem:$0x18400] =	vst v63  }
0x7c: {  	_ =	swait.ge [sflag:s5], $0x4000  }
0x7d: {  	[sflag:s5] =	ssyncset.done $0x0  }
0x7e: {  	[sflag:s5] =	ssyncadd.s32 $0xFFFFC000  }
0x7f: {  	[tilespmem:s8], [sflag:$0x1] =	stream.indirect.gather [hbm4b:s3+s13], $0x80, s24, s13, $0xb8;
	[tilespmem:$0x18400] =	vst v63  }
0x80: {  	_ =	swait.ge [sflag:s23], $0x4000  }
0x81: {  	[sflag:s23] =	ssyncset.done $0x0  }
0x82: {  	s0 =	rddreg [dreg:$0x8];
	[sflag:s23] =	ssyncadd.s32 $0xFFFFC000  }
0x83: {  	[hbm4b:s0+s2] =	stream.linear.scatter [tilespmem:s18], [sflag:$0xA], $0x4000, $0x38;
	[tilespmem:$0x18400] =	vst v63  }
0x84: {  	_ =	swait.ge [sflag:s6], $0x4000  }
0x85: {  	[sflag:s6] =	ssyncset.done $0x0  }
0x86: {  	[sflag:s6] =	ssyncadd.s32 $0xFFFFC000  }
0x87: {  	[tilespmem:s7], [sflag:$0x2] =	stream.indirect.gather [hbm4b:s3+s13], $0x80, s21, s13, $0xb8;
	[tilespmem:$0x18400] =	vst v63  }
0x88: {  	_ =	swait.ge [sflag:s22], $0x4000  }
0x89: {  	[sflag:s22] =	ssyncset.done $0x0  }
0x8a: {  	s0 =	rddreg [dreg:$0x9];
	[sflag:s22] =	ssyncadd.s32 $0xFFFFC000  }
0x8b: {  	[hbm4b:s0+s2] =	stream.linear.scatter [tilespmem:s17], [sflag:$0xB], $0x4000, $0x38;
	[tilespmem:$0x18400] =	vst v63  }
0x8c: {  	_ =	swait.ge [sflag:s19], $0x4000  }
0x8d: {  	[sflag:s19] =	ssyncset.done $0x0  }
0x8e: {  	s0 =	rddreg [dreg:$0xa];
	[sflag:s19] =	ssyncadd.s32 $0xFFFFC000  }
0x8f: {  	[hbm4b:s0+s2] =	stream.linear.scatter [tilespmem:s15], [sflag:$0xC], $0x4000, $0x38;
	[tilespmem:$0x18400] =	vst v63  }
0x90: {  	_ =	swait.ge [sflag:s10], $0x4000  }
0x91: {  	[sflag:s10] =	ssyncset.done $0x0  }
0x92: {  	s0 =	rddreg [dreg:$0xb];
	[sflag:s10] =	ssyncadd.s32 $0xFFFFC000  }
0x93: {  	[hbm4b:s0+s2] =	stream.linear.scatter [tilespmem:s8], [sflag:$0x7], $0x4000, $0x38;
	[tilespmem:$0x18400] =	vst v63  }
0x94: {  	_ =	swait.ge [sflag:s9], $0x4000  }
0x95: {  	[sflag:s9] =	ssyncset.done $0x0  }
0x96: {  	[sflag:s9] =	ssyncadd.s32 $0xFFFFC000  }
0x97: {  	[hbm4b:s4+s2] =	stream.linear.scatter [tilespmem:s7], [sflag:$0x8], $0x4000, $0x38;
	[tilespmem:$0x18400] =	vst v63  }
0x98: {  	_ =	swait.ge [sflag:s16], $0x4000  }
0x99: {  	[sflag:s16] =	ssyncset.done $0x0  }
0x9a: {  	[sflag:s16] =	ssyncadd.s32 $0xFFFFC000  }
0x9b: {  	_ =	swait.ge [sflag:s14], $0x4000  }
0x9c: {  	[sflag:s14] =	ssyncset.done $0x0  }
0x9d: {  	[sflag:s14] =	ssyncadd.s32 $0xFFFFC000  }
0x9e: {  	_ =	swait.ge [sflag:s12], $0x4000  }
0x9f: {  	[sflag:s12] =	ssyncset.done $0x0  }
0xa0: {  	[sflag:s12] =	ssyncadd.s32 $0xFFFFC000  }
0xa1: {  	_ =	swait.ge [sflag:s11], $0x4000  }
0xa2: {  	[sflag:s11] =	ssyncset.done $0x0  }
0xa3: {  	p1 =	sne.s32 s1, $0x1;
	[sflag:s11] =	ssyncadd.s32 $0xFFFFC000  }
.Ltmp2:
0xa4: {  	_ =	swait.ge [sflag:s5], $0x4000;
	(pc) =	sbr.rel @p1 .LBB2_2-.Ltmp2, $4  }
0xa5: {  	[sflag:s5] =	ssyncset.done $0x0  }
0xa6: {  	[sflag:s5] =	ssyncadd.s32 $0xFFFFC000  }
0xa7: {  	_ =	swait.ge [sflag:s6], $0x4000  }
0xa8: {  	s1 =	sadd.s32 $0xFFFFFFFF, s1;
	s0 =	rddreg [dreg:$0x4];
	[sflag:s6] =	ssyncset.done $0x0  }
.LBB2_3:
0xa9: {  	[sflag:s6] =	ssyncadd.s32 @p0 $0xFFFFC000  }
0xaa: {  	[tilespmem:s2], [sflag:$0xD] =	stream.linear.gather [hbm4b:s0+s2], $0x400, $0x38;
	[tilespmem:$0x18400] =	vst v63  }
0xab: {  	_ =	swait.ge [sflag:s29], $0x400  }
0xac: {  	[sflag:s29] =	ssyncset.done $0x0  }
0xad: {  	[sflag:s29] =	ssyncadd.s32 $0xFFFFFC00  }
0xae: {  	[tilespmem:s8], [sflag:$0x1] =	stream.indirect.gather [hbm4b:s3+s13], $0x80, s2, s13, $0xb8;
	[tilespmem:$0x18400] =	vst v63  }
0xaf: {  	_ = 	snop  }
0xb0: {  	[tilespmem:s7], [sflag:$0x2] =	stream.indirect.gather [hbm4b:s3+s13], $0x80, s13, s13, $0xb8;
	[tilespmem:$0x18400] =	vst v63  }
0xb1: {  	_ = 	snop  }
0xb2: {  	[tilespmem:s20], [sflag:$0x3] =	stream.indirect.gather [hbm4b:s3+s13], $0x80, s30, s13, $0xb8;
	[tilespmem:$0x18400] =	vst v63  }
0xb3: {  	_ = 	snop  }
0xb4: {  	[tilespmem:s18], [sflag:$0x4] =	stream.indirect.gather [hbm4b:s3+s13], $0x80, s31, s13, $0xb8;
	[tilespmem:$0x18400] =	vst v63  }
0xb5: {  	_ =	swait.ge [sflag:s10], $0x4000  }
0xb6: {  	[sflag:s10] =	ssyncset.done $0x0  }
0xb7: {  	s30 =	rddreg [dreg:$0x5];
	[sflag:s10] =	ssyncadd.s32 $0xFFFFC000  }
0xb8: {  	[hbm4b:s30+s2] =	stream.linear.scatter [tilespmem:s8], [sflag:$0x7], $0x4000, $0x38;
	[tilespmem:$0x18400] =	vst v63  }
0xb9: {  	_ = 	snop  }
0xba: {  	[tilespmem:s17], [sflag:$0x5] =	stream.indirect.gather [hbm4b:s3+s13], $0x80, s28, s13, $0xb8;
	[tilespmem:$0x18400] =	vst v63  }
0xbb: {  	_ =	swait.ge [sflag:s9], $0x4000  }
0xbc: {  	[sflag:s9] =	ssyncset.done $0x0  }
0xbd: {  	s31 =	rddreg [dreg:$0x6];
	[sflag:s9] =	ssyncadd.s32 $0xFFFFC000  }
0xbe: {  	[hbm4b:s31+s2] =	stream.linear.scatter [tilespmem:s7], [sflag:$0x8], $0x4000, $0x38;
	[tilespmem:$0x18400] =	vst v63  }
0xbf: {  	_ = 	snop  }
0xc0: {  	[tilespmem:s15], [sflag:$0x6] =	stream.indirect.gather [hbm4b:s3+s13], $0x80, s26, s13, $0xb8;
	[tilespmem:$0x18400] =	vst v63  }
0xc1: {  	_ =	swait.ge [sflag:s25], $0x4000  }
0xc2: {  	[sflag:s25] =	ssyncset.done $0x0  }
0xc3: {  	s1 =	rddreg [dreg:$0x7];
	[sflag:s25] =	ssyncadd.s32 $0xFFFFC000  }
0xc4: {  	[hbm4b:s1+s2] =	stream.linear.scatter [tilespmem:s20], [sflag:$0x9], $0x4000, $0x38;
	[tilespmem:$0x18400] =	vst v63  }
0xc5: {  	_ =	swait.ge [sflag:s5], $0x4000  }
0xc6: {  	[sflag:s5] =	ssyncset.done $0x0  }
0xc7: {  	[sflag:s5] =	ssyncadd.s32 $0xFFFFC000  }
0xc8: {  	[tilespmem:s8], [sflag:$0x1] =	stream.indirect.gather [hbm4b:s3+s13], $0x80, s24, s13, $0xb8;
	[tilespmem:$0x18400] =	vst v63  }
0xc9: {  	_ =	swait.ge [sflag:s23], $0x4000  }
0xca: {  	[sflag:s23] =	ssyncset.done $0x0  }
0xcb: {  	s26 =	rddreg [dreg:$0x8];
	[sflag:s23] =	ssyncadd.s32 $0xFFFFC000  }
0xcc: {  	[hbm4b:s26+s2] =	stream.linear.scatter [tilespmem:s18], [sflag:$0xA], $0x4000, $0x38;
	[tilespmem:$0x18400] =	vst v63  }
0xcd: {  	_ =	swait.ge [sflag:s6], $0x4000  }
0xce: {  	[sflag:s6] =	ssyncset.done $0x0  }
0xcf: {  	[sflag:s6] =	ssyncadd.s32 $0xFFFFC000  }
0xd0: {  	[tilespmem:s7], [sflag:$0x2] =	stream.indirect.gather [hbm4b:s3+s13], $0x80, s21, s13, $0xb8;
	[tilespmem:$0x18400] =	vst v63  }
0xd1: {  	_ =	swait.ge [sflag:s22], $0x4000  }
0xd2: {  	[sflag:s22] =	ssyncset.done $0x0  }
0xd3: {  	s28 =	rddreg [dreg:$0x9];
	[sflag:s22] =	ssyncadd.s32 $0xFFFFC000  }
0xd4: {  	[hbm4b:s28+s2] =	stream.linear.scatter [tilespmem:s17], [sflag:$0xB], $0x4000, $0x38;
	[tilespmem:$0x18400] =	vst v63  }
0xd5: {  	_ =	swait.ge [sflag:s19], $0x4000  }
0xd6: {  	[sflag:s19] =	ssyncset.done $0x0  }
0xd7: {  	s29 =	rddreg [dreg:$0xa];
	[sflag:s19] =	ssyncadd.s32 $0xFFFFC000  }
0xd8: {  	[hbm4b:s29+s2] =	stream.linear.scatter [tilespmem:s15], [sflag:$0xC], $0x4000, $0x38;
	[tilespmem:$0x18400] =	vst v63  }
0xd9: {  	_ =	swait.ge [sflag:s10], $0x4000  }
0xda: {  	[sflag:s10] =	ssyncset.done $0x0  }
0xdb: {  	s30 =	rddreg [dreg:$0xb];
	[sflag:s10] =	ssyncadd.s32 $0xFFFFC000  }
0xdc: {  	[hbm4b:s30+s2] =	stream.linear.scatter [tilespmem:s8], [sflag:$0x7], $0x4000, $0x38;
	[tilespmem:$0x18400] =	vst v63  }
0xdd: {  	_ =	swait.ge [sflag:s9], $0x4000  }
0xde: {  	[sflag:s9] =	ssyncset.done $0x0  }
0xdf: {  	[sflag:s9] =	ssyncadd.s32 $0xFFFFC000  }
0xe0: {  	[hbm4b:s4+s2] =	stream.linear.scatter [tilespmem:s7], [sflag:$0x8], $0x4000, $0x38;
	[tilespmem:$0x18400] =	vst v63  }
0xe1: {  	_ =	swait.ge [sflag:s16], $0x4000  }
0xe2: {  	[sflag:s16] =	ssyncset.done $0x0  }
0xe3: {  	[sflag:s16] =	ssyncadd.s32 $0xFFFFC000  }
0xe4: {  	_ =	swait.ge [sflag:s14], $0x4000  }
0xe5: {  	[sflag:s14] =	ssyncset.done $0x0  }
0xe6: {  	[sflag:s14] =	ssyncadd.s32 $0xFFFFC000  }
0xe7: {  	_ =	swait.ge [sflag:s12], $0x4000  }
0xe8: {  	[sflag:s12] =	ssyncset.done $0x0  }
0xe9: {  	[sflag:s12] =	ssyncadd.s32 $0xFFFFC000  }
0xea: {  	_ =	swait.ge [sflag:s11], $0x4000  }
0xeb: {  	[sflag:s11] =	ssyncset.done $0x0  }
0xec: {  	[sflag:s11] =	ssyncadd.s32 $0xFFFFC000  }
0xed: {  	_ =	swait.ge [sflag:s5], $0x4000  }
0xee: {  	[sflag:s5] =	ssyncset.done $0x0  }
0xef: {  	[sflag:s5] =	ssyncadd.s32 $0xFFFFC000  }
0xf0: {  	_ =	swait.ge [sflag:s6], $0x4000  }
0xf1: {  	[sflag:s6] =	ssyncset.done $0x0  }
0xf2: {  	[sflag:s6] =	ssyncadd.s32 $0xFFFFC000  }
0xf3: {  	_ =	sfence.sel $0x180000  }
0xf4: {  	[bflag:$0x0] =	sbarrier.arrive $0xFFFF  }
0xf5: {  	_ =	strace $0x90000047  }
0xf6: {  	s31 =	stileid.u32;
	[bflag:$0x2] =	sbarrier.arrive $0xFFFF  }
0xf7: {  	p0 =	sne.s32 s31, $0x0;
	s0 =	rddreg [dreg:$0x3]  }
0xf8: {  	s0 =	sadd.s32 @!p0 $0x100000, s0  }
0xf9: {  	[sflag:s0] =	ssyncadd.tile.s32 @!p0 $0x1;
	_ =	shalt  }
.Lfunc_end2:
_tile_overlayer_lowered:
.L_overlay_start_2:
0xfa: {  	(tag) =	ssettag $0x2  }
0xfb: {  	s0 =	rddreg [dreg:$0x0];
	s2 =	stileid.u32  }
0xfc: {  	s1 =	rddreg [dreg:$0x1];
	p0 =	sne.s32 s2, $0x0  }
0xfd: {  	s3 =	rddreg [dreg:$0x2];
	[bflag:$0x3] =	sbarrier.arrive $0xFFFF;
	s2 =	simm.s32 @!p0 $0x1C0D  }
0xfe: {  	[timem:s3], [sflag:s2] =	dma.local @!p0 [hbm:s0], s1  }
0xff: {  	s0 =	simm.s32 @!p0 $0xD  }
0x100: {  	_ =	swait.ge @!p0 [sflag:s0], s1  }
0x101: {  	s1 =	ssub.s32 @!p0 $0x0, s1;
	[sflag:s0] =	ssyncset.done @!p0 $0x0  }
0x102: {  	[sflag:s0] =	ssyncadd.s32 @!p0 s1  }
0x103: {  	[bflag:$0x3] =	sbarrier.arrive $0xFFFF  }
0x104: {  	_ =	shalt  }

</sc_bundles>
